<compile_context>
chip_gen: v7x
topology: tpu7x:2x2x1
jax: 0.10.2.dev20260603
libtpu: 0.0.44.dev20260713+nightly
codegen_flags: <defaults>
</compile_context>

<pallas_src>
import functools

import jax
import jax.numpy as jnp
from jax import lax
from jax.experimental import pallas as pl
from jax.experimental.pallas import tpu as pltpu
from jax.experimental.pallas import tpu_sc as plsc

_N = 10000
_E = 320000
_CH = 128
_G = 16
_NC = 2
_NS = 16
_NW = _NC * _NS
_CHUNK = 80
_CPT = _E // _NW
_NCH = _CPT // _CHUNK
_NB = 2
_ROWS_PT = 624
_ROWS_REM = _N - _ROWS_PT * _NS

_F32 = jnp.float32


def _mesh():
    return plsc.VectorSubcoreMesh(core_axis_name="c", subcore_axis_name="s")


def _stripe_copy(src_of, dst_of, s):
    pltpu.sync_copy(src_of(s * _ROWS_PT, _ROWS_PT), dst_of(s * _ROWS_PT, _ROWS_PT))

    @pl.when(s == _NS - 1)
    def _tail():
        pltpu.sync_copy(src_of(_ROWS_PT * _NS, _ROWS_REM),
                        dst_of(_ROWS_PT * _NS, _ROWS_REM))


def _sc_degree(dst32, ones_rows, zeros_pad):
    @functools.partial(
        pl.kernel,
        out_type=jax.ShapeDtypeStruct((_NC, _N, _CH), _F32),
        mesh=_mesh(),
        scratch_types=[
            pltpu.VMEM((_NCH, _CHUNK), jnp.int32),
            pltpu.VMEM((_CHUNK, _CH), _F32),
            pltpu.VMEM_SHARED((_N, _CH), _F32),
        ],
    )
    def deg_kernel(dst_hbm, ones_hbm, z_hbm, out_hbm, idx_v, ones_v, acc_sh):
        c = lax.axis_index("c")
        s = lax.axis_index("s")

        _stripe_copy(lambda b, n: z_hbm.at[pl.ds(0, n)],
                     lambda b, n: acc_sh.at[pl.ds(b, n)], s)
        pltpu.sync_copy(dst_hbm.at[s * _NC + c], idx_v)
        pltpu.sync_copy(ones_hbm, ones_v)
        plsc.subcore_barrier()

        @pl.loop(0, _NCH)
        def _scat(j):
            pltpu.sync_copy(ones_v, acc_sh.at[idx_v.at[j]], add=True)

        plsc.subcore_barrier()
        _stripe_copy(lambda b, n: acc_sh.at[pl.ds(b, n)],
                     lambda b, n: out_hbm.at[c, pl.ds(b, n)], s)

    return deg_kernel(dst32, ones_rows, zeros_pad)


def _sc_propagate(u, src_flat, dst32, zeros_pad):
    @functools.partial(
        pl.kernel,
        out_type=jax.ShapeDtypeStruct((_NC, _N, _CH), _F32),
        mesh=_mesh(),
        scratch_types=[
            pltpu.VMEM((_CPT,), jnp.int32),
            pltpu.VMEM((_NCH, _CHUNK), jnp.int32),
        ] + [pltpu.VMEM((_CHUNK, _CH), _F32) for _ in range(_NB)] + [
            pltpu.VMEM_SHARED((_N, _CH), _F32),
        ] + [pltpu.SemaphoreType.DMA for _ in range(_NB)],
    )
    def prop_kernel(u_hbm, src_hbm, dst_hbm, z_hbm, out_hbm,
                    idx_s, idx_d, *rest):
        rows = rest[:_NB]
        acc_sh = rest[_NB]
        sems = rest[_NB + 1:]
        c = lax.axis_index("c")
        s = lax.axis_index("s")
        wid = s * _NC + c

        _stripe_copy(lambda b, n: z_hbm.at[pl.ds(0, n)],
                     lambda b, n: acc_sh.at[pl.ds(b, n)], s)
        pltpu.sync_copy(src_hbm.at[wid], idx_s)
        pltpu.sync_copy(dst_hbm.at[wid], idx_d)

        def _gather(j, b):
            pltpu.async_copy(u_hbm.at[idx_s.at[pl.ds(j * _CHUNK, _CHUNK)]],
                             rows[b], sems[b])

        def _wait(b):
            pltpu.make_async_copy(u_hbm.at[idx_s.at[pl.ds(0, _CHUNK)]],
                                  rows[b], sems[b]).wait()

        for b in range(_NB):
            _gather(b, b)
        plsc.subcore_barrier()

        @pl.loop(0, _NCH // _NB)
        def _ring(r):
            for b in range(_NB):
                j = r * _NB + b
                _wait(b)
                pltpu.sync_copy(rows[b], acc_sh.at[idx_d.at[j]], add=True)

                @pl.when(j + _NB < _NCH)
                def _reissue():
                    _gather(j + _NB, b)

        for t in range(_NCH % _NB):
            _wait(t)
            pltpu.sync_copy(rows[t],
                            acc_sh.at[idx_d.at[_NCH - _NCH % _NB + t]],
                            add=True)

        plsc.subcore_barrier()
        _stripe_copy(lambda b, n: acc_sh.at[pl.ds(b, n)],
                     lambda b, n: out_hbm.at[c, pl.ds(b, n)], s)

    return prop_kernel(u, src_flat, dst32, zeros_pad)


def _dot(a, b):
    return jax.lax.dot_general(
        a, b, (((1,), (0,)), ((), ())),
        precision=jax.lax.Precision.DEFAULT, preferred_element_type=_F32)


def _bn_cols(z, gamma, beta):
    mu = jnp.mean(z, axis=0, keepdims=True)
    var = jnp.mean((z - mu) * (z - mu), axis=0, keepdims=True)
    return (z - mu) * jax.lax.rsqrt(var + 1e-5) * gamma + beta


def _tc_prologue(x, lap_pe, degp, Wn, bn, gl, bel, Wl, bl, W0):
    def body(x_r, lap_r, degp_r, Wn_r, bn_r, gl_r, bel_r, Wl_r, bl_r, W0_r,
             u_ref, dinv_ref):
        deg = 1.0 + degp_r[0, :, 0:1] + degp_r[1, :, 0:1]
        dinv = jax.lax.rsqrt(deg)
        dinv_ref[...] = dinv
        xn = _dot(x_r[...], Wn_r[...]) + bn_r[...]
        lap = _bn_cols(lap_r[...], gl_r[...], bel_r[...])
        lap = _dot(lap, Wl_r[...]) + bl_r[...]
        h = jnp.concatenate([xn, lap], axis=1)
        u_ref[...] = _dot(h, W0_r[...]) * dinv

    return pl.pallas_call(
        body,
        out_shape=[
            jax.ShapeDtypeStruct((_N, _CH), _F32),
            jax.ShapeDtypeStruct((_N, 1), _F32),
        ],
    )(x, lap_pe, degp, Wn, bn, gl, bel, Wl, bl, W0)


def _tc_layer(acc_split, u, dinv, b_prev, W_next):
    def body(acc_r, u_r, dinv_r, b_r, W_r, out_ref):
        dinv = dinv_r[...]
        w = acc_r[0] + acc_r[1] + u_r[...]
        h = jnp.maximum(dinv * w + b_r[...], 0.0)
        out_ref[...] = _dot(h, W_r[...]) * dinv

    return pl.pallas_call(
        body,
        out_shape=jax.ShapeDtypeStruct((_N, _CH), _F32),
    )(acc_split, u, dinv, b_prev, W_next)


def _gelu(z):
    return z * 0.5 * (1.0 + jax.lax.erf(z * (2.0 ** -0.5)))


def _tc_final(acc_split, u, dinv, b_prev, batch2d,
              Wn1, bn1, gn1, ben1, Wn2, bn2, Wg1, bg1, gg1, beg1, Wg2, bg2):
    def body(acc_r, u_r, dinv_r, b_r, batch_r,
             Wn1_r, bn1_r, gn1_r, ben1_r, Wn2_r, bn2_r,
             Wg1_r, bg1_r, gg1_r, beg1_r, Wg2_r, bg2_r,
             node_ref, glob_ref):
        dinv = dinv_r[...]
        w = acc_r[0] + acc_r[1] + u_r[...]
        h = jnp.maximum(dinv * w + b_r[...], 0.0)
        z = _dot(h, Wn1_r[...]) + bn1_r[...]
        z = _bn_cols(z, gn1_r[...], ben1_r[...])
        node_ref[...] = _dot(_gelu(z), Wn2_r[...]) + bn2_r[...]
        gids = jax.lax.broadcasted_iota(jnp.int32, (_N, _G), 1)
        oh = (batch_r[...] == gids).astype(_F32)
        counts = jnp.sum(oh, axis=0, keepdims=True)
        sums = jax.lax.dot_general(
            oh, h, (((0,), (0,)), ((), ())),
            precision=jax.lax.Precision.HIGHEST, preferred_element_type=_F32)
        gf = sums / jnp.maximum(counts, 1.0).reshape(_G, 1)
        g = _dot(gf, Wg1_r[...]) + bg1_r[...]
        g = _bn_cols(g, gg1_r[...], beg1_r[...])
        glob_ref[...] = _dot(_gelu(g), Wg2_r[...]) + bg2_r[...]

    return pl.pallas_call(
        body,
        out_shape=[
            jax.ShapeDtypeStruct((_N, 2), _F32),
            jax.ShapeDtypeStruct((_G, 2), _F32),
        ],
    )(acc_split, u, dinv, b_prev, batch2d,
      Wn1, bn1, gn1, ben1, Wn2, bn2, Wg1, bg1, gg1, beg1, Wg2, bg2)


def kernel(x, edge_index, batch, lap_pe, params):
    p = params
    src_flat = edge_index[0].reshape(_NW, _CPT)
    dst32 = edge_index[1].reshape(_NW, _NCH, _CHUNK)
    ones_rows = jnp.ones((_CHUNK, _CH), _F32)
    zeros_pad = jnp.zeros((_ROWS_PT, _CH), _F32)
    row = lambda v: v.reshape(1, -1)

    degp = _sc_degree(dst32, ones_rows, zeros_pad)[:, :, :8]
    u, dinv = _tc_prologue(
        x, lap_pe, degp,
        p["W_node"], row(p["b_node"]), row(p["g_lap"]), row(p["be_lap"]),
        p["W_lap"], row(p["b_lap"]), p["convW"][0])
    for i in range(1, 3):
        acc = _sc_propagate(u, src_flat, dst32, zeros_pad)
        u = _tc_layer(acc, u, dinv, row(p["convb"][i - 1]), p["convW"][i])
    acc = _sc_propagate(u, src_flat, dst32, zeros_pad)
    node_pred, global_pred = _tc_final(
        acc, u, dinv, row(p["convb"][2]), batch.reshape(_N, 1),
        p["Wn1"], row(p["bn1"]), row(p["gn1"]), row(p["ben1"]),
        p["Wn2"], row(p["bn2"]),
        p["Wg1"], row(p["bg1"]), row(p["gg1"]), row(p["beg1"]),
        p["Wg2"], row(p["bg2"]))
    return node_pred, global_pred

# --- scband reference (transcript-rebuilt; emitter-appended) ---
"""Pipeline reference for scband-graph-gdp-gcn-79766132621914 (READ-ONLY COPY).

The authoritative reference and input builder live on the scoring server;
editing this copy changes nothing except your own understanding.
"""

import jax, jax.numpy as jnp
import numpy as np

N = 10000
E = 320000
NODE_DIM = 128
CHANNELS = 128
PE_DIM = 16
NUM_LAYERS = 3
NUM_GRAPHS = 16


def _bn(x, gamma, beta, eps=1e-5):
    mu = jnp.mean(x, axis=0)
    var = jnp.var(x, axis=0)
    return (x - mu) / jnp.sqrt(var + eps) * gamma + beta


def setup_inputs(seed: int = 0):
    key = jax.random.key(seed)
    ks = jax.random.split(key, 16)
    x = jax.random.normal(ks[0], (N, NODE_DIM), dtype=jnp.float32)
    edge_index = jax.random.randint(ks[1], (2, E), 0, N, dtype=jnp.int32)
    batch = jnp.sort(jax.random.randint(ks[2], (N,), 0, NUM_GRAPHS, dtype=jnp.int32))
    lap_pe = jax.random.normal(ks[3], (N, PE_DIM), dtype=jnp.float32)
    s = 0.05
    emb_out = CHANNELS - PE_DIM
    params = {
        "W_node": jax.random.normal(ks[4], (NODE_DIM, emb_out), dtype=jnp.float32) * s,
        "b_node": jnp.zeros((emb_out,), jnp.float32),
        "g_lap": jnp.ones((PE_DIM,), jnp.float32),
        "be_lap": jnp.zeros((PE_DIM,), jnp.float32),
        "W_lap": jax.random.normal(ks[5], (PE_DIM, PE_DIM), dtype=jnp.float32) * s,
        "b_lap": jnp.zeros((PE_DIM,), jnp.float32),
        "convW": [jax.random.normal(ks[6 + i], (CHANNELS, CHANNELS), dtype=jnp.float32) * s for i in range(NUM_LAYERS)],
        "convb": [jnp.zeros((CHANNELS,), jnp.float32) for _ in range(NUM_LAYERS)],
        "Wn1": jax.random.normal(ks[10], (CHANNELS, CHANNELS // 2), dtype=jnp.float32) * s,
        "bn1": jnp.zeros((CHANNELS // 2,), jnp.float32),
        "gn1": jnp.ones((CHANNELS // 2,), jnp.float32),
        "ben1": jnp.zeros((CHANNELS // 2,), jnp.float32),
        "Wn2": jax.random.normal(ks[11], (CHANNELS // 2, 2), dtype=jnp.float32) * s,
        "bn2": jnp.zeros((2,), jnp.float32),
        "Wg1": jax.random.normal(ks[12], (CHANNELS, CHANNELS // 2), dtype=jnp.float32) * s,
        "bg1": jnp.zeros((CHANNELS // 2,), jnp.float32),
        "gg1": jnp.ones((CHANNELS // 2,), jnp.float32),
        "beg1": jnp.zeros((CHANNELS // 2,), jnp.float32),
        "Wg2": jax.random.normal(ks[13], (CHANNELS // 2, 2), dtype=jnp.float32) * s,
        "bg2": jnp.zeros((2,), jnp.float32),
    }
    return {"x": x, "edge_index": edge_index, "batch": batch, "lap_pe": lap_pe, "params": params}


def _forward(x, lap_pe, params, edge_index, batch):
    n = x.shape[0]
    # node embedding
    x_node = x @ params["W_node"] + params["b_node"]
    # LapPE branch: BatchNorm1d (training-mode batch stats) + Linear
    lap = _bn(lap_pe, params["g_lap"], params["be_lap"])
    lap = lap @ params["W_lap"] + params["b_lap"]
    h = jnp.concatenate([x_node, lap], axis=1)
    # GCNConv stack with self loops and symmetric normalization
    loop = jnp.arange(n, dtype=edge_index.dtype)
    src = jnp.concatenate([edge_index[0], loop])
    dst = jnp.concatenate([edge_index[1], loop])
    deg = jax.ops.segment_sum(jnp.ones(src.shape[0], h.dtype), dst, num_segments=n)
    dinv = jnp.where(deg > 0, 1.0 / jnp.sqrt(jnp.maximum(deg, 1e-12)), 0.0)
    norm = dinv[src] * dinv[dst]
    for W, b in zip(params["convW"], params["convb"]):
        hw = h @ W
        msg = hw[src] * norm[:, None]
        h = jax.ops.segment_sum(msg, dst, num_segments=n) + b
        h = jax.nn.relu(h)
    # node regression head: Linear -> BN -> GELU -> Linear (dropout = identity, eval)
    z = h @ params["Wn1"] + params["bn1"]
    z = _bn(z, params["gn1"], params["ben1"])
    z = jax.nn.gelu(z, approximate=False)
    node_pred = z @ params["Wn2"] + params["bn2"]
    # per-graph mean pooling (if_pool=False branch)
    ones = jnp.ones((n,), h.dtype)
    counts = jax.ops.segment_sum(ones, batch, num_segments=NUM_GRAPHS)
    sums = jax.ops.segment_sum(h, batch, num_segments=NUM_GRAPHS)
    gf = sums / jnp.maximum(counts, 1.0)[:, None]
    g = gf @ params["Wg1"] + params["bg1"]
    g = _bn(g, params["gg1"], params["beg1"])
    g = jax.nn.gelu(g, approximate=False)
    global_pred = g @ params["Wg2"] + params["bg2"]
    return node_pred, global_pred


def reference(x, edge_index, batch, lap_pe, params):
    return _forward(x, lap_pe, params, edge_index, batch)

if __name__ == "__main__":
    import jax
    _d = setup_inputs()
    print(jax.jit(kernel)(*tuple(_d.values())))

</pallas_src>

<mosaic_0001>
#map = affine_map<(d0, d1) -> (0, 0)>
#map1 = affine_map<(d0, d1) -> (0, 0, 0)>
module attributes {stable_mosaic.version = 14 : i64} {
  func.func @prop_kernel(%arg0: i32, %arg1: i32, %arg2: memref<10000x128xf32, #tpu.memory_space<hbm>>, %arg3: memref<32x10000xi32, #tpu.memory_space<hbm>>, %arg4: memref<32x125x80xi32, #tpu.memory_space<hbm>>, %arg5: memref<624x128xf32, #tpu.memory_space<hbm>>, %arg6: memref<2x10000x128xf32, #tpu.memory_space<hbm>>, %arg7: memref<10000xi32, #tpu.memory_space<vmem>>, %arg8: memref<125x80xi32, #tpu.memory_space<vmem>>, %arg9: memref<80x128xf32, #tpu.memory_space<vmem>>, %arg10: memref<80x128xf32, #tpu.memory_space<vmem>>, %arg11: memref<10000x128xf32, #tpu.memory_space<vmem_shared>>, %arg12: memref<!tpu.dma_semaphore, #tpu.memory_space<semaphore_mem>>, %arg13: memref<!tpu.dma_semaphore, #tpu.memory_space<semaphore_mem>>) attributes {dimension_semantics = [#tpu.dimension_semantics<core_parallel>, #tpu.dimension_semantics<subcore_parallel>], iteration_bounds = array<i64: 2, 16>, scalar_prefetch = 0 : i64, scratch_operands = 7 : i64, tpu.core_type = #tpu.core_type<sc_vector_subcore>, window_params = [{transform_indices = #map}, {transform_indices = #map}, {transform_indices = #map1}, {transform_indices = #map}, {transform_indices = #map1}]} {
    %mul3A = arith.constant 2 : i32
    %mul3A_0 = arith.muli %arg1, %mul3A : i32
    %add3A = arith.addi %mul3A_0, %arg0 : i32
    %mul3A_1 = arith.constant 624 : i32
    %mul3A_2 = arith.muli %arg1, %mul3A_1 : i32
    %mul3A_3 = arith.constant 624 : i32
    %mul3A_4 = arith.muli %arg1, %mul3A_3 : i32
    "tpu.region"() ({
      %run_scoped3A_34 = tpu.sem_alloc : memref<!tpu.dma_semaphore, #tpu.memory_space<semaphore_mem>>
      %dma_start3A_35 = arith.constant 0 : i32
      %dma_start3A_36 = tpu.memref_slice %arg11[%mul3A_4, %dma_start3A_35] : memref<10000x128xf32, #tpu.memory_space<vmem_shared>> -> memref<624x128xf32, #tpu.memory_space<vmem_shared>>
      %dma_start3A_37 = arith.constant 0 : i32
      %dma_start3A_38 = arith.constant 0 : i32
      %dma_start3A_39 = tpu.memref_slice %arg5[%dma_start3A_37, %dma_start3A_38] : memref<624x128xf32, #tpu.memory_space<hbm>> -> memref<624x128xf32, #tpu.memory_space<hbm>>
      tpu.enqueue_dma source(%dma_start3A_39 : memref<624x128xf32, #tpu.memory_space<hbm>>) target(%dma_start3A_36 : memref<624x128xf32, #tpu.memory_space<vmem_shared>>) target_semaphore(%run_scoped3A_34 : memref<!tpu.dma_semaphore, #tpu.memory_space<semaphore_mem>>)
      %dma_wait3A_40 = arith.constant 0 : i32
      %dma_wait3A_41 = tpu.memref_slice %arg11[%mul3A_4, %dma_wait3A_40] : memref<10000x128xf32, #tpu.memory_space<vmem_shared>> -> memref<624x128xf32, #tpu.memory_space<vmem_shared>>
      %dma_wait3A_42 = arith.constant 0 : i32
      %dma_wait3A_43 = arith.constant 0 : i32
      %dma_wait3A_44 = tpu.memref_slice %arg5[%dma_wait3A_42, %dma_wait3A_43] : memref<624x128xf32, #tpu.memory_space<hbm>> -> memref<624x128xf32, #tpu.memory_space<hbm>>
      tpu.wait_dma2 semaphore(%run_scoped3A_34 : memref<!tpu.dma_semaphore, #tpu.memory_space<semaphore_mem>>) src(%dma_wait3A_44 : memref<624x128xf32, #tpu.memory_space<hbm>>) dst(%dma_wait3A_41 : memref<624x128xf32, #tpu.memory_space<vmem_shared>>)
      tpu.yield
    }) : () -> ()
    %eq3A = arith.constant 15 : i32
    %eq3A_5 = arith.cmpi eq, %arg1, %eq3A : i32
    %convert_element_type3A = arith.extui %eq3A_5 : i1 to i32
    %cond3A = arith.constant 0 : i32
    %cond3A_6 = arith.cmpi ne, %convert_element_type3A, %cond3A : i32
    scf.if %cond3A_6 {
      "tpu.region"() ({
        %run_scoped3A_34 = tpu.sem_alloc : memref<!tpu.dma_semaphore, #tpu.memory_space<semaphore_mem>>
        %dma_start3A_35 = arith.constant 9984 : i32
        %dma_start3A_36 = arith.constant 0 : i32
        %dma_start3A_37 = tpu.memref_slice %arg11[%dma_start3A_35, %dma_start3A_36] : memref<10000x128xf32, #tpu.memory_space<vmem_shared>> -> memref<16x128xf32, #tpu.memory_space<vmem_shared>>
        %dma_start3A_38 = arith.constant 0 : i32
        %dma_start3A_39 = arith.constant 0 : i32
        %dma_start3A_40 = tpu.memref_slice %arg5[%dma_start3A_38, %dma_start3A_39] : memref<624x128xf32, #tpu.memory_space<hbm>> -> memref<16x128xf32, #tpu.memory_space<hbm>>
        tpu.enqueue_dma source(%dma_start3A_40 : memref<16x128xf32, #tpu.memory_space<hbm>>) target(%dma_start3A_37 : memref<16x128xf32, #tpu.memory_space<vmem_shared>>) target_semaphore(%run_scoped3A_34 : memref<!tpu.dma_semaphore, #tpu.memory_space<semaphore_mem>>)
        %dma_wait3A_41 = arith.constant 9984 : i32
        %dma_wait3A_42 = arith.constant 0 : i32
        %dma_wait3A_43 = tpu.memref_slice %arg11[%dma_wait3A_41, %dma_wait3A_42] : memref<10000x128xf32, #tpu.memory_space<vmem_shared>> -> memref<16x128xf32, #tpu.memory_space<vmem_shared>>
        %dma_wait3A_44 = arith.constant 0 : i32
        %dma_wait3A_45 = arith.constant 0 : i32
        %dma_wait3A_46 = tpu.memref_slice %arg5[%dma_wait3A_44, %dma_wait3A_45] : memref<624x128xf32, #tpu.memory_space<hbm>> -> memref<16x128xf32, #tpu.memory_space<hbm>>
        tpu.wait_dma2 semaphore(%run_scoped3A_34 : memref<!tpu.dma_semaphore, #tpu.memory_space<semaphore_mem>>) src(%dma_wait3A_46 : memref<16x128xf32, #tpu.memory_space<hbm>>) dst(%dma_wait3A_43 : memref<16x128xf32, #tpu.memory_space<vmem_shared>>)
        tpu.yield
      }) : () -> ()
    } else {
    }
    "tpu.region"() ({
      %run_scoped3A_34 = tpu.sem_alloc : memref<!tpu.dma_semaphore, #tpu.memory_space<semaphore_mem>>
      %dma_start3A_35 = arith.constant 0 : i32
      %dma_start3A_36 = tpu.memref_slice %arg3[%add3A, %dma_start3A_35] : memref<32x10000xi32, #tpu.memory_space<hbm>> -> memref<1x10000xi32, #tpu.memory_space<hbm>>
      %dma_start3A_37 = tpu.memref_squeeze %dma_start3A_36 : memref<1x10000xi32, #tpu.memory_space<hbm>> -> memref<10000xi32, #tpu.memory_space<hbm>>
      %dma_start3A_38 = arith.constant 0 : i32
      %dma_start3A_39 = tpu.memref_slice %arg3[%add3A, %dma_start3A_38] : memref<32x10000xi32, #tpu.memory_space<hbm>> -> memref<1x10000xi32, #tpu.memory_space<hbm>>
      %dma_start3A_40 = tpu.memref_squeeze %dma_start3A_39 : memref<1x10000xi32, #tpu.memory_space<hbm>> -> memref<10000xi32, #tpu.memory_space<hbm>>
      tpu.enqueue_dma source(%dma_start3A_40 : memref<10000xi32, #tpu.memory_space<hbm>>) target(%arg7 : memref<10000xi32, #tpu.memory_space<vmem>>) target_semaphore(%run_scoped3A_34 : memref<!tpu.dma_semaphore, #tpu.memory_space<semaphore_mem>>)
      %dma_wait3A_41 = arith.constant 0 : i32
      %dma_wait3A_42 = tpu.memref_slice %arg3[%add3A, %dma_wait3A_41] : memref<32x10000xi32, #tpu.memory_space<hbm>> -> memref<1x10000xi32, #tpu.memory_space<hbm>>
      %dma_wait3A_43 = tpu.memref_squeeze %dma_wait3A_42 : memref<1x10000xi32, #tpu.memory_space<hbm>> -> memref<10000xi32, #tpu.memory_space<hbm>>
      %dma_wait3A_44 = arith.constant 0 : i32
      %dma_wait3A_45 = tpu.memref_slice %arg3[%add3A, %dma_wait3A_44] : memref<32x10000xi32, #tpu.memory_space<hbm>> -> memref<1x10000xi32, #tpu.memory_space<hbm>>
      %dma_wait3A_46 = tpu.memref_squeeze %dma_wait3A_45 : memref<1x10000xi32, #tpu.memory_space<hbm>> -> memref<10000xi32, #tpu.memory_space<hbm>>
      tpu.wait_dma2 semaphore(%run_scoped3A_34 : memref<!tpu.dma_semaphore, #tpu.memory_space<semaphore_mem>>) src(%dma_wait3A_46 : memref<10000xi32, #tpu.memory_space<hbm>>) dst(%arg7 : memref<10000xi32, #tpu.memory_space<vmem>>)
      tpu.yield
    }) : () -> ()
    "tpu.region"() ({
      %run_scoped3A_34 = tpu.sem_alloc : memref<!tpu.dma_semaphore, #tpu.memory_space<semaphore_mem>>
      %dma_start3A_35 = arith.constant 0 : i32
      %dma_start3A_36 = arith.constant 0 : i32
      %dma_start3A_37 = tpu.memref_slice %arg4[%add3A, %dma_start3A_35, %dma_start3A_36] : memref<32x125x80xi32, #tpu.memory_space<hbm>> -> memref<1x125x80xi32, #tpu.memory_space<hbm>>
      %dma_start3A_38 = tpu.memref_squeeze %dma_start3A_37 : memref<1x125x80xi32, #tpu.memory_space<hbm>> -> memref<125x80xi32, #tpu.memory_space<hbm>>
      %dma_start3A_39 = arith.constant 0 : i32
      %dma_start3A_40 = arith.constant 0 : i32
      %dma_start3A_41 = tpu.memref_slice %arg4[%add3A, %dma_start3A_39, %dma_start3A_40] : memref<32x125x80xi32, #tpu.memory_space<hbm>> -> memref<1x125x80xi32, #tpu.memory_space<hbm>>
      %dma_start3A_42 = tpu.memref_squeeze %dma_start3A_41 : memref<1x125x80xi32, #tpu.memory_space<hbm>> -> memref<125x80xi32, #tpu.memory_space<hbm>>
      tpu.enqueue_dma source(%dma_start3A_42 : memref<125x80xi32, #tpu.memory_space<hbm>>) target(%arg8 : memref<125x80xi32, #tpu.memory_space<vmem>>) target_semaphore(%run_scoped3A_34 : memref<!tpu.dma_semaphore, #tpu.memory_space<semaphore_mem>>)
      %dma_wait3A_43 = arith.constant 0 : i32
      %dma_wait3A_44 = arith.constant 0 : i32
      %dma_wait3A_45 = tpu.memref_slice %arg4[%add3A, %dma_wait3A_43, %dma_wait3A_44] : memref<32x125x80xi32, #tpu.memory_space<hbm>> -> memref<1x125x80xi32, #tpu.memory_space<hbm>>
      %dma_wait3A_46 = tpu.memref_squeeze %dma_wait3A_45 : memref<1x125x80xi32, #tpu.memory_space<hbm>> -> memref<125x80xi32, #tpu.memory_space<hbm>>
      %dma_wait3A_47 = arith.constant 0 : i32
      %dma_wait3A_48 = arith.constant 0 : i32
      %dma_wait3A_49 = tpu.memref_slice %arg4[%add3A, %dma_wait3A_47, %dma_wait3A_48] : memref<32x125x80xi32, #tpu.memory_space<hbm>> -> memref<1x125x80xi32, #tpu.memory_space<hbm>>
      %dma_wait3A_50 = tpu.memref_squeeze %dma_wait3A_49 : memref<1x125x80xi32, #tpu.memory_space<hbm>> -> memref<125x80xi32, #tpu.memory_space<hbm>>
      tpu.wait_dma2 semaphore(%run_scoped3A_34 : memref<!tpu.dma_semaphore, #tpu.memory_space<semaphore_mem>>) src(%dma_wait3A_50 : memref<125x80xi32, #tpu.memory_space<hbm>>) dst(%arg8 : memref<125x80xi32, #tpu.memory_space<vmem>>)
      tpu.yield
    }) : () -> ()
    %dma_start3A = arith.constant 0 : i32
    %dma_start3A_7 = tpu.memref_slice %arg7[%dma_start3A] : memref<10000xi32, #tpu.memory_space<vmem>> -> memref<80xi32, #tpu.memory_space<vmem>>
    %dma_start3A_8 = arith.constant 0 : i32
    %dma_start3A_9 = arith.constant 0 : i32
    %dma_start3A_10 = tpu.memref_slice %arg2[%dma_start3A_8, %dma_start3A_9] : memref<10000x128xf32, #tpu.memory_space<hbm>> -> memref<10000x128xf32, #tpu.memory_space<hbm>>
    tpu.enqueue_indirect_dma source(%dma_start3A_10 : memref<10000x128xf32, #tpu.memory_space<hbm>>) target(%arg9 : memref<80x128xf32, #tpu.memory_space<vmem>>) offsets(%dma_start3A_7 : memref<80xi32, #tpu.memory_space<vmem>>) semaphore(%arg12 : memref<!tpu.dma_semaphore, #tpu.memory_space<semaphore_mem>>)
    %dma_start3A_11 = arith.constant 80 : i32
    %dma_start3A_12 = tpu.memref_slice %arg7[%dma_start3A_11] : memref<10000xi32, #tpu.memory_space<vmem>> -> memref<80xi32, #tpu.memory_space<vmem>>
    %dma_start3A_13 = arith.constant 0 : i32
    %dma_start3A_14 = arith.constant 0 : i32
    %dma_start3A_15 = tpu.memref_slice %arg2[%dma_start3A_13, %dma_start3A_14] : memref<10000x128xf32, #tpu.memory_space<hbm>> -> memref<10000x128xf32, #tpu.memory_space<hbm>>
    tpu.enqueue_indirect_dma source(%dma_start3A_15 : memref<10000x128xf32, #tpu.memory_space<hbm>>) target(%arg10 : memref<80x128xf32, #tpu.memory_space<vmem>>) offsets(%dma_start3A_12 : memref<80xi32, #tpu.memory_space<vmem>>) semaphore(%arg13 : memref<!tpu.dma_semaphore, #tpu.memory_space<semaphore_mem>>)
    %barrier3A = arith.constant 0 : index
    tpu.barrier barrier_id(%barrier3A)
    %scan3A = arith.constant 0 : i32
    %scan3A_16 = arith.constant 62 : i32
    %scan3A_17 = arith.addi %scan3A, %scan3A_16 : i32
    %scan3A_18 = arith.constant 1 : i32
    scf.for %scan3A_34 = %scan3A to %scan3A_17 step %scan3A_18  : i32 {
      %mul3A_35 = arith.constant 1 : i32
      %mul3A_36 = arith.muli %scan3A_34, %mul3A_35 : i32
      %add3A_37 = arith.constant 0 : i32
      %add3A_38 = arith.addi %add3A_37, %mul3A_36 : i32
      %mul3A_39 = arith.constant 2 : i32
      %mul3A_40 = arith.muli %add3A_38, %mul3A_39 : i32
      %add3A_41 = arith.constant 0 : i32
      %add3A_42 = arith.addi %mul3A_40, %add3A_41 : i32
      %dma_wait3A_43 = arith.constant 0 : i32
      %dma_wait3A_44 = tpu.memref_slice %arg7[%dma_wait3A_43] : memref<10000xi32, #tpu.memory_space<vmem>> -> memref<80xi32, #tpu.memory_space<vmem>>
      %dma_wait3A_45 = arith.constant 0 : i32
      %dma_wait3A_46 = arith.constant 0 : i32
      %dma_wait3A_47 = tpu.memref_slice %arg2[%dma_wait3A_45, %dma_wait3A_46] : memref<10000x128xf32, #tpu.memory_space<hbm>> -> memref<10000x128xf32, #tpu.memory_space<hbm>>
      tpu.wait_indirect_dma semaphore(%arg12 : memref<!tpu.dma_semaphore, #tpu.memory_space<semaphore_mem>>) src(%dma_wait3A_47 : memref<10000x128xf32, #tpu.memory_space<hbm>>) dst(%arg9 : memref<80x128xf32, #tpu.memory_space<vmem>>)
      "tpu.region"() ({
        %run_scoped3A_70 = tpu.sem_alloc : memref<!tpu.dma_semaphore, #tpu.memory_space<semaphore_mem>>
        %dma_start3A_71 = arith.constant 0 : i32
        %dma_start3A_72 = tpu.memref_slice %arg8[%add3A_42, %dma_start3A_71] : memref<125x80xi32, #tpu.memory_space<vmem>> -> memref<1x80xi32, #tpu.memory_space<vmem>>
        %dma_start3A_73 = tpu.memref_squeeze %dma_start3A_72 : memref<1x80xi32, #tpu.memory_space<vmem>> -> memref<80xi32, #tpu.memory_space<vmem>>
        %dma_start3A_74 = arith.constant 0 : i32
        %dma_start3A_75 = arith.constant 0 : i32
        %dma_start3A_76 = tpu.memref_slice %arg11[%dma_start3A_74, %dma_start3A_75] : memref<10000x128xf32, #tpu.memory_space<vmem_shared>> -> memref<10000x128xf32, #tpu.memory_space<vmem_shared>>
        tpu.enqueue_indirect_dma source(%arg9 : memref<80x128xf32, #tpu.memory_space<vmem>>) target(%dma_start3A_76 : memref<10000x128xf32, #tpu.memory_space<vmem_shared>>) offsets(%dma_start3A_73 : memref<80xi32, #tpu.memory_space<vmem>>) semaphore(%run_scoped3A_70 : memref<!tpu.dma_semaphore, #tpu.memory_space<semaphore_mem>>) {add = true}
        %dma_wait3A_77 = arith.constant 0 : i32
        %dma_wait3A_78 = tpu.memref_slice %arg8[%add3A_42, %dma_wait3A_77] : memref<125x80xi32, #tpu.memory_space<vmem>> -> memref<1x80xi32, #tpu.memory_space<vmem>>
        %dma_wait3A_79 = tpu.memref_squeeze %dma_wait3A_78 : memref<1x80xi32, #tpu.memory_space<vmem>> -> memref<80xi32, #tpu.memory_space<vmem>>
        %dma_wait3A_80 = arith.constant 0 : i32
        %dma_wait3A_81 = arith.constant 0 : i32
        %dma_wait3A_82 = tpu.memref_slice %arg11[%dma_wait3A_80, %dma_wait3A_81] : memref<10000x128xf32, #tpu.memory_space<vmem_shared>> -> memref<10000x128xf32, #tpu.memory_space<vmem_shared>>
        tpu.wait_indirect_dma semaphore(%run_scoped3A_70 : memref<!tpu.dma_semaphore, #tpu.memory_space<semaphore_mem>>) src(%arg9 : memref<80x128xf32, #tpu.memory_space<vmem>>) dst(%dma_wait3A_82 : memref<10000x128xf32, #tpu.memory_space<vmem_shared>>)
        tpu.yield
      }) : () -> ()
      %add3A_48 = arith.constant 2 : i32
      %add3A_49 = arith.addi %add3A_42, %add3A_48 : i32
      %lt3A = arith.constant 125 : i32
      %lt3A_50 = arith.cmpi slt, %add3A_49, %lt3A : i32
      %convert_element_type3A_51 = arith.extui %lt3A_50 : i1 to i32
      %cond3A_52 = arith.constant 0 : i32
      %cond3A_53 = arith.cmpi ne, %convert_element_type3A_51, %cond3A_52 : i32
      scf.if %cond3A_53 {
        %add3A_70 = arith.constant 2 : i32
        %add3A_71 = arith.addi %add3A_42, %add3A_70 : i32
        %mul3A_72 = arith.constant 80 : i32
        %mul3A_73 = arith.muli %add3A_71, %mul3A_72 : i32
        %dma_start3A_74 = tpu.memref_slice %arg7[%mul3A_73] : memref<10000xi32, #tpu.memory_space<vmem>> -> memref<80xi32, #tpu.memory_space<vmem>>
        %dma_start3A_75 = arith.constant 0 : i32
        %dma_start3A_76 = arith.constant 0 : i32
        %dma_start3A_77 = tpu.memref_slice %arg2[%dma_start3A_75, %dma_start3A_76] : memref<10000x128xf32, #tpu.memory_space<hbm>> -> memref<10000x128xf32, #tpu.memory_space<hbm>>
        tpu.enqueue_indirect_dma source(%dma_start3A_77 : memref<10000x128xf32, #tpu.memory_space<hbm>>) target(%arg9 : memref<80x128xf32, #tpu.memory_space<vmem>>) offsets(%dma_start3A_74 : memref<80xi32, #tpu.memory_space<vmem>>) semaphore(%arg12 : memref<!tpu.dma_semaphore, #tpu.memory_space<semaphore_mem>>)
      } else {
      }
      %mul3A_54 = arith.constant 2 : i32
      %mul3A_55 = arith.muli %add3A_38, %mul3A_54 : i32
      %add3A_56 = arith.constant 1 : i32
      %add3A_57 = arith.addi %mul3A_55, %add3A_56 : i32
      %dma_wait3A_58 = arith.constant 0 : i32
      %dma_wait3A_59 = tpu.memref_slice %arg7[%dma_wait3A_58] : memref<10000xi32, #tpu.memory_space<vmem>> -> memref<80xi32, #tpu.memory_space<vmem>>
      %dma_wait3A_60 = arith.constant 0 : i32
      %dma_wait3A_61 = arith.constant 0 : i32
      %dma_wait3A_62 = tpu.memref_slice %arg2[%dma_wait3A_60, %dma_wait3A_61] : memref<10000x128xf32, #tpu.memory_space<hbm>> -> memref<10000x128xf32, #tpu.memory_space<hbm>>
      tpu.wait_indirect_dma semaphore(%arg13 : memref<!tpu.dma_semaphore, #tpu.memory_space<semaphore_mem>>) src(%dma_wait3A_62 : memref<10000x128xf32, #tpu.memory_space<hbm>>) dst(%arg10 : memref<80x128xf32, #tpu.memory_space<vmem>>)
      "tpu.region"() ({
        %run_scoped3A_70 = tpu.sem_alloc : memref<!tpu.dma_semaphore, #tpu.memory_space<semaphore_mem>>
        %dma_start3A_71 = arith.constant 0 : i32
        %dma_start3A_72 = tpu.memref_slice %arg8[%add3A_57, %dma_start3A_71] : memref<125x80xi32, #tpu.memory_space<vmem>> -> memref<1x80xi32, #tpu.memory_space<vmem>>
        %dma_start3A_73 = tpu.memref_squeeze %dma_start3A_72 : memref<1x80xi32, #tpu.memory_space<vmem>> -> memref<80xi32, #tpu.memory_space<vmem>>
        %dma_start3A_74 = arith.constant 0 : i32
        %dma_start3A_75 = arith.constant 0 : i32
        %dma_start3A_76 = tpu.memref_slice %arg11[%dma_start3A_74, %dma_start3A_75] : memref<10000x128xf32, #tpu.memory_space<vmem_shared>> -> memref<10000x128xf32, #tpu.memory_space<vmem_shared>>
        tpu.enqueue_indirect_dma source(%arg10 : memref<80x128xf32, #tpu.memory_space<vmem>>) target(%dma_start3A_76 : memref<10000x128xf32, #tpu.memory_space<vmem_shared>>) offsets(%dma_start3A_73 : memref<80xi32, #tpu.memory_space<vmem>>) semaphore(%run_scoped3A_70 : memref<!tpu.dma_semaphore, #tpu.memory_space<semaphore_mem>>) {add = true}
        %dma_wait3A_77 = arith.constant 0 : i32
        %dma_wait3A_78 = tpu.memref_slice %arg8[%add3A_57, %dma_wait3A_77] : memref<125x80xi32, #tpu.memory_space<vmem>> -> memref<1x80xi32, #tpu.memory_space<vmem>>
        %dma_wait3A_79 = tpu.memref_squeeze %dma_wait3A_78 : memref<1x80xi32, #tpu.memory_space<vmem>> -> memref<80xi32, #tpu.memory_space<vmem>>
        %dma_wait3A_80 = arith.constant 0 : i32
        %dma_wait3A_81 = arith.constant 0 : i32
        %dma_wait3A_82 = tpu.memref_slice %arg11[%dma_wait3A_80, %dma_wait3A_81] : memref<10000x128xf32, #tpu.memory_space<vmem_shared>> -> memref<10000x128xf32, #tpu.memory_space<vmem_shared>>
        tpu.wait_indirect_dma semaphore(%run_scoped3A_70 : memref<!tpu.dma_semaphore, #tpu.memory_space<semaphore_mem>>) src(%arg10 : memref<80x128xf32, #tpu.memory_space<vmem>>) dst(%dma_wait3A_82 : memref<10000x128xf32, #tpu.memory_space<vmem_shared>>)
        tpu.yield
      }) : () -> ()
      %add3A_63 = arith.constant 2 : i32
      %add3A_64 = arith.addi %add3A_57, %add3A_63 : i32
      %lt3A_65 = arith.constant 125 : i32
      %lt3A_66 = arith.cmpi slt, %add3A_64, %lt3A_65 : i32
      %convert_element_type3A_67 = arith.extui %lt3A_66 : i1 to i32
      %cond3A_68 = arith.constant 0 : i32
      %cond3A_69 = arith.cmpi ne, %convert_element_type3A_67, %cond3A_68 : i32
      scf.if %cond3A_69 {
        %add3A_70 = arith.constant 2 : i32
        %add3A_71 = arith.addi %add3A_57, %add3A_70 : i32
        %mul3A_72 = arith.constant 80 : i32
        %mul3A_73 = arith.muli %add3A_71, %mul3A_72 : i32
        %dma_start3A_74 = tpu.memref_slice %arg7[%mul3A_73] : memref<10000xi32, #tpu.memory_space<vmem>> -> memref<80xi32, #tpu.memory_space<vmem>>
        %dma_start3A_75 = arith.constant 0 : i32
        %dma_start3A_76 = arith.constant 0 : i32
        %dma_start3A_77 = tpu.memref_slice %arg2[%dma_start3A_75, %dma_start3A_76] : memref<10000x128xf32, #tpu.memory_space<hbm>> -> memref<10000x128xf32, #tpu.memory_space<hbm>>
        tpu.enqueue_indirect_dma source(%dma_start3A_77 : memref<10000x128xf32, #tpu.memory_space<hbm>>) target(%arg10 : memref<80x128xf32, #tpu.memory_space<vmem>>) offsets(%dma_start3A_74 : memref<80xi32, #tpu.memory_space<vmem>>) semaphore(%arg13 : memref<!tpu.dma_semaphore, #tpu.memory_space<semaphore_mem>>)
      } else {
      }
    }
    %scan3A_19 = arith.constant 62 : i32
    %dma_wait3A = arith.constant 0 : i32
    %dma_wait3A_20 = tpu.memref_slice %arg7[%dma_wait3A] : memref<10000xi32, #tpu.memory_space<vmem>> -> memref<80xi32, #tpu.memory_space<vmem>>
    %dma_wait3A_21 = arith.constant 0 : i32
    %dma_wait3A_22 = arith.constant 0 : i32
    %dma_wait3A_23 = tpu.memref_slice %arg2[%dma_wait3A_21, %dma_wait3A_22] : memref<10000x128xf32, #tpu.memory_space<hbm>> -> memref<10000x128xf32, #tpu.memory_space<hbm>>
    tpu.wait_indirect_dma semaphore(%arg12 : memref<!tpu.dma_semaphore, #tpu.memory_space<semaphore_mem>>) src(%dma_wait3A_23 : memref<10000x128xf32, #tpu.memory_space<hbm>>) dst(%arg9 : memref<80x128xf32, #tpu.memory_space<vmem>>)
    %run_scoped3A = arith.constant 124 : i32
    "tpu.region"() ({
      %run_scoped3A_34 = tpu.sem_alloc : memref<!tpu.dma_semaphore, #tpu.memory_space<semaphore_mem>>
      %dma_start3A_35 = arith.constant 0 : i32
      %dma_start3A_36 = tpu.memref_slice %arg8[%run_scoped3A, %dma_start3A_35] : memref<125x80xi32, #tpu.memory_space<vmem>> -> memref<1x80xi32, #tpu.memory_space<vmem>>
      %dma_start3A_37 = tpu.memref_squeeze %dma_start3A_36 : memref<1x80xi32, #tpu.memory_space<vmem>> -> memref<80xi32, #tpu.memory_space<vmem>>
      %dma_start3A_38 = arith.constant 0 : i32
      %dma_start3A_39 = arith.constant 0 : i32
      %dma_start3A_40 = tpu.memref_slice %arg11[%dma_start3A_38, %dma_start3A_39] : memref<10000x128xf32, #tpu.memory_space<vmem_shared>> -> memref<10000x128xf32, #tpu.memory_space<vmem_shared>>
      tpu.enqueue_indirect_dma source(%arg9 : memref<80x128xf32, #tpu.memory_space<vmem>>) target(%dma_start3A_40 : memref<10000x128xf32, #tpu.memory_space<vmem_shared>>) offsets(%dma_start3A_37 : memref<80xi32, #tpu.memory_space<vmem>>) semaphore(%run_scoped3A_34 : memref<!tpu.dma_semaphore, #tpu.memory_space<semaphore_mem>>) {add = true}
      %dma_wait3A_41 = arith.constant 0 : i32
      %dma_wait3A_42 = tpu.memref_slice %arg8[%run_scoped3A, %dma_wait3A_41] : memref<125x80xi32, #tpu.memory_space<vmem>> -> memref<1x80xi32, #tpu.memory_space<vmem>>
      %dma_wait3A_43 = tpu.memref_squeeze %dma_wait3A_42 : memref<1x80xi32, #tpu.memory_space<vmem>> -> memref<80xi32, #tpu.memory_space<vmem>>
      %dma_wait3A_44 = arith.constant 0 : i32
      %dma_wait3A_45 = arith.constant 0 : i32
      %dma_wait3A_46 = tpu.memref_slice %arg11[%dma_wait3A_44, %dma_wait3A_45] : memref<10000x128xf32, #tpu.memory_space<vmem_shared>> -> memref<10000x128xf32, #tpu.memory_space<vmem_shared>>
      tpu.wait_indirect_dma semaphore(%run_scoped3A_34 : memref<!tpu.dma_semaphore, #tpu.memory_space<semaphore_mem>>) src(%arg9 : memref<80x128xf32, #tpu.memory_space<vmem>>) dst(%dma_wait3A_46 : memref<10000x128xf32, #tpu.memory_space<vmem_shared>>)
      tpu.yield
    }) : () -> ()
    %barrier3A_24 = arith.constant 0 : index
    tpu.barrier barrier_id(%barrier3A_24)
    %mul3A_25 = arith.constant 624 : i32
    %mul3A_26 = arith.muli %arg1, %mul3A_25 : i32
    %mul3A_27 = arith.constant 624 : i32
    %mul3A_28 = arith.muli %arg1, %mul3A_27 : i32
    "tpu.region"() ({
      %run_scoped3A_34 = tpu.sem_alloc : memref<!tpu.dma_semaphore, #tpu.memory_space<semaphore_mem>>
      %dma_start3A_35 = arith.constant 0 : i32
      %dma_start3A_36 = tpu.memref_slice %arg6[%arg0, %mul3A_28, %dma_start3A_35] : memref<2x10000x128xf32, #tpu.memory_space<hbm>> -> memref<1x624x128xf32, #tpu.memory_space<hbm>>
      %dma_start3A_37 = tpu.memref_squeeze %dma_start3A_36 : memref<1x624x128xf32, #tpu.memory_space<hbm>> -> memref<624x128xf32, #tpu.memory_space<hbm>>
      %dma_start3A_38 = arith.constant 0 : i32
      %dma_start3A_39 = tpu.memref_slice %arg11[%mul3A_26, %dma_start3A_38] : memref<10000x128xf32, #tpu.memory_space<vmem_shared>> -> memref<624x128xf32, #tpu.memory_space<vmem_shared>>
      tpu.enqueue_dma source(%dma_start3A_39 : memref<624x128xf32, #tpu.memory_space<vmem_shared>>) target(%dma_start3A_37 : memref<624x128xf32, #tpu.memory_space<hbm>>) target_semaphore(%run_scoped3A_34 : memref<!tpu.dma_semaphore, #tpu.memory_space<semaphore_mem>>)
      %dma_wait3A_40 = arith.constant 0 : i32
      %dma_wait3A_41 = tpu.memref_slice %arg6[%arg0, %mul3A_28, %dma_wait3A_40] : memref<2x10000x128xf32, #tpu.memory_space<hbm>> -> memref<1x624x128xf32, #tpu.memory_space<hbm>>
      %dma_wait3A_42 = tpu.memref_squeeze %dma_wait3A_41 : memref<1x624x128xf32, #tpu.memory_space<hbm>> -> memref<624x128xf32, #tpu.memory_space<hbm>>
      %dma_wait3A_43 = arith.constant 0 : i32
      %dma_wait3A_44 = tpu.memref_slice %arg11[%mul3A_26, %dma_wait3A_43] : memref<10000x128xf32, #tpu.memory_space<vmem_shared>> -> memref<624x128xf32, #tpu.memory_space<vmem_shared>>
      tpu.wait_dma2 semaphore(%run_scoped3A_34 : memref<!tpu.dma_semaphore, #tpu.memory_space<semaphore_mem>>) src(%dma_wait3A_44 : memref<624x128xf32, #tpu.memory_space<vmem_shared>>) dst(%dma_wait3A_42 : memref<624x128xf32, #tpu.memory_space<hbm>>)
      tpu.yield
    }) : () -> ()
    %eq3A_29 = arith.constant 15 : i32
    %eq3A_30 = arith.cmpi eq, %arg1, %eq3A_29 : i32
    %convert_element_type3A_31 = arith.extui %eq3A_30 : i1 to i32
    %cond3A_32 = arith.constant 0 : i32
    %cond3A_33 = arith.cmpi ne, %convert_element_type3A_31, %cond3A_32 : i32
    scf.if %cond3A_33 {
      "tpu.region"() ({
        %run_scoped3A_34 = tpu.sem_alloc : memref<!tpu.dma_semaphore, #tpu.memory_space<semaphore_mem>>
        %dma_start3A_35 = arith.constant 9984 : i32
        %dma_start3A_36 = arith.constant 0 : i32
        %dma_start3A_37 = tpu.memref_slice %arg6[%arg0, %dma_start3A_35, %dma_start3A_36] : memref<2x10000x128xf32, #tpu.memory_space<hbm>> -> memref<1x16x128xf32, #tpu.memory_space<hbm>>
        %dma_start3A_38 = tpu.memref_squeeze %dma_start3A_37 : memref<1x16x128xf32, #tpu.memory_space<hbm>> -> memref<16x128xf32, #tpu.memory_space<hbm>>
        %dma_start3A_39 = arith.constant 9984 : i32
        %dma_start3A_40 = arith.constant 0 : i32
        %dma_start3A_41 = tpu.memref_slice %arg11[%dma_start3A_39, %dma_start3A_40] : memref<10000x128xf32, #tpu.memory_space<vmem_shared>> -> memref<16x128xf32, #tpu.memory_space<vmem_shared>>
        tpu.enqueue_dma source(%dma_start3A_41 : memref<16x128xf32, #tpu.memory_space<vmem_shared>>) target(%dma_start3A_38 : memref<16x128xf32, #tpu.memory_space<hbm>>) target_semaphore(%run_scoped3A_34 : memref<!tpu.dma_semaphore, #tpu.memory_space<semaphore_mem>>)
        %dma_wait3A_42 = arith.constant 9984 : i32
        %dma_wait3A_43 = arith.constant 0 : i32
        %dma_wait3A_44 = tpu.memref_slice %arg6[%arg0, %dma_wait3A_42, %dma_wait3A_43] : memref<2x10000x128xf32, #tpu.memory_space<hbm>> -> memref<1x16x128xf32, #tpu.memory_space<hbm>>
        %dma_wait3A_45 = tpu.memref_squeeze %dma_wait3A_44 : memref<1x16x128xf32, #tpu.memory_space<hbm>> -> memref<16x128xf32, #tpu.memory_space<hbm>>
        %dma_wait3A_46 = arith.constant 9984 : i32
        %dma_wait3A_47 = arith.constant 0 : i32
        %dma_wait3A_48 = tpu.memref_slice %arg11[%dma_wait3A_46, %dma_wait3A_47] : memref<10000x128xf32, #tpu.memory_space<vmem_shared>> -> memref<16x128xf32, #tpu.memory_space<vmem_shared>>
        tpu.wait_dma2 semaphore(%run_scoped3A_34 : memref<!tpu.dma_semaphore, #tpu.memory_space<semaphore_mem>>) src(%dma_wait3A_48 : memref<16x128xf32, #tpu.memory_space<vmem_shared>>) dst(%dma_wait3A_45 : memref<16x128xf32, #tpu.memory_space<hbm>>)
        tpu.yield
      }) : () -> ()
    } else {
    }
    return
  }
}

#map = affine_map<(d0, d1) -> (0, 0)>
#map1 = affine_map<(d0, d1) -> (0, 0, 0)>
module attributes {stable_mosaic.version = 14 : i64} {
  func.func @prop_kernel(%arg0: i32, %arg1: i32, %arg2: memref<10000x128xf32, #tpu.memory_space<hbm>>, %arg3: memref<32x10000xi32, #tpu.memory_space<hbm>>, %arg4: memref<32x125x80xi32, #tpu.memory_space<hbm>>, %arg5: memref<624x128xf32, #tpu.memory_space<hbm>>, %arg6: memref<2x10000x128xf32, #tpu.memory_space<hbm>>, %arg7: memref<10000xi32, #tpu.memory_space<vmem>>, %arg8: memref<125x80xi32, #tpu.memory_space<vmem>>, %arg9: memref<80x128xf32, #tpu.memory_space<vmem>>, %arg10: memref<80x128xf32, #tpu.memory_space<vmem>>, %arg11: memref<10000x128xf32, #tpu.memory_space<vmem_shared>>, %arg12: memref<!tpu.dma_semaphore, #tpu.memory_space<semaphore_mem>>, %arg13: memref<!tpu.dma_semaphore, #tpu.memory_space<semaphore_mem>>) attributes {dimension_semantics = [#tpu.dimension_semantics<core_parallel>, #tpu.dimension_semantics<subcore_parallel>], iteration_bounds = array<i64: 2, 16>, scalar_prefetch = 0 : i64, scratch_operands = 7 : i64, tpu.core_type = #tpu.core_type<sc_vector_subcore>, window_params = [{transform_indices = #map}, {transform_indices = #map}, {transform_indices = #map1}, {transform_indices = #map}, {transform_indices = #map1}]} {
    %mul3A = arith.constant 2 : i32
    %mul3A_0 = arith.muli %arg1, %mul3A : i32
    %add3A = arith.addi %mul3A_0, %arg0 : i32
    %mul3A_1 = arith.constant 624 : i32
    %mul3A_2 = arith.muli %arg1, %mul3A_1 : i32
    %mul3A_3 = arith.constant 624 : i32
    %mul3A_4 = arith.muli %arg1, %mul3A_3 : i32
    "tpu.region"() ({
      %run_scoped3A_34 = tpu.sem_alloc : memref<!tpu.dma_semaphore, #tpu.memory_space<semaphore_mem>>
      %dma_start3A_35 = arith.constant 0 : i32
      %dma_start3A_36 = tpu.memref_slice %arg11[%mul3A_4, %dma_start3A_35] : memref<10000x128xf32, #tpu.memory_space<vmem_shared>> -> memref<624x128xf32, #tpu.memory_space<vmem_shared>>
      %dma_start3A_37 = arith.constant 0 : i32
      %dma_start3A_38 = arith.constant 0 : i32
      %dma_start3A_39 = tpu.memref_slice %arg5[%dma_start3A_37, %dma_start3A_38] : memref<624x128xf32, #tpu.memory_space<hbm>> -> memref<624x128xf32, #tpu.memory_space<hbm>>
      tpu.enqueue_dma source(%dma_start3A_39 : memref<624x128xf32, #tpu.memory_space<hbm>>) target(%dma_start3A_36 : memref<624x128xf32, #tpu.memory_space<vmem_shared>>) target_semaphore(%run_scoped3A_34 : memref<!tpu.dma_semaphore, #tpu.memory_space<semaphore_mem>>)
      %dma_wait3A_40 = arith.constant 0 : i32
      %dma_wait3A_41 = tpu.memref_slice %arg11[%mul3A_4, %dma_wait3A_40] : memref<10000x128xf32, #tpu.memory_space<vmem_shared>> -> memref<624x128xf32, #tpu.memory_space<vmem_shared>>
      %dma_wait3A_42 = arith.constant 0 : i32
      %dma_wait3A_43 = arith.constant 0 : i32
      %dma_wait3A_44 = tpu.memref_slice %arg5[%dma_wait3A_42, %dma_wait3A_43] : memref<624x128xf32, #tpu.memory_space<hbm>> -> memref<624x128xf32, #tpu.memory_space<hbm>>
      tpu.wait_dma2 semaphore(%run_scoped3A_34 : memref<!tpu.dma_semaphore, #tpu.memory_space<semaphore_mem>>) src(%dma_wait3A_44 : memref<624x128xf32, #tpu.memory_space<hbm>>) dst(%dma_wait3A_41 : memref<624x128xf32, #tpu.memory_space<vmem_shared>>)
      tpu.yield
    }) : () -> ()
    %eq3A = arith.constant 15 : i32
    %eq3A_5 = arith.cmpi eq, %arg1, %eq3A : i32
    %convert_element_type3A = arith.extui %eq3A_5 : i1 to i32
    %cond3A = arith.constant 0 : i32
    %cond3A_6 = arith.cmpi ne, %convert_element_type3A, %cond3A : i32
    scf.if %cond3A_6 {
      "tpu.region"() ({
        %run_scoped3A_34 = tpu.sem_alloc : memref<!tpu.dma_semaphore, #tpu.memory_space<semaphore_mem>>
        %dma_start3A_35 = arith.constant 9984 : i32
        %dma_start3A_36 = arith.constant 0 : i32
        %dma_start3A_37 = tpu.memref_slice %arg11[%dma_start3A_35, %dma_start3A_36] : memref<10000x128xf32, #tpu.memory_space<vmem_shared>> -> memref<16x128xf32, #tpu.memory_space<vmem_shared>>
        %dma_start3A_38 = arith.constant 0 : i32
        %dma_start3A_39 = arith.constant 0 : i32
        %dma_start3A_40 = tpu.memref_slice %arg5[%dma_start3A_38, %dma_start3A_39] : memref<624x128xf32, #tpu.memory_space<hbm>> -> memref<16x128xf32, #tpu.memory_space<hbm>>
        tpu.enqueue_dma source(%dma_start3A_40 : memref<16x128xf32, #tpu.memory_space<hbm>>) target(%dma_start3A_37 : memref<16x128xf32, #tpu.memory_space<vmem_shared>>) target_semaphore(%run_scoped3A_34 : memref<!tpu.dma_semaphore, #tpu.memory_space<semaphore_mem>>)
        %dma_wait3A_41 = arith.constant 9984 : i32
        %dma_wait3A_42 = arith.constant 0 : i32
        %dma_wait3A_43 = tpu.memref_slice %arg11[%dma_wait3A_41, %dma_wait3A_42] : memref<10000x128xf32, #tpu.memory_space<vmem_shared>> -> memref<16x128xf32, #tpu.memory_space<vmem_shared>>
        %dma_wait3A_44 = arith.constant 0 : i32
        %dma_wait3A_45 = arith.constant 0 : i32
        %dma_wait3A_46 = tpu.memref_slice %arg5[%dma_wait3A_44, %dma_wait3A_45] : memref<624x128xf32, #tpu.memory_space<hbm>> -> memref<16x128xf32, #tpu.memory_space<hbm>>
        tpu.wait_dma2 semaphore(%run_scoped3A_34 : memref<!tpu.dma_semaphore, #tpu.memory_space<semaphore_mem>>) src(%dma_wait3A_46 : memref<16x128xf32, #tpu.memory_space<hbm>>) dst(%dma_wait3A_43 : memref<16x128xf32, #tpu.memory_space<vmem_shared>>)
        tpu.yield
      }) : () -> ()
    } else {
    }
    "tpu.region"() ({
      %run_scoped3A_34 = tpu.sem_alloc : memref<!tpu.dma_semaphore, #tpu.memory_space<semaphore_mem>>
      %dma_start3A_35 = arith.constant 0 : i32
      %dma_start3A_36 = tpu.memref_slice %arg3[%add3A, %dma_start3A_35] : memref<32x10000xi32, #tpu.memory_space<hbm>> -> memref<1x10000xi32, #tpu.memory_space<hbm>>
      %dma_start3A_37 = tpu.memref_squeeze %dma_start3A_36 : memref<1x10000xi32, #tpu.memory_space<hbm>> -> memref<10000xi32, #tpu.memory_space<hbm>>
      %dma_start3A_38 = arith.constant 0 : i32
      %dma_start3A_39 = tpu.memref_slice %arg3[%add3A, %dma_start3A_38] : memref<32x10000xi32, #tpu.memory_space<hbm>> -> memref<1x10000xi32, #tpu.memory_space<hbm>>
      %dma_start3A_40 = tpu.memref_squeeze %dma_start3A_39 : memref<1x10000xi32, #tpu.memory_space<hbm>> -> memref<10000xi32, #tpu.memory_space<hbm>>
      tpu.enqueue_dma source(%dma_start3A_40 : memref<10000xi32, #tpu.memory_space<hbm>>) target(%arg7 : memref<10000xi32, #tpu.memory_space<vmem>>) target_semaphore(%run_scoped3A_34 : memref<!tpu.dma_semaphore, #tpu.memory_space<semaphore_mem>>)
      %dma_wait3A_41 = arith.constant 0 : i32
      %dma_wait3A_42 = tpu.memref_slice %arg3[%add3A, %dma_wait3A_41] : memref<32x10000xi32, #tpu.memory_space<hbm>> -> memref<1x10000xi32, #tpu.memory_space<hbm>>
      %dma_wait3A_43 = tpu.memref_squeeze %dma_wait3A_42 : memref<1x10000xi32, #tpu.memory_space<hbm>> -> memref<10000xi32, #tpu.memory_space<hbm>>
      %dma_wait3A_44 = arith.constant 0 : i32
      %dma_wait3A_45 = tpu.memref_slice %arg3[%add3A, %dma_wait3A_44] : memref<32x10000xi32, #tpu.memory_space<hbm>> -> memref<1x10000xi32, #tpu.memory_space<hbm>>
      %dma_wait3A_46 = tpu.memref_squeeze %dma_wait3A_45 : memref<1x10000xi32, #tpu.memory_space<hbm>> -> memref<10000xi32, #tpu.memory_space<hbm>>
      tpu.wait_dma2 semaphore(%run_scoped3A_34 : memref<!tpu.dma_semaphore, #tpu.memory_space<semaphore_mem>>) src(%dma_wait3A_46 : memref<10000xi32, #tpu.memory_space<hbm>>) dst(%arg7 : memref<10000xi32, #tpu.memory_space<vmem>>)
      tpu.yield
    }) : () -> ()
    "tpu.region"() ({
      %run_scoped3A_34 = tpu.sem_alloc : memref<!tpu.dma_semaphore, #tpu.memory_space<semaphore_mem>>
      %dma_start3A_35 = arith.constant 0 : i32
      %dma_start3A_36 = arith.constant 0 : i32
      %dma_start3A_37 = tpu.memref_slice %arg4[%add3A, %dma_start3A_35, %dma_start3A_36] : memref<32x125x80xi32, #tpu.memory_space<hbm>> -> memref<1x125x80xi32, #tpu.memory_space<hbm>>
      %dma_start3A_38 = tpu.memref_squeeze %dma_start3A_37 : memref<1x125x80xi32, #tpu.memory_space<hbm>> -> memref<125x80xi32, #tpu.memory_space<hbm>>
      %dma_start3A_39 = arith.constant 0 : i32
      %dma_start3A_40 = arith.constant 0 : i32
      %dma_start3A_41 = tpu.memref_slice %arg4[%add3A, %dma_start3A_39, %dma_start3A_40] : memref<32x125x80xi32, #tpu.memory_space<hbm>> -> memref<1x125x80xi32, #tpu.memory_space<hbm>>
      %dma_start3A_42 = tpu.memref_squeeze %dma_start3A_41 : memref<1x125x80xi32, #tpu.memory_space<hbm>> -> memref<125x80xi32, #tpu.memory_space<hbm>>
      tpu.enqueue_dma source(%dma_start3A_42 : memref<125x80xi32, #tpu.memory_space<hbm>>) target(%arg8 : memref<125x80xi32, #tpu.memory_space<vmem>>) target_semaphore(%run_scoped3A_34 : memref<!tpu.dma_semaphore, #tpu.memory_space<semaphore_mem>>)
      %dma_wait3A_43 = arith.constant 0 : i32
      %dma_wait3A_44 = arith.constant 0 : i32
      %dma_wait3A_45 = tpu.memref_slice %arg4[%add3A, %dma_wait3A_43, %dma_wait3A_44] : memref<32x125x80xi32, #tpu.memory_space<hbm>> -> memref<1x125x80xi32, #tpu.memory_space<hbm>>
      %dma_wait3A_46 = tpu.memref_squeeze %dma_wait3A_45 : memref<1x125x80xi32, #tpu.memory_space<hbm>> -> memref<125x80xi32, #tpu.memory_space<hbm>>
      %dma_wait3A_47 = arith.constant 0 : i32
      %dma_wait3A_48 = arith.constant 0 : i32
      %dma_wait3A_49 = tpu.memref_slice %arg4[%add3A, %dma_wait3A_47, %dma_wait3A_48] : memref<32x125x80xi32, #tpu.memory_space<hbm>> -> memref<1x125x80xi32, #tpu.memory_space<hbm>>
      %dma_wait3A_50 = tpu.memref_squeeze %dma_wait3A_49 : memref<1x125x80xi32, #tpu.memory_space<hbm>> -> memref<125x80xi32, #tpu.memory_space<hbm>>
      tpu.wait_dma2 semaphore(%run_scoped3A_34 : memref<!tpu.dma_semaphore, #tpu.memory_space<semaphore_mem>>) src(%dma_wait3A_50 : memref<125x80xi32, #tpu.memory_space<hbm>>) dst(%arg8 : memref<125x80xi32, #tpu.memory_space<vmem>>)
      tpu.yield
    }) : () -> ()
    %dma_start3A = arith.constant 0 : i32
    %dma_start3A_7 = tpu.memref_slice %arg7[%dma_start3A] : memref<10000xi32, #tpu.memory_space<vmem>> -> memref<80xi32, #tpu.memory_space<vmem>>
    %dma_start3A_8 = arith.constant 0 : i32
    %dma_start3A_9 = arith.constant 0 : i32
    %dma_start3A_10 = tpu.memref_slice %arg2[%dma_start3A_8, %dma_start3A_9] : memref<10000x128xf32, #tpu.memory_space<hbm>> -> memref<10000x128xf32, #tpu.memory_space<hbm>>
    tpu.enqueue_indirect_dma source(%dma_start3A_10 : memref<10000x128xf32, #tpu.memory_space<hbm>>) target(%arg9 : memref<80x128xf32, #tpu.memory_space<vmem>>) offsets(%dma_start3A_7 : memref<80xi32, #tpu.memory_space<vmem>>) semaphore(%arg12 : memref<!tpu.dma_semaphore, #tpu.memory_space<semaphore_mem>>)
    %dma_start3A_11 = arith.constant 80 : i32
    %dma_start3A_12 = tpu.memref_slice %arg7[%dma_start3A_11] : memref<10000xi32, #tpu.memory_space<vmem>> -> memref<80xi32, #tpu.memory_space<vmem>>
    %dma_start3A_13 = arith.constant 0 : i32
    %dma_start3A_14 = arith.constant 0 : i32
    %dma_start3A_15 = tpu.memref_slice %arg2[%dma_start3A_13, %dma_start3A_14] : memref<10000x128xf32, #tpu.memory_space<hbm>> -> memref<10000x128xf32, #tpu.memory_space<hbm>>
    tpu.enqueue_indirect_dma source(%dma_start3A_15 : memref<10000x128xf32, #tpu.memory_space<hbm>>) target(%arg10 : memref<80x128xf32, #tpu.memory_space<vmem>>) offsets(%dma_start3A_12 : memref<80xi32, #tpu.memory_space<vmem>>) semaphore(%arg13 : memref<!tpu.dma_semaphore, #tpu.memory_space<semaphore_mem>>)
    %barrier3A = arith.constant 0 : index
    tpu.barrier barrier_id(%barrier3A)
    %scan3A = arith.constant 0 : i32
    %scan3A_16 = arith.constant 62 : i32
    %scan3A_17 = arith.addi %scan3A, %scan3A_16 : i32
    %scan3A_18 = arith.constant 1 : i32
    scf.for %scan3A_34 = %scan3A to %scan3A_17 step %scan3A_18  : i32 {
      %mul3A_35 = arith.constant 1 : i32
      %mul3A_36 = arith.muli %scan3A_34, %mul3A_35 : i32
      %add3A_37 = arith.constant 0 : i32
      %add3A_38 = arith.addi %add3A_37, %mul3A_36 : i32
      %mul3A_39 = arith.constant 2 : i32
      %mul3A_40 = arith.muli %add3A_38, %mul3A_39 : i32
      %add3A_41 = arith.constant 0 : i32
      %add3A_42 = arith.addi %mul3A_40, %add3A_41 : i32
      %dma_wait3A_43 = arith.constant 0 : i32
      %dma_wait3A_44 = tpu.memref_slice %arg7[%dma_wait3A_43] : memref<10000xi32, #tpu.memory_space<vmem>> -> memref<80xi32, #tpu.memory_space<vmem>>
      %dma_wait3A_45 = arith.constant 0 : i32
      %dma_wait3A_46 = arith.constant 0 : i32
      %dma_wait3A_47 = tpu.memref_slice %arg2[%dma_wait3A_45, %dma_wait3A_46] : memref<10000x128xf32, #tpu.memory_space<hbm>> -> memref<10000x128xf32, #tpu.memory_space<hbm>>
      tpu.wait_indirect_dma semaphore(%arg12 : memref<!tpu.dma_semaphore, #tpu.memory_space<semaphore_mem>>) src(%dma_wait3A_47 : memref<10000x128xf32, #tpu.memory_space<hbm>>) dst(%arg9 : memref<80x128xf32, #tpu.memory_space<vmem>>)
      "tpu.region"() ({
        %run_scoped3A_70 = tpu.sem_alloc : memref<!tpu.dma_semaphore, #tpu.memory_space<semaphore_mem>>
        %dma_start3A_71 = arith.constant 0 : i32
        %dma_start3A_72 = tpu.memref_slice %arg8[%add3A_42, %dma_start3A_71] : memref<125x80xi32, #tpu.memory_space<vmem>> -> memref<1x80xi32, #tpu.memory_space<vmem>>
        %dma_start3A_73 = tpu.memref_squeeze %dma_start3A_72 : memref<1x80xi32, #tpu.memory_space<vmem>> -> memref<80xi32, #tpu.memory_space<vmem>>
        %dma_start3A_74 = arith.constant 0 : i32
        %dma_start3A_75 = arith.constant 0 : i32
        %dma_start3A_76 = tpu.memref_slice %arg11[%dma_start3A_74, %dma_start3A_75] : memref<10000x128xf32, #tpu.memory_space<vmem_shared>> -> memref<10000x128xf32, #tpu.memory_space<vmem_shared>>
        tpu.enqueue_indirect_dma source(%arg9 : memref<80x128xf32, #tpu.memory_space<vmem>>) target(%dma_start3A_76 : memref<10000x128xf32, #tpu.memory_space<vmem_shared>>) offsets(%dma_start3A_73 : memref<80xi32, #tpu.memory_space<vmem>>) semaphore(%run_scoped3A_70 : memref<!tpu.dma_semaphore, #tpu.memory_space<semaphore_mem>>) {add = true}
        %dma_wait3A_77 = arith.constant 0 : i32
        %dma_wait3A_78 = tpu.memref_slice %arg8[%add3A_42, %dma_wait3A_77] : memref<125x80xi32, #tpu.memory_space<vmem>> -> memref<1x80xi32, #tpu.memory_space<vmem>>
        %dma_wait3A_79 = tpu.memref_squeeze %dma_wait3A_78 : memref<1x80xi32, #tpu.memory_space<vmem>> -> memref<80xi32, #tpu.memory_space<vmem>>
        %dma_wait3A_80 = arith.constant 0 : i32
        %dma_wait3A_81 = arith.constant 0 : i32
        %dma_wait3A_82 = tpu.memref_slice %arg11[%dma_wait3A_80, %dma_wait3A_81] : memref<10000x128xf32, #tpu.memory_space<vmem_shared>> -> memref<10000x128xf32, #tpu.memory_space<vmem_shared>>
        tpu.wait_indirect_dma semaphore(%run_scoped3A_70 : memref<!tpu.dma_semaphore, #tpu.memory_space<semaphore_mem>>) src(%arg9 : memref<80x128xf32, #tpu.memory_space<vmem>>) dst(%dma_wait3A_82 : memref<10000x128xf32, #tpu.memory_space<vmem_shared>>)
        tpu.yield
      }) : () -> ()
      %add3A_48 = arith.constant 2 : i32
      %add3A_49 = arith.addi %add3A_42, %add3A_48 : i32
      %lt3A = arith.constant 125 : i32
      %lt3A_50 = arith.cmpi slt, %add3A_49, %lt3A : i32
      %convert_element_type3A_51 = arith.extui %lt3A_50 : i1 to i32
      %cond3A_52 = arith.constant 0 : i32
      %cond3A_53 = arith.cmpi ne, %convert_element_type3A_51, %cond3A_52 : i32
      scf.if %cond3A_53 {
        %add3A_70 = arith.constant 2 : i32
        %add3A_71 = arith.addi %add3A_42, %add3A_70 : i32
        %mul3A_72 = arith.constant 80 : i32
        %mul3A_73 = arith.muli %add3A_71, %mul3A_72 : i32
        %dma_start3A_74 = tpu.memref_slice %arg7[%mul3A_73] : memref<10000xi32, #tpu.memory_space<vmem>> -> memref<80xi32, #tpu.memory_space<vmem>>
        %dma_start3A_75 = arith.constant 0 : i32
        %dma_start3A_76 = arith.constant 0 : i32
        %dma_start3A_77 = tpu.memref_slice %arg2[%dma_start3A_75, %dma_start3A_76] : memref<10000x128xf32, #tpu.memory_space<hbm>> -> memref<10000x128xf32, #tpu.memory_space<hbm>>
        tpu.enqueue_indirect_dma source(%dma_start3A_77 : memref<10000x128xf32, #tpu.memory_space<hbm>>) target(%arg9 : memref<80x128xf32, #tpu.memory_space<vmem>>) offsets(%dma_start3A_74 : memref<80xi32, #tpu.memory_space<vmem>>) semaphore(%arg12 : memref<!tpu.dma_semaphore, #tpu.memory_space<semaphore_mem>>)
      } else {
      }
      %mul3A_54 = arith.constant 2 : i32
      %mul3A_55 = arith.muli %add3A_38, %mul3A_54 : i32
      %add3A_56 = arith.constant 1 : i32
      %add3A_57 = arith.addi %mul3A_55, %add3A_56 : i32
      %dma_wait3A_58 = arith.constant 0 : i32
      %dma_wait3A_59 = tpu.memref_slice %arg7[%dma_wait3A_58] : memref<10000xi32, #tpu.memory_space<vmem>> -> memref<80xi32, #tpu.memory_space<vmem>>
      %dma_wait3A_60 = arith.constant 0 : i32
      %dma_wait3A_61 = arith.constant 0 : i32
      %dma_wait3A_62 = tpu.memref_slice %arg2[%dma_wait3A_60, %dma_wait3A_61] : memref<10000x128xf32, #tpu.memory_space<hbm>> -> memref<10000x128xf32, #tpu.memory_space<hbm>>
      tpu.wait_indirect_dma semaphore(%arg13 : memref<!tpu.dma_semaphore, #tpu.memory_space<semaphore_mem>>) src(%dma_wait3A_62 : memref<10000x128xf32, #tpu.memory_space<hbm>>) dst(%arg10 : memref<80x128xf32, #tpu.memory_space<vmem>>)
      "tpu.region"() ({
        %run_scoped3A_70 = tpu.sem_alloc : memref<!tpu.dma_semaphore, #tpu.memory_space<semaphore_mem>>
        %dma_start3A_71 = arith.constant 0 : i32
        %dma_start3A_72 = tpu.memref_slice %arg8[%add3A_57, %dma_start3A_71] : memref<125x80xi32, #tpu.memory_space<vmem>> -> memref<1x80xi32, #tpu.memory_space<vmem>>
        %dma_start3A_73 = tpu.memref_squeeze %dma_start3A_72 : memref<1x80xi32, #tpu.memory_space<vmem>> -> memref<80xi32, #tpu.memory_space<vmem>>
        %dma_start3A_74 = arith.constant 0 : i32
        %dma_start3A_75 = arith.constant 0 : i32
        %dma_start3A_76 = tpu.memref_slice %arg11[%dma_start3A_74, %dma_start3A_75] : memref<10000x128xf32, #tpu.memory_space<vmem_shared>> -> memref<10000x128xf32, #tpu.memory_space<vmem_shared>>
        tpu.enqueue_indirect_dma source(%arg10 : memref<80x128xf32, #tpu.memory_space<vmem>>) target(%dma_start3A_76 : memref<10000x128xf32, #tpu.memory_space<vmem_shared>>) offsets(%dma_start3A_73 : memref<80xi32, #tpu.memory_space<vmem>>) semaphore(%run_scoped3A_70 : memref<!tpu.dma_semaphore, #tpu.memory_space<semaphore_mem>>) {add = true}
        %dma_wait3A_77 = arith.constant 0 : i32
        %dma_wait3A_78 = tpu.memref_slice %arg8[%add3A_57, %dma_wait3A_77] : memref<125x80xi32, #tpu.memory_space<vmem>> -> memref<1x80xi32, #tpu.memory_space<vmem>>
        %dma_wait3A_79 = tpu.memref_squeeze %dma_wait3A_78 : memref<1x80xi32, #tpu.memory_space<vmem>> -> memref<80xi32, #tpu.memory_space<vmem>>
        %dma_wait3A_80 = arith.constant 0 : i32
        %dma_wait3A_81 = arith.constant 0 : i32
        %dma_wait3A_82 = tpu.memref_slice %arg11[%dma_wait3A_80, %dma_wait3A_81] : memref<10000x128xf32, #tpu.memory_space<vmem_shared>> -> memref<10000x128xf32, #tpu.memory_space<vmem_shared>>
        tpu.wait_indirect_dma semaphore(%run_scoped3A_70 : memref<!tpu.dma_semaphore, #tpu.memory_space<semaphore_mem>>) src(%arg10 : memref<80x128xf32, #tpu.memory_space<vmem>>) dst(%dma_wait3A_82 : memref<10000x128xf32, #tpu.memory_space<vmem_shared>>)
        tpu.yield
      }) : () -> ()
      %add3A_63 = arith.constant 2 : i32
      %add3A_64 = arith.addi %add3A_57, %add3A_63 : i32
      %lt3A_65 = arith.constant 125 : i32
      %lt3A_66 = arith.cmpi slt, %add3A_64, %lt3A_65 : i32
      %convert_element_type3A_67 = arith.extui %lt3A_66 : i1 to i32
      %cond3A_68 = arith.constant 0 : i32
      %cond3A_69 = arith.cmpi ne, %convert_element_type3A_67, %cond3A_68 : i32
      scf.if %cond3A_69 {
        %add3A_70 = arith.constant 2 : i32
        %add3A_71 = arith.addi %add3A_57, %add3A_70 : i32
        %mul3A_72 = arith.constant 80 : i32
        %mul3A_73 = arith.muli %add3A_71, %mul3A_72 : i32
        %dma_start3A_74 = tpu.memref_slice %arg7[%mul3A_73] : memref<10000xi32, #tpu.memory_space<vmem>> -> memref<80xi32, #tpu.memory_space<vmem>>
        %dma_start3A_75 = arith.constant 0 : i32
        %dma_start3A_76 = arith.constant 0 : i32
        %dma_start3A_77 = tpu.memref_slice %arg2[%dma_start3A_75, %dma_start3A_76] : memref<10000x128xf32, #tpu.memory_space<hbm>> -> memref<10000x128xf32, #tpu.memory_space<hbm>>
        tpu.enqueue_indirect_dma source(%dma_start3A_77 : memref<10000x128xf32, #tpu.memory_space<hbm>>) target(%arg10 : memref<80x128xf32, #tpu.memory_space<vmem>>) offsets(%dma_start3A_74 : memref<80xi32, #tpu.memory_space<vmem>>) semaphore(%arg13 : memref<!tpu.dma_semaphore, #tpu.memory_space<semaphore_mem>>)
      } else {
      }
    }
    %scan3A_19 = arith.constant 62 : i32
    %dma_wait3A = arith.constant 0 : i32
    %dma_wait3A_20 = tpu.memref_slice %arg7[%dma_wait3A] : memref<10000xi32, #tpu.memory_space<vmem>> -> memref<80xi32, #tpu.memory_space<vmem>>
    %dma_wait3A_21 = arith.constant 0 : i32
    %dma_wait3A_22 = arith.constant 0 : i32
    %dma_wait3A_23 = tpu.memref_slice %arg2[%dma_wait3A_21, %dma_wait3A_22] : memref<10000x128xf32, #tpu.memory_space<hbm>> -> memref<10000x128xf32, #tpu.memory_space<hbm>>
    tpu.wait_indirect_dma semaphore(%arg12 : memref<!tpu.dma_semaphore, #tpu.memory_space<semaphore_mem>>) src(%dma_wait3A_23 : memref<10000x128xf32, #tpu.memory_space<hbm>>) dst(%arg9 : memref<80x128xf32, #tpu.memory_space<vmem>>)
    %run_scoped3A = arith.constant 124 : i32
    "tpu.region"() ({
      %run_scoped3A_34 = tpu.sem_alloc : memref<!tpu.dma_semaphore, #tpu.memory_space<semaphore_mem>>
      %dma_start3A_35 = arith.constant 0 : i32
      %dma_start3A_36 = tpu.memref_slice %arg8[%run_scoped3A, %dma_start3A_35] : memref<125x80xi32, #tpu.memory_space<vmem>> -> memref<1x80xi32, #tpu.memory_space<vmem>>
      %dma_start3A_37 = tpu.memref_squeeze %dma_start3A_36 : memref<1x80xi32, #tpu.memory_space<vmem>> -> memref<80xi32, #tpu.memory_space<vmem>>
      %dma_start3A_38 = arith.constant 0 : i32
      %dma_start3A_39 = arith.constant 0 : i32
      %dma_start3A_40 = tpu.memref_slice %arg11[%dma_start3A_38, %dma_start3A_39] : memref<10000x128xf32, #tpu.memory_space<vmem_shared>> -> memref<10000x128xf32, #tpu.memory_space<vmem_shared>>
      tpu.enqueue_indirect_dma source(%arg9 : memref<80x128xf32, #tpu.memory_space<vmem>>) target(%dma_start3A_40 : memref<10000x128xf32, #tpu.memory_space<vmem_shared>>) offsets(%dma_start3A_37 : memref<80xi32, #tpu.memory_space<vmem>>) semaphore(%run_scoped3A_34 : memref<!tpu.dma_semaphore, #tpu.memory_space<semaphore_mem>>) {add = true}
      %dma_wait3A_41 = arith.constant 0 : i32
      %dma_wait3A_42 = tpu.memref_slice %arg8[%run_scoped3A, %dma_wait3A_41] : memref<125x80xi32, #tpu.memory_space<vmem>> -> memref<1x80xi32, #tpu.memory_space<vmem>>
      %dma_wait3A_43 = tpu.memref_squeeze %dma_wait3A_42 : memref<1x80xi32, #tpu.memory_space<vmem>> -> memref<80xi32, #tpu.memory_space<vmem>>
      %dma_wait3A_44 = arith.constant 0 : i32
      %dma_wait3A_45 = arith.constant 0 : i32
      %dma_wait3A_46 = tpu.memref_slice %arg11[%dma_wait3A_44, %dma_wait3A_45] : memref<10000x128xf32, #tpu.memory_space<vmem_shared>> -> memref<10000x128xf32, #tpu.memory_space<vmem_shared>>
      tpu.wait_indirect_dma semaphore(%run_scoped3A_34 : memref<!tpu.dma_semaphore, #tpu.memory_space<semaphore_mem>>) src(%arg9 : memref<80x128xf32, #tpu.memory_space<vmem>>) dst(%dma_wait3A_46 : memref<10000x128xf32, #tpu.memory_space<vmem_shared>>)
      tpu.yield
    }) : () -> ()
    %barrier3A_24 = arith.constant 0 : index
    tpu.barrier barrier_id(%barrier3A_24)
    %mul3A_25 = arith.constant 624 : i32
    %mul3A_26 = arith.muli %arg1, %mul3A_25 : i32
    %mul3A_27 = arith.constant 624 : i32
    %mul3A_28 = arith.muli %arg1, %mul3A_27 : i32
    "tpu.region"() ({
      %run_scoped3A_34 = tpu.sem_alloc : memref<!tpu.dma_semaphore, #tpu.memory_space<semaphore_mem>>
      %dma_start3A_35 = arith.constant 0 : i32
      %dma_start3A_36 = tpu.memref_slice %arg6[%arg0, %mul3A_28, %dma_start3A_35] : memref<2x10000x128xf32, #tpu.memory_space<hbm>> -> memref<1x624x128xf32, #tpu.memory_space<hbm>>
      %dma_start3A_37 = tpu.memref_squeeze %dma_start3A_36 : memref<1x624x128xf32, #tpu.memory_space<hbm>> -> memref<624x128xf32, #tpu.memory_space<hbm>>
      %dma_start3A_38 = arith.constant 0 : i32
      %dma_start3A_39 = tpu.memref_slice %arg11[%mul3A_26, %dma_start3A_38] : memref<10000x128xf32, #tpu.memory_space<vmem_shared>> -> memref<624x128xf32, #tpu.memory_space<vmem_shared>>
      tpu.enqueue_dma source(%dma_start3A_39 : memref<624x128xf32, #tpu.memory_space<vmem_shared>>) target(%dma_start3A_37 : memref<624x128xf32, #tpu.memory_space<hbm>>) target_semaphore(%run_scoped3A_34 : memref<!tpu.dma_semaphore, #tpu.memory_space<semaphore_mem>>)
      %dma_wait3A_40 = arith.constant 0 : i32
      %dma_wait3A_41 = tpu.memref_slice %arg6[%arg0, %mul3A_28, %dma_wait3A_40] : memref<2x10000x128xf32, #tpu.memory_space<hbm>> -> memref<1x624x128xf32, #tpu.memory_space<hbm>>
      %dma_wait3A_42 = tpu.memref_squeeze %dma_wait3A_41 : memref<1x624x128xf32, #tpu.memory_space<hbm>> -> memref<624x128xf32, #tpu.memory_space<hbm>>
      %dma_wait3A_43 = arith.constant 0 : i32
      %dma_wait3A_44 = tpu.memref_slice %arg11[%mul3A_26, %dma_wait3A_43] : memref<10000x128xf32, #tpu.memory_space<vmem_shared>> -> memref<624x128xf32, #tpu.memory_space<vmem_shared>>
      tpu.wait_dma2 semaphore(%run_scoped3A_34 : memref<!tpu.dma_semaphore, #tpu.memory_space<semaphore_mem>>) src(%dma_wait3A_44 : memref<624x128xf32, #tpu.memory_space<vmem_shared>>) dst(%dma_wait3A_42 : memref<624x128xf32, #tpu.memory_space<hbm>>)
      tpu.yield
    }) : () -> ()
    %eq3A_29 = arith.constant 15 : i32
    %eq3A_30 = arith.cmpi eq, %arg1, %eq3A_29 : i32
    %convert_element_type3A_31 = arith.extui %eq3A_30 : i1 to i32
    %cond3A_32 = arith.constant 0 : i32
    %cond3A_33 = arith.cmpi ne, %convert_element_type3A_31, %cond3A_32 : i32
    scf.if %cond3A_33 {
      "tpu.region"() ({
        %run_scoped3A_34 = tpu.sem_alloc : memref<!tpu.dma_semaphore, #tpu.memory_space<semaphore_mem>>
        %dma_start3A_35 = arith.constant 9984 : i32
        %dma_start3A_36 = arith.constant 0 : i32
        %dma_start3A_37 = tpu.memref_slice %arg6[%arg0, %dma_start3A_35, %dma_start3A_36] : memref<2x10000x128xf32, #tpu.memory_space<hbm>> -> memref<1x16x128xf32, #tpu.memory_space<hbm>>
        %dma_start3A_38 = tpu.memref_squeeze %dma_start3A_37 : memref<1x16x128xf32, #tpu.memory_space<hbm>> -> memref<16x128xf32, #tpu.memory_space<hbm>>
        %dma_start3A_39 = arith.constant 9984 : i32
        %dma_start3A_40 = arith.constant 0 : i32
        %dma_start3A_41 = tpu.memref_slice %arg11[%dma_start3A_39, %dma_start3A_40] : memref<10000x128xf32, #tpu.memory_space<vmem_shared>> -> memref<16x128xf32, #tpu.memory_space<vmem_shared>>
        tpu.enqueue_dma source(%dma_start3A_41 : memref<16x128xf32, #tpu.memory_space<vmem_shared>>) target(%dma_start3A_38 : memref<16x128xf32, #tpu.memory_space<hbm>>) target_semaphore(%run_scoped3A_34 : memref<!tpu.dma_semaphore, #tpu.memory_space<semaphore_mem>>)
        %dma_wait3A_42 = arith.constant 9984 : i32
        %dma_wait3A_43 = arith.constant 0 : i32
        %dma_wait3A_44 = tpu.memref_slice %arg6[%arg0, %dma_wait3A_42, %dma_wait3A_43] : memref<2x10000x128xf32, #tpu.memory_space<hbm>> -> memref<1x16x128xf32, #tpu.memory_space<hbm>>
        %dma_wait3A_45 = tpu.memref_squeeze %dma_wait3A_44 : memref<1x16x128xf32, #tpu.memory_space<hbm>> -> memref<16x128xf32, #tpu.memory_space<hbm>>
        %dma_wait3A_46 = arith.constant 9984 : i32
        %dma_wait3A_47 = arith.constant 0 : i32
        %dma_wait3A_48 = tpu.memref_slice %arg11[%dma_wait3A_46, %dma_wait3A_47] : memref<10000x128xf32, #tpu.memory_space<vmem_shared>> -> memref<16x128xf32, #tpu.memory_space<vmem_shared>>
        tpu.wait_dma2 semaphore(%run_scoped3A_34 : memref<!tpu.dma_semaphore, #tpu.memory_space<semaphore_mem>>) src(%dma_wait3A_48 : memref<16x128xf32, #tpu.memory_space<vmem_shared>>) dst(%dma_wait3A_45 : memref<16x128xf32, #tpu.memory_space<hbm>>)
        tpu.yield
      }) : () -> ()
    } else {
    }
    return
  }
}

#map = affine_map<(d0, d1) -> (0, 0, 0)>
#map1 = affine_map<(d0, d1) -> (0, 0)>
module attributes {stable_mosaic.version = 14 : i64} {
  func.func @deg_kernel(%arg0: i32, %arg1: i32, %arg2: memref<32x125x80xi32, #tpu.memory_space<hbm>>, %arg3: memref<80x128xf32, #tpu.memory_space<hbm>>, %arg4: memref<624x128xf32, #tpu.memory_space<hbm>>, %arg5: memref<2x10000x128xf32, #tpu.memory_space<hbm>>, %arg6: memref<125x80xi32, #tpu.memory_space<vmem>>, %arg7: memref<80x128xf32, #tpu.memory_space<vmem>>, %arg8: memref<10000x128xf32, #tpu.memory_space<vmem_shared>>) attributes {dimension_semantics = [#tpu.dimension_semantics<core_parallel>, #tpu.dimension_semantics<subcore_parallel>], iteration_bounds = array<i64: 2, 16>, scalar_prefetch = 0 : i64, scratch_operands = 3 : i64, tpu.core_type = #tpu.core_type<sc_vector_subcore>, window_params = [{transform_indices = #map}, {transform_indices = #map1}, {transform_indices = #map1}, {transform_indices = #map}]} {
    %mul3A = arith.constant 624 : i32
    %mul3A_0 = arith.muli %arg1, %mul3A : i32
    %mul3A_1 = arith.constant 624 : i32
    %mul3A_2 = arith.muli %arg1, %mul3A_1 : i32
    "tpu.region"() ({
      %run_scoped3A = tpu.sem_alloc : memref<!tpu.dma_semaphore, #tpu.memory_space<semaphore_mem>>
      %dma_start3A = arith.constant 0 : i32
      %dma_start3A_21 = tpu.memref_slice %arg8[%mul3A_2, %dma_start3A] : memref<10000x128xf32, #tpu.memory_space<vmem_shared>> -> memref<624x128xf32, #tpu.memory_space<vmem_shared>>
      %dma_start3A_22 = arith.constant 0 : i32
      %dma_start3A_23 = arith.constant 0 : i32
      %dma_start3A_24 = tpu.memref_slice %arg4[%dma_start3A_22, %dma_start3A_23] : memref<624x128xf32, #tpu.memory_space<hbm>> -> memref<624x128xf32, #tpu.memory_space<hbm>>
      tpu.enqueue_dma source(%dma_start3A_24 : memref<624x128xf32, #tpu.memory_space<hbm>>) target(%dma_start3A_21 : memref<624x128xf32, #tpu.memory_space<vmem_shared>>) target_semaphore(%run_scoped3A : memref<!tpu.dma_semaphore, #tpu.memory_space<semaphore_mem>>)
      %dma_wait3A = arith.constant 0 : i32
      %dma_wait3A_25 = tpu.memref_slice %arg8[%mul3A_2, %dma_wait3A] : memref<10000x128xf32, #tpu.memory_space<vmem_shared>> -> memref<624x128xf32, #tpu.memory_space<vmem_shared>>
      %dma_wait3A_26 = arith.constant 0 : i32
      %dma_wait3A_27 = arith.constant 0 : i32
      %dma_wait3A_28 = tpu.memref_slice %arg4[%dma_wait3A_26, %dma_wait3A_27] : memref<624x128xf32, #tpu.memory_space<hbm>> -> memref<624x128xf32, #tpu.memory_space<hbm>>
      tpu.wait_dma2 semaphore(%run_scoped3A : memref<!tpu.dma_semaphore, #tpu.memory_space<semaphore_mem>>) src(%dma_wait3A_28 : memref<624x128xf32, #tpu.memory_space<hbm>>) dst(%dma_wait3A_25 : memref<624x128xf32, #tpu.memory_space<vmem_shared>>)
      tpu.yield
    }) : () -> ()
    %eq3A = arith.constant 15 : i32
    %eq3A_3 = arith.cmpi eq, %arg1, %eq3A : i32
    %convert_element_type3A = arith.extui %eq3A_3 : i1 to i32
    %cond3A = arith.constant 0 : i32
    %cond3A_4 = arith.cmpi ne, %convert_element_type3A, %cond3A : i32
    scf.if %cond3A_4 {
      "tpu.region"() ({
        %run_scoped3A = tpu.sem_alloc : memref<!tpu.dma_semaphore, #tpu.memory_space<semaphore_mem>>
        %dma_start3A = arith.constant 9984 : i32
        %dma_start3A_21 = arith.constant 0 : i32
        %dma_start3A_22 = tpu.memref_slice %arg8[%dma_start3A, %dma_start3A_21] : memref<10000x128xf32, #tpu.memory_space<vmem_shared>> -> memref<16x128xf32, #tpu.memory_space<vmem_shared>>
        %dma_start3A_23 = arith.constant 0 : i32
        %dma_start3A_24 = arith.constant 0 : i32
        %dma_start3A_25 = tpu.memref_slice %arg4[%dma_start3A_23, %dma_start3A_24] : memref<624x128xf32, #tpu.memory_space<hbm>> -> memref<16x128xf32, #tpu.memory_space<hbm>>
        tpu.enqueue_dma source(%dma_start3A_25 : memref<16x128xf32, #tpu.memory_space<hbm>>) target(%dma_start3A_22 : memref<16x128xf32, #tpu.memory_space<vmem_shared>>) target_semaphore(%run_scoped3A : memref<!tpu.dma_semaphore, #tpu.memory_space<semaphore_mem>>)
        %dma_wait3A = arith.constant 9984 : i32
        %dma_wait3A_26 = arith.constant 0 : i32
        %dma_wait3A_27 = tpu.memref_slice %arg8[%dma_wait3A, %dma_wait3A_26] : memref<10000x128xf32, #tpu.memory_space<vmem_shared>> -> memref<16x128xf32, #tpu.memory_space<vmem_shared>>
        %dma_wait3A_28 = arith.constant 0 : i32
        %dma_wait3A_29 = arith.constant 0 : i32
        %dma_wait3A_30 = tpu.memref_slice %arg4[%dma_wait3A_28, %dma_wait3A_29] : memref<624x128xf32, #tpu.memory_space<hbm>> -> memref<16x128xf32, #tpu.memory_space<hbm>>
        tpu.wait_dma2 semaphore(%run_scoped3A : memref<!tpu.dma_semaphore, #tpu.memory_space<semaphore_mem>>) src(%dma_wait3A_30 : memref<16x128xf32, #tpu.memory_space<hbm>>) dst(%dma_wait3A_27 : memref<16x128xf32, #tpu.memory_space<vmem_shared>>)
        tpu.yield
      }) : () -> ()
    } else {
    }
    %mul3A_5 = arith.constant 2 : i32
    %mul3A_6 = arith.muli %arg1, %mul3A_5 : i32
    %add3A = arith.addi %mul3A_6, %arg0 : i32
    "tpu.region"() ({
      %run_scoped3A = tpu.sem_alloc : memref<!tpu.dma_semaphore, #tpu.memory_space<semaphore_mem>>
      %dma_start3A = arith.constant 0 : i32
      %dma_start3A_21 = arith.constant 0 : i32
      %dma_start3A_22 = tpu.memref_slice %arg2[%add3A, %dma_start3A, %dma_start3A_21] : memref<32x125x80xi32, #tpu.memory_space<hbm>> -> memref<1x125x80xi32, #tpu.memory_space<hbm>>
      %dma_start3A_23 = tpu.memref_squeeze %dma_start3A_22 : memref<1x125x80xi32, #tpu.memory_space<hbm>> -> memref<125x80xi32, #tpu.memory_space<hbm>>
      %dma_start3A_24 = arith.constant 0 : i32
      %dma_start3A_25 = arith.constant 0 : i32
      %dma_start3A_26 = tpu.memref_slice %arg2[%add3A, %dma_start3A_24, %dma_start3A_25] : memref<32x125x80xi32, #tpu.memory_space<hbm>> -> memref<1x125x80xi32, #tpu.memory_space<hbm>>
      %dma_start3A_27 = tpu.memref_squeeze %dma_start3A_26 : memref<1x125x80xi32, #tpu.memory_space<hbm>> -> memref<125x80xi32, #tpu.memory_space<hbm>>
      tpu.enqueue_dma source(%dma_start3A_27 : memref<125x80xi32, #tpu.memory_space<hbm>>) target(%arg6 : memref<125x80xi32, #tpu.memory_space<vmem>>) target_semaphore(%run_scoped3A : memref<!tpu.dma_semaphore, #tpu.memory_space<semaphore_mem>>)
      %dma_wait3A = arith.constant 0 : i32
      %dma_wait3A_28 = arith.constant 0 : i32
      %dma_wait3A_29 = tpu.memref_slice %arg2[%add3A, %dma_wait3A, %dma_wait3A_28] : memref<32x125x80xi32, #tpu.memory_space<hbm>> -> memref<1x125x80xi32, #tpu.memory_space<hbm>>
      %dma_wait3A_30 = tpu.memref_squeeze %dma_wait3A_29 : memref<1x125x80xi32, #tpu.memory_space<hbm>> -> memref<125x80xi32, #tpu.memory_space<hbm>>
      %dma_wait3A_31 = arith.constant 0 : i32
      %dma_wait3A_32 = arith.constant 0 : i32
      %dma_wait3A_33 = tpu.memref_slice %arg2[%add3A, %dma_wait3A_31, %dma_wait3A_32] : memref<32x125x80xi32, #tpu.memory_space<hbm>> -> memref<1x125x80xi32, #tpu.memory_space<hbm>>
      %dma_wait3A_34 = tpu.memref_squeeze %dma_wait3A_33 : memref<1x125x80xi32, #tpu.memory_space<hbm>> -> memref<125x80xi32, #tpu.memory_space<hbm>>
      tpu.wait_dma2 semaphore(%run_scoped3A : memref<!tpu.dma_semaphore, #tpu.memory_space<semaphore_mem>>) src(%dma_wait3A_34 : memref<125x80xi32, #tpu.memory_space<hbm>>) dst(%arg6 : memref<125x80xi32, #tpu.memory_space<vmem>>)
      tpu.yield
    }) : () -> ()
    "tpu.region"() ({
      %run_scoped3A = tpu.sem_alloc : memref<!tpu.dma_semaphore, #tpu.memory_space<semaphore_mem>>
      tpu.enqueue_dma source(%arg3 : memref<80x128xf32, #tpu.memory_space<hbm>>) target(%arg7 : memref<80x128xf32, #tpu.memory_space<vmem>>) target_semaphore(%run_scoped3A : memref<!tpu.dma_semaphore, #tpu.memory_space<semaphore_mem>>)
      tpu.wait_dma2 semaphore(%run_scoped3A : memref<!tpu.dma_semaphore, #tpu.memory_space<semaphore_mem>>) src(%arg3 : memref<80x128xf32, #tpu.memory_space<hbm>>) dst(%arg7 : memref<80x128xf32, #tpu.memory_space<vmem>>)
      tpu.yield
    }) : () -> ()
    %barrier3A = arith.constant 0 : index
    tpu.barrier barrier_id(%barrier3A)
    %scan3A = arith.constant 0 : i32
    %scan3A_7 = arith.constant 125 : i32
    %scan3A_8 = arith.addi %scan3A, %scan3A_7 : i32
    %scan3A_9 = arith.constant 1 : i32
    scf.for %scan3A_21 = %scan3A to %scan3A_8 step %scan3A_9  : i32 {
      %mul3A_22 = arith.constant 1 : i32
      %mul3A_23 = arith.muli %scan3A_21, %mul3A_22 : i32
      %add3A_24 = arith.constant 0 : i32
      %add3A_25 = arith.addi %add3A_24, %mul3A_23 : i32
      "tpu.region"() ({
        %run_scoped3A = tpu.sem_alloc : memref<!tpu.dma_semaphore, #tpu.memory_space<semaphore_mem>>
        %dma_start3A = arith.constant 0 : i32
        %dma_start3A_26 = tpu.memref_slice %arg6[%add3A_25, %dma_start3A] : memref<125x80xi32, #tpu.memory_space<vmem>> -> memref<1x80xi32, #tpu.memory_space<vmem>>
        %dma_start3A_27 = tpu.memref_squeeze %dma_start3A_26 : memref<1x80xi32, #tpu.memory_space<vmem>> -> memref<80xi32, #tpu.memory_space<vmem>>
        %dma_start3A_28 = arith.constant 0 : i32
        %dma_start3A_29 = arith.constant 0 : i32
        %dma_start3A_30 = tpu.memref_slice %arg8[%dma_start3A_28, %dma_start3A_29] : memref<10000x128xf32, #tpu.memory_space<vmem_shared>> -> memref<10000x128xf32, #tpu.memory_space<vmem_shared>>
        tpu.enqueue_indirect_dma source(%arg7 : memref<80x128xf32, #tpu.memory_space<vmem>>) target(%dma_start3A_30 : memref<10000x128xf32, #tpu.memory_space<vmem_shared>>) offsets(%dma_start3A_27 : memref<80xi32, #tpu.memory_space<vmem>>) semaphore(%run_scoped3A : memref<!tpu.dma_semaphore, #tpu.memory_space<semaphore_mem>>) {add = true}
        %dma_wait3A = arith.constant 0 : i32
        %dma_wait3A_31 = tpu.memref_slice %arg6[%add3A_25, %dma_wait3A] : memref<125x80xi32, #tpu.memory_space<vmem>> -> memref<1x80xi32, #tpu.memory_space<vmem>>
        %dma_wait3A_32 = tpu.memref_squeeze %dma_wait3A_31 : memref<1x80xi32, #tpu.memory_space<vmem>> -> memref<80xi32, #tpu.memory_space<vmem>>
        %dma_wait3A_33 = arith.constant 0 : i32
        %dma_wait3A_34 = arith.constant 0 : i32
        %dma_wait3A_35 = tpu.memref_slice %arg8[%dma_wait3A_33, %dma_wait3A_34] : memref<10000x128xf32, #tpu.memory_space<vmem_shared>> -> memref<10000x128xf32, #tpu.memory_space<vmem_shared>>
        tpu.wait_indirect_dma semaphore(%run_scoped3A : memref<!tpu.dma_semaphore, #tpu.memory_space<semaphore_mem>>) src(%arg7 : memref<80x128xf32, #tpu.memory_space<vmem>>) dst(%dma_wait3A_35 : memref<10000x128xf32, #tpu.memory_space<vmem_shared>>)
        tpu.yield
      }) : () -> ()
    }
    %scan3A_10 = arith.constant 125 : i32
    %barrier3A_11 = arith.constant 0 : index
    tpu.barrier barrier_id(%barrier3A_11)
    %mul3A_12 = arith.constant 624 : i32
    %mul3A_13 = arith.muli %arg1, %mul3A_12 : i32
    %mul3A_14 = arith.constant 624 : i32
    %mul3A_15 = arith.muli %arg1, %mul3A_14 : i32
    "tpu.region"() ({
      %run_scoped3A = tpu.sem_alloc : memref<!tpu.dma_semaphore, #tpu.memory_space<semaphore_mem>>
      %dma_start3A = arith.constant 0 : i32
      %dma_start3A_21 = tpu.memref_slice %arg5[%arg0, %mul3A_15, %dma_start3A] : memref<2x10000x128xf32, #tpu.memory_space<hbm>> -> memref<1x624x128xf32, #tpu.memory_space<hbm>>
      %dma_start3A_22 = tpu.memref_squeeze %dma_start3A_21 : memref<1x624x128xf32, #tpu.memory_space<hbm>> -> memref<624x128xf32, #tpu.memory_space<hbm>>
      %dma_start3A_23 = arith.constant 0 : i32
      %dma_start3A_24 = tpu.memref_slice %arg8[%mul3A_13, %dma_start3A_23] : memref<10000x128xf32, #tpu.memory_space<vmem_shared>> -> memref<624x128xf32, #tpu.memory_space<vmem_shared>>
      tpu.enqueue_dma source(%dma_start3A_24 : memref<624x128xf32, #tpu.memory_space<vmem_shared>>) target(%dma_start3A_22 : memref<624x128xf32, #tpu.memory_space<hbm>>) target_semaphore(%run_scoped3A : memref<!tpu.dma_semaphore, #tpu.memory_space<semaphore_mem>>)
      %dma_wait3A = arith.constant 0 : i32
      %dma_wait3A_25 = tpu.memref_slice %arg5[%arg0, %mul3A_15, %dma_wait3A] : memref<2x10000x128xf32, #tpu.memory_space<hbm>> -> memref<1x624x128xf32, #tpu.memory_space<hbm>>
      %dma_wait3A_26 = tpu.memref_squeeze %dma_wait3A_25 : memref<1x624x128xf32, #tpu.memory_space<hbm>> -> memref<624x128xf32, #tpu.memory_space<hbm>>
      %dma_wait3A_27 = arith.constant 0 : i32
      %dma_wait3A_28 = tpu.memref_slice %arg8[%mul3A_13, %dma_wait3A_27] : memref<10000x128xf32, #tpu.memory_space<vmem_shared>> -> memref<624x128xf32, #tpu.memory_space<vmem_shared>>
      tpu.wait_dma2 semaphore(%run_scoped3A : memref<!tpu.dma_semaphore, #tpu.memory_space<semaphore_mem>>) src(%dma_wait3A_28 : memref<624x128xf32, #tpu.memory_space<vmem_shared>>) dst(%dma_wait3A_26 : memref<624x128xf32, #tpu.memory_space<hbm>>)
      tpu.yield
    }) : () -> ()
    %eq3A_16 = arith.constant 15 : i32
    %eq3A_17 = arith.cmpi eq, %arg1, %eq3A_16 : i32
    %convert_element_type3A_18 = arith.extui %eq3A_17 : i1 to i32
    %cond3A_19 = arith.constant 0 : i32
    %cond3A_20 = arith.cmpi ne, %convert_element_type3A_18, %cond3A_19 : i32
    scf.if %cond3A_20 {
      "tpu.region"() ({
        %run_scoped3A = tpu.sem_alloc : memref<!tpu.dma_semaphore, #tpu.memory_space<semaphore_mem>>
        %dma_start3A = arith.constant 9984 : i32
        %dma_start3A_21 = arith.constant 0 : i32
        %dma_start3A_22 = tpu.memref_slice %arg5[%arg0, %dma_start3A, %dma_start3A_21] : memref<2x10000x128xf32, #tpu.memory_space<hbm>> -> memref<1x16x128xf32, #tpu.memory_space<hbm>>
        %dma_start3A_23 = tpu.memref_squeeze %dma_start3A_22 : memref<1x16x128xf32, #tpu.memory_space<hbm>> -> memref<16x128xf32, #tpu.memory_space<hbm>>
        %dma_start3A_24 = arith.constant 9984 : i32
        %dma_start3A_25 = arith.constant 0 : i32
        %dma_start3A_26 = tpu.memref_slice %arg8[%dma_start3A_24, %dma_start3A_25] : memref<10000x128xf32, #tpu.memory_space<vmem_shared>> -> memref<16x128xf32, #tpu.memory_space<vmem_shared>>
        tpu.enqueue_dma source(%dma_start3A_26 : memref<16x128xf32, #tpu.memory_space<vmem_shared>>) target(%dma_start3A_23 : memref<16x128xf32, #tpu.memory_space<hbm>>) target_semaphore(%run_scoped3A : memref<!tpu.dma_semaphore, #tpu.memory_space<semaphore_mem>>)
        %dma_wait3A = arith.constant 9984 : i32
        %dma_wait3A_27 = arith.constant 0 : i32
        %dma_wait3A_28 = tpu.memref_slice %arg5[%arg0, %dma_wait3A, %dma_wait3A_27] : memref<2x10000x128xf32, #tpu.memory_space<hbm>> -> memref<1x16x128xf32, #tpu.memory_space<hbm>>
        %dma_wait3A_29 = tpu.memref_squeeze %dma_wait3A_28 : memref<1x16x128xf32, #tpu.memory_space<hbm>> -> memref<16x128xf32, #tpu.memory_space<hbm>>
        %dma_wait3A_30 = arith.constant 9984 : i32
        %dma_wait3A_31 = arith.constant 0 : i32
        %dma_wait3A_32 = tpu.memref_slice %arg8[%dma_wait3A_30, %dma_wait3A_31] : memref<10000x128xf32, #tpu.memory_space<vmem_shared>> -> memref<16x128xf32, #tpu.memory_space<vmem_shared>>
        tpu.wait_dma2 semaphore(%run_scoped3A : memref<!tpu.dma_semaphore, #tpu.memory_space<semaphore_mem>>) src(%dma_wait3A_32 : memref<16x128xf32, #tpu.memory_space<vmem_shared>>) dst(%dma_wait3A_29 : memref<16x128xf32, #tpu.memory_space<hbm>>)
        tpu.yield
      }) : () -> ()
    } else {
    }
    return
  }
}

#map = affine_map<(d0, d1) -> (0, 0)>
#map1 = affine_map<(d0, d1) -> (0, 0, 0)>
module attributes {stable_mosaic.version = 14 : i64} {
  func.func @prop_kernel(%arg0: i32, %arg1: i32, %arg2: memref<10000x128xf32, #tpu.memory_space<hbm>>, %arg3: memref<32x10000xi32, #tpu.memory_space<hbm>>, %arg4: memref<32x125x80xi32, #tpu.memory_space<hbm>>, %arg5: memref<624x128xf32, #tpu.memory_space<hbm>>, %arg6: memref<2x10000x128xf32, #tpu.memory_space<hbm>>, %arg7: memref<10000xi32, #tpu.memory_space<vmem>>, %arg8: memref<125x80xi32, #tpu.memory_space<vmem>>, %arg9: memref<80x128xf32, #tpu.memory_space<vmem>>, %arg10: memref<80x128xf32, #tpu.memory_space<vmem>>, %arg11: memref<10000x128xf32, #tpu.memory_space<vmem_shared>>, %arg12: memref<!tpu.dma_semaphore, #tpu.memory_space<semaphore_mem>>, %arg13: memref<!tpu.dma_semaphore, #tpu.memory_space<semaphore_mem>>) attributes {dimension_semantics = [#tpu.dimension_semantics<core_parallel>, #tpu.dimension_semantics<subcore_parallel>], iteration_bounds = array<i64: 2, 16>, scalar_prefetch = 0 : i64, scratch_operands = 7 : i64, tpu.core_type = #tpu.core_type<sc_vector_subcore>, window_params = [{transform_indices = #map}, {transform_indices = #map}, {transform_indices = #map1}, {transform_indices = #map}, {transform_indices = #map1}]} {
    %mul3A = arith.constant 2 : i32
    %mul3A_0 = arith.muli %arg1, %mul3A : i32
    %add3A = arith.addi %mul3A_0, %arg0 : i32
    %mul3A_1 = arith.constant 624 : i32
    %mul3A_2 = arith.muli %arg1, %mul3A_1 : i32
    %mul3A_3 = arith.constant 624 : i32
    %mul3A_4 = arith.muli %arg1, %mul3A_3 : i32
    "tpu.region"() ({
      %run_scoped3A_34 = tpu.sem_alloc : memref<!tpu.dma_semaphore, #tpu.memory_space<semaphore_mem>>
      %dma_start3A_35 = arith.constant 0 : i32
      %dma_start3A_36 = tpu.memref_slice %arg11[%mul3A_4, %dma_start3A_35] : memref<10000x128xf32, #tpu.memory_space<vmem_shared>> -> memref<624x128xf32, #tpu.memory_space<vmem_shared>>
      %dma_start3A_37 = arith.constant 0 : i32
      %dma_start3A_38 = arith.constant 0 : i32
      %dma_start3A_39 = tpu.memref_slice %arg5[%dma_start3A_37, %dma_start3A_38] : memref<624x128xf32, #tpu.memory_space<hbm>> -> memref<624x128xf32, #tpu.memory_space<hbm>>
      tpu.enqueue_dma source(%dma_start3A_39 : memref<624x128xf32, #tpu.memory_space<hbm>>) target(%dma_start3A_36 : memref<624x128xf32, #tpu.memory_space<vmem_shared>>) target_semaphore(%run_scoped3A_34 : memref<!tpu.dma_semaphore, #tpu.memory_space<semaphore_mem>>)
      %dma_wait3A_40 = arith.constant 0 : i32
      %dma_wait3A_41 = tpu.memref_slice %arg11[%mul3A_4, %dma_wait3A_40] : memref<10000x128xf32, #tpu.memory_space<vmem_shared>> -> memref<624x128xf32, #tpu.memory_space<vmem_shared>>
      %dma_wait3A_42 = arith.constant 0 : i32
      %dma_wait3A_43 = arith.constant 0 : i32
      %dma_wait3A_44 = tpu.memref_slice %arg5[%dma_wait3A_42, %dma_wait3A_43] : memref<624x128xf32, #tpu.memory_space<hbm>> -> memref<624x128xf32, #tpu.memory_space<hbm>>
      tpu.wait_dma2 semaphore(%run_scoped3A_34 : memref<!tpu.dma_semaphore, #tpu.memory_space<semaphore_mem>>) src(%dma_wait3A_44 : memref<624x128xf32, #tpu.memory_space<hbm>>) dst(%dma_wait3A_41 : memref<624x128xf32, #tpu.memory_space<vmem_shared>>)
      tpu.yield
    }) : () -> ()
    %eq3A = arith.constant 15 : i32
    %eq3A_5 = arith.cmpi eq, %arg1, %eq3A : i32
    %convert_element_type3A = arith.extui %eq3A_5 : i1 to i32
    %cond3A = arith.constant 0 : i32
    %cond3A_6 = arith.cmpi ne, %convert_element_type3A, %cond3A : i32
    scf.if %cond3A_6 {
      "tpu.region"() ({
        %run_scoped3A_34 = tpu.sem_alloc : memref<!tpu.dma_semaphore, #tpu.memory_space<semaphore_mem>>
        %dma_start3A_35 = arith.constant 9984 : i32
        %dma_start3A_36 = arith.constant 0 : i32
        %dma_start3A_37 = tpu.memref_slice %arg11[%dma_start3A_35, %dma_start3A_36] : memref<10000x128xf32, #tpu.memory_space<vmem_shared>> -> memref<16x128xf32, #tpu.memory_space<vmem_shared>>
        %dma_start3A_38 = arith.constant 0 : i32
        %dma_start3A_39 = arith.constant 0 : i32
        %dma_start3A_40 = tpu.memref_slice %arg5[%dma_start3A_38, %dma_start3A_39] : memref<624x128xf32, #tpu.memory_space<hbm>> -> memref<16x128xf32, #tpu.memory_space<hbm>>
        tpu.enqueue_dma source(%dma_start3A_40 : memref<16x128xf32, #tpu.memory_space<hbm>>) target(%dma_start3A_37 : memref<16x128xf32, #tpu.memory_space<vmem_shared>>) target_semaphore(%run_scoped3A_34 : memref<!tpu.dma_semaphore, #tpu.memory_space<semaphore_mem>>)
        %dma_wait3A_41 = arith.constant 9984 : i32
        %dma_wait3A_42 = arith.constant 0 : i32
        %dma_wait3A_43 = tpu.memref_slice %arg11[%dma_wait3A_41, %dma_wait3A_42] : memref<10000x128xf32, #tpu.memory_space<vmem_shared>> -> memref<16x128xf32, #tpu.memory_space<vmem_shared>>
        %dma_wait3A_44 = arith.constant 0 : i32
        %dma_wait3A_45 = arith.constant 0 : i32
        %dma_wait3A_46 = tpu.memref_slice %arg5[%dma_wait3A_44, %dma_wait3A_45] : memref<624x128xf32, #tpu.memory_space<hbm>> -> memref<16x128xf32, #tpu.memory_space<hbm>>
        tpu.wait_dma2 semaphore(%run_scoped3A_34 : memref<!tpu.dma_semaphore, #tpu.memory_space<semaphore_mem>>) src(%dma_wait3A_46 : memref<16x128xf32, #tpu.memory_space<hbm>>) dst(%dma_wait3A_43 : memref<16x128xf32, #tpu.memory_space<vmem_shared>>)
        tpu.yield
      }) : () -> ()
    } else {
    }
    "tpu.region"() ({
      %run_scoped3A_34 = tpu.sem_alloc : memref<!tpu.dma_semaphore, #tpu.memory_space<semaphore_mem>>
      %dma_start3A_35 = arith.constant 0 : i32
      %dma_start3A_36 = tpu.memref_slice %arg3[%add3A, %dma_start3A_35] : memref<32x10000xi32, #tpu.memory_space<hbm>> -> memref<1x10000xi32, #tpu.memory_space<hbm>>
      %dma_start3A_37 = tpu.memref_squeeze %dma_start3A_36 : memref<1x10000xi32, #tpu.memory_space<hbm>> -> memref<10000xi32, #tpu.memory_space<hbm>>
      %dma_start3A_38 = arith.constant 0 : i32
      %dma_start3A_39 = tpu.memref_slice %arg3[%add3A, %dma_start3A_38] : memref<32x10000xi32, #tpu.memory_space<hbm>> -> memref<1x10000xi32, #tpu.memory_space<hbm>>
      %dma_start3A_40 = tpu.memref_squeeze %dma_start3A_39 : memref<1x10000xi32, #tpu.memory_space<hbm>> -> memref<10000xi32, #tpu.memory_space<hbm>>
      tpu.enqueue_dma source(%dma_start3A_40 : memref<10000xi32, #tpu.memory_space<hbm>>) target(%arg7 : memref<10000xi32, #tpu.memory_space<vmem>>) target_semaphore(%run_scoped3A_34 : memref<!tpu.dma_semaphore, #tpu.memory_space<semaphore_mem>>)
      %dma_wait3A_41 = arith.constant 0 : i32
      %dma_wait3A_42 = tpu.memref_slice %arg3[%add3A, %dma_wait3A_41] : memref<32x10000xi32, #tpu.memory_space<hbm>> -> memref<1x10000xi32, #tpu.memory_space<hbm>>
      %dma_wait3A_43 = tpu.memref_squeeze %dma_wait3A_42 : memref<1x10000xi32, #tpu.memory_space<hbm>> -> memref<10000xi32, #tpu.memory_space<hbm>>
      %dma_wait3A_44 = arith.constant 0 : i32
      %dma_wait3A_45 = tpu.memref_slice %arg3[%add3A, %dma_wait3A_44] : memref<32x10000xi32, #tpu.memory_space<hbm>> -> memref<1x10000xi32, #tpu.memory_space<hbm>>
      %dma_wait3A_46 = tpu.memref_squeeze %dma_wait3A_45 : memref<1x10000xi32, #tpu.memory_space<hbm>> -> memref<10000xi32, #tpu.memory_space<hbm>>
      tpu.wait_dma2 semaphore(%run_scoped3A_34 : memref<!tpu.dma_semaphore, #tpu.memory_space<semaphore_mem>>) src(%dma_wait3A_46 : memref<10000xi32, #tpu.memory_space<hbm>>) dst(%arg7 : memref<10000xi32, #tpu.memory_space<vmem>>)
      tpu.yield
    }) : () -> ()
    "tpu.region"() ({
      %run_scoped3A_34 = tpu.sem_alloc : memref<!tpu.dma_semaphore, #tpu.memory_space<semaphore_mem>>
      %dma_start3A_35 = arith.constant 0 : i32
      %dma_start3A_36 = arith.constant 0 : i32
      %dma_start3A_37 = tpu.memref_slice %arg4[%add3A, %dma_start3A_35, %dma_start3A_36] : memref<32x125x80xi32, #tpu.memory_space<hbm>> -> memref<1x125x80xi32, #tpu.memory_space<hbm>>
      %dma_start3A_38 = tpu.memref_squeeze %dma_start3A_37 : memref<1x125x80xi32, #tpu.memory_space<hbm>> -> memref<125x80xi32, #tpu.memory_space<hbm>>
      %dma_start3A_39 = arith.constant 0 : i32
      %dma_start3A_40 = arith.constant 0 : i32
      %dma_start3A_41 = tpu.memref_slice %arg4[%add3A, %dma_start3A_39, %dma_start3A_40] : memref<32x125x80xi32, #tpu.memory_space<hbm>> -> memref<1x125x80xi32, #tpu.memory_space<hbm>>
      %dma_start3A_42 = tpu.memref_squeeze %dma_start3A_41 : memref<1x125x80xi32, #tpu.memory_space<hbm>> -> memref<125x80xi32, #tpu.memory_space<hbm>>
      tpu.enqueue_dma source(%dma_start3A_42 : memref<125x80xi32, #tpu.memory_space<hbm>>) target(%arg8 : memref<125x80xi32, #tpu.memory_space<vmem>>) target_semaphore(%run_scoped3A_34 : memref<!tpu.dma_semaphore, #tpu.memory_space<semaphore_mem>>)
      %dma_wait3A_43 = arith.constant 0 : i32
      %dma_wait3A_44 = arith.constant 0 : i32
      %dma_wait3A_45 = tpu.memref_slice %arg4[%add3A, %dma_wait3A_43, %dma_wait3A_44] : memref<32x125x80xi32, #tpu.memory_space<hbm>> -> memref<1x125x80xi32, #tpu.memory_space<hbm>>
      %dma_wait3A_46 = tpu.memref_squeeze %dma_wait3A_45 : memref<1x125x80xi32, #tpu.memory_space<hbm>> -> memref<125x80xi32, #tpu.memory_space<hbm>>
      %dma_wait3A_47 = arith.constant 0 : i32
      %dma_wait3A_48 = arith.constant 0 : i32
      %dma_wait3A_49 = tpu.memref_slice %arg4[%add3A, %dma_wait3A_47, %dma_wait3A_48] : memref<32x125x80xi32, #tpu.memory_space<hbm>> -> memref<1x125x80xi32, #tpu.memory_space<hbm>>
      %dma_wait3A_50 = tpu.memref_squeeze %dma_wait3A_49 : memref<1x125x80xi32, #tpu.memory_space<hbm>> -> memref<125x80xi32, #tpu.memory_space<hbm>>
      tpu.wait_dma2 semaphore(%run_scoped3A_34 : memref<!tpu.dma_semaphore, #tpu.memory_space<semaphore_mem>>) src(%dma_wait3A_50 : memref<125x80xi32, #tpu.memory_space<hbm>>) dst(%arg8 : memref<125x80xi32, #tpu.memory_space<vmem>>)
      tpu.yield
    }) : () -> ()
    %dma_start3A = arith.constant 0 : i32
    %dma_start3A_7 = tpu.memref_slice %arg7[%dma_start3A] : memref<10000xi32, #tpu.memory_space<vmem>> -> memref<80xi32, #tpu.memory_space<vmem>>
    %dma_start3A_8 = arith.constant 0 : i32
    %dma_start3A_9 = arith.constant 0 : i32
    %dma_start3A_10 = tpu.memref_slice %arg2[%dma_start3A_8, %dma_start3A_9] : memref<10000x128xf32, #tpu.memory_space<hbm>> -> memref<10000x128xf32, #tpu.memory_space<hbm>>
    tpu.enqueue_indirect_dma source(%dma_start3A_10 : memref<10000x128xf32, #tpu.memory_space<hbm>>) target(%arg9 : memref<80x128xf32, #tpu.memory_space<vmem>>) offsets(%dma_start3A_7 : memref<80xi32, #tpu.memory_space<vmem>>) semaphore(%arg12 : memref<!tpu.dma_semaphore, #tpu.memory_space<semaphore_mem>>)
    %dma_start3A_11 = arith.constant 80 : i32
    %dma_start3A_12 = tpu.memref_slice %arg7[%dma_start3A_11] : memref<10000xi32, #tpu.memory_space<vmem>> -> memref<80xi32, #tpu.memory_space<vmem>>
    %dma_start3A_13 = arith.constant 0 : i32
    %dma_start3A_14 = arith.constant 0 : i32
    %dma_start3A_15 = tpu.memref_slice %arg2[%dma_start3A_13, %dma_start3A_14] : memref<10000x128xf32, #tpu.memory_space<hbm>> -> memref<10000x128xf32, #tpu.memory_space<hbm>>
    tpu.enqueue_indirect_dma source(%dma_start3A_15 : memref<10000x128xf32, #tpu.memory_space<hbm>>) target(%arg10 : memref<80x128xf32, #tpu.memory_space<vmem>>) offsets(%dma_start3A_12 : memref<80xi32, #tpu.memory_space<vmem>>) semaphore(%arg13 : memref<!tpu.dma_semaphore, #tpu.memory_space<semaphore_mem>>)
    %barrier3A = arith.constant 0 : index
    tpu.barrier barrier_id(%barrier3A)
    %scan3A = arith.constant 0 : i32
    %scan3A_16 = arith.constant 62 : i32
    %scan3A_17 = arith.addi %scan3A, %scan3A_16 : i32
    %scan3A_18 = arith.constant 1 : i32
    scf.for %scan3A_34 = %scan3A to %scan3A_17 step %scan3A_18  : i32 {
      %mul3A_35 = arith.constant 1 : i32
      %mul3A_36 = arith.muli %scan3A_34, %mul3A_35 : i32
      %add3A_37 = arith.constant 0 : i32
      %add3A_38 = arith.addi %add3A_37, %mul3A_36 : i32
      %mul3A_39 = arith.constant 2 : i32
      %mul3A_40 = arith.muli %add3A_38, %mul3A_39 : i32
      %add3A_41 = arith.constant 0 : i32
      %add3A_42 = arith.addi %mul3A_40, %add3A_41 : i32
      %dma_wait3A_43 = arith.constant 0 : i32
      %dma_wait3A_44 = tpu.memref_slice %arg7[%dma_wait3A_43] : memref<10000xi32, #tpu.memory_space<vmem>> -> memref<80xi32, #tpu.memory_space<vmem>>
      %dma_wait3A_45 = arith.constant 0 : i32
      %dma_wait3A_46 = arith.constant 0 : i32
      %dma_wait3A_47 = tpu.memref_slice %arg2[%dma_wait3A_45, %dma_wait3A_46] : memref<10000x128xf32, #tpu.memory_space<hbm>> -> memref<10000x128xf32, #tpu.memory_space<hbm>>
      tpu.wait_indirect_dma semaphore(%arg12 : memref<!tpu.dma_semaphore, #tpu.memory_space<semaphore_mem>>) src(%dma_wait3A_47 : memref<10000x128xf32, #tpu.memory_space<hbm>>) dst(%arg9 : memref<80x128xf32, #tpu.memory_space<vmem>>)
      "tpu.region"() ({
        %run_scoped3A_70 = tpu.sem_alloc : memref<!tpu.dma_semaphore, #tpu.memory_space<semaphore_mem>>
        %dma_start3A_71 = arith.constant 0 : i32
        %dma_start3A_72 = tpu.memref_slice %arg8[%add3A_42, %dma_start3A_71] : memref<125x80xi32, #tpu.memory_space<vmem>> -> memref<1x80xi32, #tpu.memory_space<vmem>>
        %dma_start3A_73 = tpu.memref_squeeze %dma_start3A_72 : memref<1x80xi32, #tpu.memory_space<vmem>> -> memref<80xi32, #tpu.memory_space<vmem>>
        %dma_start3A_74 = arith.constant 0 : i32
        %dma_start3A_75 = arith.constant 0 : i32
        %dma_start3A_76 = tpu.memref_slice %arg11[%dma_start3A_74, %dma_start3A_75] : memref<10000x128xf32, #tpu.memory_space<vmem_shared>> -> memref<10000x128xf32, #tpu.memory_space<vmem_shared>>
        tpu.enqueue_indirect_dma source(%arg9 : memref<80x128xf32, #tpu.memory_space<vmem>>) target(%dma_start3A_76 : memref<10000x128xf32, #tpu.memory_space<vmem_shared>>) offsets(%dma_start3A_73 : memref<80xi32, #tpu.memory_space<vmem>>) semaphore(%run_scoped3A_70 : memref<!tpu.dma_semaphore, #tpu.memory_space<semaphore_mem>>) {add = true}
        %dma_wait3A_77 = arith.constant 0 : i32
        %dma_wait3A_78 = tpu.memref_slice %arg8[%add3A_42, %dma_wait3A_77] : memref<125x80xi32, #tpu.memory_space<vmem>> -> memref<1x80xi32, #tpu.memory_space<vmem>>
        %dma_wait3A_79 = tpu.memref_squeeze %dma_wait3A_78 : memref<1x80xi32, #tpu.memory_space<vmem>> -> memref<80xi32, #tpu.memory_space<vmem>>
        %dma_wait3A_80 = arith.constant 0 : i32
        %dma_wait3A_81 = arith.constant 0 : i32
        %dma_wait3A_82 = tpu.memref_slice %arg11[%dma_wait3A_80, %dma_wait3A_81] : memref<10000x128xf32, #tpu.memory_space<vmem_shared>> -> memref<10000x128xf32, #tpu.memory_space<vmem_shared>>
        tpu.wait_indirect_dma semaphore(%run_scoped3A_70 : memref<!tpu.dma_semaphore, #tpu.memory_space<semaphore_mem>>) src(%arg9 : memref<80x128xf32, #tpu.memory_space<vmem>>) dst(%dma_wait3A_82 : memref<10000x128xf32, #tpu.memory_space<vmem_shared>>)
        tpu.yield
      }) : () -> ()
      %add3A_48 = arith.constant 2 : i32
      %add3A_49 = arith.addi %add3A_42, %add3A_48 : i32
      %lt3A = arith.constant 125 : i32
      %lt3A_50 = arith.cmpi slt, %add3A_49, %lt3A : i32
      %convert_element_type3A_51 = arith.extui %lt3A_50 : i1 to i32
      %cond3A_52 = arith.constant 0 : i32
      %cond3A_53 = arith.cmpi ne, %convert_element_type3A_51, %cond3A_52 : i32
      scf.if %cond3A_53 {
        %add3A_70 = arith.constant 2 : i32
        %add3A_71 = arith.addi %add3A_42, %add3A_70 : i32
        %mul3A_72 = arith.constant 80 : i32
        %mul3A_73 = arith.muli %add3A_71, %mul3A_72 : i32
        %dma_start3A_74 = tpu.memref_slice %arg7[%mul3A_73] : memref<10000xi32, #tpu.memory_space<vmem>> -> memref<80xi32, #tpu.memory_space<vmem>>
        %dma_start3A_75 = arith.constant 0 : i32
        %dma_start3A_76 = arith.constant 0 : i32
        %dma_start3A_77 = tpu.memref_slice %arg2[%dma_start3A_75, %dma_start3A_76] : memref<10000x128xf32, #tpu.memory_space<hbm>> -> memref<10000x128xf32, #tpu.memory_space<hbm>>
        tpu.enqueue_indirect_dma source(%dma_start3A_77 : memref<10000x128xf32, #tpu.memory_space<hbm>>) target(%arg9 : memref<80x128xf32, #tpu.memory_space<vmem>>) offsets(%dma_start3A_74 : memref<80xi32, #tpu.memory_space<vmem>>) semaphore(%arg12 : memref<!tpu.dma_semaphore, #tpu.memory_space<semaphore_mem>>)
      } else {
      }
      %mul3A_54 = arith.constant 2 : i32
      %mul3A_55 = arith.muli %add3A_38, %mul3A_54 : i32
      %add3A_56 = arith.constant 1 : i32
      %add3A_57 = arith.addi %mul3A_55, %add3A_56 : i32
      %dma_wait3A_58 = arith.constant 0 : i32
      %dma_wait3A_59 = tpu.memref_slice %arg7[%dma_wait3A_58] : memref<10000xi32, #tpu.memory_space<vmem>> -> memref<80xi32, #tpu.memory_space<vmem>>
      %dma_wait3A_60 = arith.constant 0 : i32
      %dma_wait3A_61 = arith.constant 0 : i32
      %dma_wait3A_62 = tpu.memref_slice %arg2[%dma_wait3A_60, %dma_wait3A_61] : memref<10000x128xf32, #tpu.memory_space<hbm>> -> memref<10000x128xf32, #tpu.memory_space<hbm>>
      tpu.wait_indirect_dma semaphore(%arg13 : memref<!tpu.dma_semaphore, #tpu.memory_space<semaphore_mem>>) src(%dma_wait3A_62 : memref<10000x128xf32, #tpu.memory_space<hbm>>) dst(%arg10 : memref<80x128xf32, #tpu.memory_space<vmem>>)
      "tpu.region"() ({
        %run_scoped3A_70 = tpu.sem_alloc : memref<!tpu.dma_semaphore, #tpu.memory_space<semaphore_mem>>
        %dma_start3A_71 = arith.constant 0 : i32
        %dma_start3A_72 = tpu.memref_slice %arg8[%add3A_57, %dma_start3A_71] : memref<125x80xi32, #tpu.memory_space<vmem>> -> memref<1x80xi32, #tpu.memory_space<vmem>>
        %dma_start3A_73 = tpu.memref_squeeze %dma_start3A_72 : memref<1x80xi32, #tpu.memory_space<vmem>> -> memref<80xi32, #tpu.memory_space<vmem>>
        %dma_start3A_74 = arith.constant 0 : i32
        %dma_start3A_75 = arith.constant 0 : i32
        %dma_start3A_76 = tpu.memref_slice %arg11[%dma_start3A_74, %dma_start3A_75] : memref<10000x128xf32, #tpu.memory_space<vmem_shared>> -> memref<10000x128xf32, #tpu.memory_space<vmem_shared>>
        tpu.enqueue_indirect_dma source(%arg10 : memref<80x128xf32, #tpu.memory_space<vmem>>) target(%dma_start3A_76 : memref<10000x128xf32, #tpu.memory_space<vmem_shared>>) offsets(%dma_start3A_73 : memref<80xi32, #tpu.memory_space<vmem>>) semaphore(%run_scoped3A_70 : memref<!tpu.dma_semaphore, #tpu.memory_space<semaphore_mem>>) {add = true}
        %dma_wait3A_77 = arith.constant 0 : i32
        %dma_wait3A_78 = tpu.memref_slice %arg8[%add3A_57, %dma_wait3A_77] : memref<125x80xi32, #tpu.memory_space<vmem>> -> memref<1x80xi32, #tpu.memory_space<vmem>>
        %dma_wait3A_79 = tpu.memref_squeeze %dma_wait3A_78 : memref<1x80xi32, #tpu.memory_space<vmem>> -> memref<80xi32, #tpu.memory_space<vmem>>
        %dma_wait3A_80 = arith.constant 0 : i32
        %dma_wait3A_81 = arith.constant 0 : i32
        %dma_wait3A_82 = tpu.memref_slice %arg11[%dma_wait3A_80, %dma_wait3A_81] : memref<10000x128xf32, #tpu.memory_space<vmem_shared>> -> memref<10000x128xf32, #tpu.memory_space<vmem_shared>>
        tpu.wait_indirect_dma semaphore(%run_scoped3A_70 : memref<!tpu.dma_semaphore, #tpu.memory_space<semaphore_mem>>) src(%arg10 : memref<80x128xf32, #tpu.memory_space<vmem>>) dst(%dma_wait3A_82 : memref<10000x128xf32, #tpu.memory_space<vmem_shared>>)
        tpu.yield
      }) : () -> ()
      %add3A_63 = arith.constant 2 : i32
      %add3A_64 = arith.addi %add3A_57, %add3A_63 : i32
      %lt3A_65 = arith.constant 125 : i32
      %lt3A_66 = arith.cmpi slt, %add3A_64, %lt3A_65 : i32
      %convert_element_type3A_67 = arith.extui %lt3A_66 : i1 to i32
      %cond3A_68 = arith.constant 0 : i32
      %cond3A_69 = arith.cmpi ne, %convert_element_type3A_67, %cond3A_68 : i32
      scf.if %cond3A_69 {
        %add3A_70 = arith.constant 2 : i32
        %add3A_71 = arith.addi %add3A_57, %add3A_70 : i32
        %mul3A_72 = arith.constant 80 : i32
        %mul3A_73 = arith.muli %add3A_71, %mul3A_72 : i32
        %dma_start3A_74 = tpu.memref_slice %arg7[%mul3A_73] : memref<10000xi32, #tpu.memory_space<vmem>> -> memref<80xi32, #tpu.memory_space<vmem>>
        %dma_start3A_75 = arith.constant 0 : i32
        %dma_start3A_76 = arith.constant 0 : i32
        %dma_start3A_77 = tpu.memref_slice %arg2[%dma_start3A_75, %dma_start3A_76] : memref<10000x128xf32, #tpu.memory_space<hbm>> -> memref<10000x128xf32, #tpu.memory_space<hbm>>
        tpu.enqueue_indirect_dma source(%dma_start3A_77 : memref<10000x128xf32, #tpu.memory_space<hbm>>) target(%arg10 : memref<80x128xf32, #tpu.memory_space<vmem>>) offsets(%dma_start3A_74 : memref<80xi32, #tpu.memory_space<vmem>>) semaphore(%arg13 : memref<!tpu.dma_semaphore, #tpu.memory_space<semaphore_mem>>)
      } else {
      }
    }
    %scan3A_19 = arith.constant 62 : i32
    %dma_wait3A = arith.constant 0 : i32
    %dma_wait3A_20 = tpu.memref_slice %arg7[%dma_wait3A] : memref<10000xi32, #tpu.memory_space<vmem>> -> memref<80xi32, #tpu.memory_space<vmem>>
    %dma_wait3A_21 = arith.constant 0 : i32
    %dma_wait3A_22 = arith.constant 0 : i32
    %dma_wait3A_23 = tpu.memref_slice %arg2[%dma_wait3A_21, %dma_wait3A_22] : memref<10000x128xf32, #tpu.memory_space<hbm>> -> memref<10000x128xf32, #tpu.memory_space<hbm>>
    tpu.wait_indirect_dma semaphore(%arg12 : memref<!tpu.dma_semaphore, #tpu.memory_space<semaphore_mem>>) src(%dma_wait3A_23 : memref<10000x128xf32, #tpu.memory_space<hbm>>) dst(%arg9 : memref<80x128xf32, #tpu.memory_space<vmem>>)
    %run_scoped3A = arith.constant 124 : i32
    "tpu.region"() ({
      %run_scoped3A_34 = tpu.sem_alloc : memref<!tpu.dma_semaphore, #tpu.memory_space<semaphore_mem>>
      %dma_start3A_35 = arith.constant 0 : i32
      %dma_start3A_36 = tpu.memref_slice %arg8[%run_scoped3A, %dma_start3A_35] : memref<125x80xi32, #tpu.memory_space<vmem>> -> memref<1x80xi32, #tpu.memory_space<vmem>>
      %dma_start3A_37 = tpu.memref_squeeze %dma_start3A_36 : memref<1x80xi32, #tpu.memory_space<vmem>> -> memref<80xi32, #tpu.memory_space<vmem>>
      %dma_start3A_38 = arith.constant 0 : i32
      %dma_start3A_39 = arith.constant 0 : i32
      %dma_start3A_40 = tpu.memref_slice %arg11[%dma_start3A_38, %dma_start3A_39] : memref<10000x128xf32, #tpu.memory_space<vmem_shared>> -> memref<10000x128xf32, #tpu.memory_space<vmem_shared>>
      tpu.enqueue_indirect_dma source(%arg9 : memref<80x128xf32, #tpu.memory_space<vmem>>) target(%dma_start3A_40 : memref<10000x128xf32, #tpu.memory_space<vmem_shared>>) offsets(%dma_start3A_37 : memref<80xi32, #tpu.memory_space<vmem>>) semaphore(%run_scoped3A_34 : memref<!tpu.dma_semaphore, #tpu.memory_space<semaphore_mem>>) {add = true}
      %dma_wait3A_41 = arith.constant 0 : i32
      %dma_wait3A_42 = tpu.memref_slice %arg8[%run_scoped3A, %dma_wait3A_41] : memref<125x80xi32, #tpu.memory_space<vmem>> -> memref<1x80xi32, #tpu.memory_space<vmem>>
      %dma_wait3A_43 = tpu.memref_squeeze %dma_wait3A_42 : memref<1x80xi32, #tpu.memory_space<vmem>> -> memref<80xi32, #tpu.memory_space<vmem>>
      %dma_wait3A_44 = arith.constant 0 : i32
      %dma_wait3A_45 = arith.constant 0 : i32
      %dma_wait3A_46 = tpu.memref_slice %arg11[%dma_wait3A_44, %dma_wait3A_45] : memref<10000x128xf32, #tpu.memory_space<vmem_shared>> -> memref<10000x128xf32, #tpu.memory_space<vmem_shared>>
      tpu.wait_indirect_dma semaphore(%run_scoped3A_34 : memref<!tpu.dma_semaphore, #tpu.memory_space<semaphore_mem>>) src(%arg9 : memref<80x128xf32, #tpu.memory_space<vmem>>) dst(%dma_wait3A_46 : memref<10000x128xf32, #tpu.memory_space<vmem_shared>>)
      tpu.yield
    }) : () -> ()
    %barrier3A_24 = arith.constant 0 : index
    tpu.barrier barrier_id(%barrier3A_24)
    %mul3A_25 = arith.constant 624 : i32
    %mul3A_26 = arith.muli %arg1, %mul3A_25 : i32
    %mul3A_27 = arith.constant 624 : i32
    %mul3A_28 = arith.muli %arg1, %mul3A_27 : i32
    "tpu.region"() ({
      %run_scoped3A_34 = tpu.sem_alloc : memref<!tpu.dma_semaphore, #tpu.memory_space<semaphore_mem>>
      %dma_start3A_35 = arith.constant 0 : i32
      %dma_start3A_36 = tpu.memref_slice %arg6[%arg0, %mul3A_28, %dma_start3A_35] : memref<2x10000x128xf32, #tpu.memory_space<hbm>> -> memref<1x624x128xf32, #tpu.memory_space<hbm>>
      %dma_start3A_37 = tpu.memref_squeeze %dma_start3A_36 : memref<1x624x128xf32, #tpu.memory_space<hbm>> -> memref<624x128xf32, #tpu.memory_space<hbm>>
      %dma_start3A_38 = arith.constant 0 : i32
      %dma_start3A_39 = tpu.memref_slice %arg11[%mul3A_26, %dma_start3A_38] : memref<10000x128xf32, #tpu.memory_space<vmem_shared>> -> memref<624x128xf32, #tpu.memory_space<vmem_shared>>
      tpu.enqueue_dma source(%dma_start3A_39 : memref<624x128xf32, #tpu.memory_space<vmem_shared>>) target(%dma_start3A_37 : memref<624x128xf32, #tpu.memory_space<hbm>>) target_semaphore(%run_scoped3A_34 : memref<!tpu.dma_semaphore, #tpu.memory_space<semaphore_mem>>)
      %dma_wait3A_40 = arith.constant 0 : i32
      %dma_wait3A_41 = tpu.memref_slice %arg6[%arg0, %mul3A_28, %dma_wait3A_40] : memref<2x10000x128xf32, #tpu.memory_space<hbm>> -> memref<1x624x128xf32, #tpu.memory_space<hbm>>
      %dma_wait3A_42 = tpu.memref_squeeze %dma_wait3A_41 : memref<1x624x128xf32, #tpu.memory_space<hbm>> -> memref<624x128xf32, #tpu.memory_space<hbm>>
      %dma_wait3A_43 = arith.constant 0 : i32
      %dma_wait3A_44 = tpu.memref_slice %arg11[%mul3A_26, %dma_wait3A_43] : memref<10000x128xf32, #tpu.memory_space<vmem_shared>> -> memref<624x128xf32, #tpu.memory_space<vmem_shared>>
      tpu.wait_dma2 semaphore(%run_scoped3A_34 : memref<!tpu.dma_semaphore, #tpu.memory_space<semaphore_mem>>) src(%dma_wait3A_44 : memref<624x128xf32, #tpu.memory_space<vmem_shared>>) dst(%dma_wait3A_42 : memref<624x128xf32, #tpu.memory_space<hbm>>)
      tpu.yield
    }) : () -> ()
    %eq3A_29 = arith.constant 15 : i32
    %eq3A_30 = arith.cmpi eq, %arg1, %eq3A_29 : i32
    %convert_element_type3A_31 = arith.extui %eq3A_30 : i1 to i32
    %cond3A_32 = arith.constant 0 : i32
    %cond3A_33 = arith.cmpi ne, %convert_element_type3A_31, %cond3A_32 : i32
    scf.if %cond3A_33 {
      "tpu.region"() ({
        %run_scoped3A_34 = tpu.sem_alloc : memref<!tpu.dma_semaphore, #tpu.memory_space<semaphore_mem>>
        %dma_start3A_35 = arith.constant 9984 : i32
        %dma_start3A_36 = arith.constant 0 : i32
        %dma_start3A_37 = tpu.memref_slice %arg6[%arg0, %dma_start3A_35, %dma_start3A_36] : memref<2x10000x128xf32, #tpu.memory_space<hbm>> -> memref<1x16x128xf32, #tpu.memory_space<hbm>>
        %dma_start3A_38 = tpu.memref_squeeze %dma_start3A_37 : memref<1x16x128xf32, #tpu.memory_space<hbm>> -> memref<16x128xf32, #tpu.memory_space<hbm>>
        %dma_start3A_39 = arith.constant 9984 : i32
        %dma_start3A_40 = arith.constant 0 : i32
        %dma_start3A_41 = tpu.memref_slice %arg11[%dma_start3A_39, %dma_start3A_40] : memref<10000x128xf32, #tpu.memory_space<vmem_shared>> -> memref<16x128xf32, #tpu.memory_space<vmem_shared>>
        tpu.enqueue_dma source(%dma_start3A_41 : memref<16x128xf32, #tpu.memory_space<vmem_shared>>) target(%dma_start3A_38 : memref<16x128xf32, #tpu.memory_space<hbm>>) target_semaphore(%run_scoped3A_34 : memref<!tpu.dma_semaphore, #tpu.memory_space<semaphore_mem>>)
        %dma_wait3A_42 = arith.constant 9984 : i32
        %dma_wait3A_43 = arith.constant 0 : i32
        %dma_wait3A_44 = tpu.memref_slice %arg6[%arg0, %dma_wait3A_42, %dma_wait3A_43] : memref<2x10000x128xf32, #tpu.memory_space<hbm>> -> memref<1x16x128xf32, #tpu.memory_space<hbm>>
        %dma_wait3A_45 = tpu.memref_squeeze %dma_wait3A_44 : memref<1x16x128xf32, #tpu.memory_space<hbm>> -> memref<16x128xf32, #tpu.memory_space<hbm>>
        %dma_wait3A_46 = arith.constant 9984 : i32
        %dma_wait3A_47 = arith.constant 0 : i32
        %dma_wait3A_48 = tpu.memref_slice %arg11[%dma_wait3A_46, %dma_wait3A_47] : memref<10000x128xf32, #tpu.memory_space<vmem_shared>> -> memref<16x128xf32, #tpu.memory_space<vmem_shared>>
        tpu.wait_dma2 semaphore(%run_scoped3A_34 : memref<!tpu.dma_semaphore, #tpu.memory_space<semaphore_mem>>) src(%dma_wait3A_48 : memref<16x128xf32, #tpu.memory_space<vmem_shared>>) dst(%dma_wait3A_45 : memref<16x128xf32, #tpu.memory_space<hbm>>)
        tpu.yield
      }) : () -> ()
    } else {
    }
    return
  }
}

module attributes {stable_mosaic.version = 14 : i64} {
  func.func @body(%arg0: memref<10000x128xf32, #tpu.memory_space<vmem>>, %arg1: memref<10000x16xf32, #tpu.memory_space<vmem>>, %arg2: memref<2x10000x8xf32, #tpu.memory_space<vmem>>, %arg3: memref<128x112xf32, #tpu.memory_space<vmem>>, %arg4: memref<1x112xf32, #tpu.memory_space<vmem>>, %arg5: memref<1x16xf32, #tpu.memory_space<vmem>>, %arg6: memref<1x16xf32, #tpu.memory_space<vmem>>, %arg7: memref<16x16xf32, #tpu.memory_space<vmem>>, %arg8: memref<1x16xf32, #tpu.memory_space<vmem>>, %arg9: memref<128x128xf32, #tpu.memory_space<vmem>>, %arg10: memref<10000x128xf32, #tpu.memory_space<vmem>>, %arg11: memref<10000x1xf32, #tpu.memory_space<vmem>>) attributes {dimension_semantics = [], scalar_prefetch = 0 : i64, scratch_operands = 0 : i64, tpu.core_type = #tpu.core_type<tc>} {
    %get3A = arith.constant 0 : index
    %get3A_0 = arith.constant 0 : index
    %get3A_1 = arith.constant 0 : index
    %get3A_2 = vector.load %arg2[%get3A, %get3A_0, %get3A_1] : memref<2x10000x8xf32, #tpu.memory_space<vmem>>, vector<1x10000x1xf32>
    %get3A_3 = vector.shape_cast %get3A_2 : vector<1x10000x1xf32> to vector<10000x1xf32>
    %add3A = arith.constant 1.000000e+00 : f32
    %add3A_4 = vector.broadcast %add3A : f32 to vector<10000x1xf32>
    %add3A_5 = arith.addf %add3A_4, %get3A_3 : vector<10000x1xf32>
    %get3A_6 = arith.constant 1 : index
    %get3A_7 = arith.constant 0 : index
    %get3A_8 = arith.constant 0 : index
    %get3A_9 = vector.load %arg2[%get3A_6, %get3A_7, %get3A_8] : memref<2x10000x8xf32, #tpu.memory_space<vmem>>, vector<1x10000x1xf32>
    %get3A_10 = vector.shape_cast %get3A_9 : vector<1x10000x1xf32> to vector<10000x1xf32>
    %add3A_11 = arith.addf %add3A_5, %get3A_10 : vector<10000x1xf32>
    %rsqrt3A = math.rsqrt %add3A_11 : vector<10000x1xf32>
    %swap3A = arith.constant 0 : index
    %swap3A_12 = arith.constant 0 : index
    %swap3A_13 = vector.load %arg11[%swap3A, %swap3A_12] : memref<10000x1xf32, #tpu.memory_space<vmem>>, vector<10000x1xf32>
    tpu.vector_store %arg11[%swap3A, %swap3A_12], %rsqrt3A {strides = array<i32>} : memref<10000x1xf32, #tpu.memory_space<vmem>>, vector<10000x1xf32>,
    %get3A_14 = arith.constant 0 : index
    %get3A_15 = arith.constant 0 : index
    %get3A_16 = vector.load %arg0[%get3A_14, %get3A_15] : memref<10000x128xf32, #tpu.memory_space<vmem>>, vector<10000x128xf32>
    %get3A_17 = arith.constant 0 : index
    %get3A_18 = arith.constant 0 : index
    %get3A_19 = vector.load %arg3[%get3A_17, %get3A_18] : memref<128x112xf32, #tpu.memory_space<vmem>>, vector<128x112xf32>
    %dot_general3A = arith.constant dense<0.000000e+00> : vector<10000x112xf32>
    %dot_general3A_20 = tpu.matmul %get3A_16, %get3A_19, %dot_general3A {dimension_numbers = #tpu.dot_dimension_numbers<[1], [0], [0], [1], [0, 0, 1, 1], [], []>, transpose_lhs_hint = false} : vector<10000x128xf32>, vector<128x112xf32>, vector<10000x112xf32> -> vector<10000x112xf32>
    %get3A_21 = arith.constant 0 : index
    %get3A_22 = arith.constant 0 : index
    %get3A_23 = vector.load %arg4[%get3A_21, %get3A_22] : memref<1x112xf32, #tpu.memory_space<vmem>>, vector<1x112xf32>
    %add3A_24 = vector.broadcast %get3A_23 : vector<1x112xf32> to vector<10000x112xf32>
    %add3A_25 = arith.addf %dot_general3A_20, %add3A_24 : vector<10000x112xf32>
    %get3A_26 = arith.constant 0 : index
    %get3A_27 = arith.constant 0 : index
    %get3A_28 = vector.load %arg1[%get3A_26, %get3A_27] : memref<10000x16xf32, #tpu.memory_space<vmem>>, vector<10000x16xf32>
    %get3A_29 = arith.constant 0 : index
    %get3A_30 = arith.constant 0 : index
    %get3A_31 = vector.load %arg5[%get3A_29, %get3A_30] : memref<1x16xf32, #tpu.memory_space<vmem>>, vector<1x16xf32>
    %get3A_32 = arith.constant 0 : index
    %get3A_33 = arith.constant 0 : index
    %get3A_34 = vector.load %arg6[%get3A_32, %get3A_33] : memref<1x16xf32, #tpu.memory_space<vmem>>, vector<1x16xf32>
    %reduce_sum3A = arith.constant dense<0.000000e+00> : vector<16xf32>
    %reduce_sum3A_35 = vector.multi_reduction <add>, %get3A_28, %reduce_sum3A [0] : vector<10000x16xf32> to vector<16xf32>
    %broadcast_in_dim3A = vector.shape_cast %reduce_sum3A_35 : vector<16xf32> to vector<1x16xf32>
    %div3A = arith.constant 1.000000e+04 : f32
    %div3A_36 = vector.broadcast %div3A : f32 to vector<1x16xf32>
    %div3A_37 = arith.divf %broadcast_in_dim3A, %div3A_36 : vector<1x16xf32>
    %sub3A = vector.broadcast %div3A_37 : vector<1x16xf32> to vector<10000x16xf32>
    %sub3A_38 = arith.subf %get3A_28, %sub3A : vector<10000x16xf32>
    %sub3A_39 = vector.broadcast %div3A_37 : vector<1x16xf32> to vector<10000x16xf32>
    %sub3A_40 = arith.subf %get3A_28, %sub3A_39 : vector<10000x16xf32>
    %mul3A = arith.mulf %sub3A_38, %sub3A_40 : vector<10000x16xf32>
    %reduce_sum3A_41 = arith.constant dense<0.000000e+00> : vector<16xf32>
    %reduce_sum3A_42 = vector.multi_reduction <add>, %mul3A, %reduce_sum3A_41 [0] : vector<10000x16xf32> to vector<16xf32>
    %broadcast_in_dim3A_43 = vector.shape_cast %reduce_sum3A_42 : vector<16xf32> to vector<1x16xf32>
    %div3A_44 = arith.constant 1.000000e+04 : f32
    %div3A_45 = vector.broadcast %div3A_44 : f32 to vector<1x16xf32>
    %div3A_46 = arith.divf %broadcast_in_dim3A_43, %div3A_45 : vector<1x16xf32>
    %sub3A_47 = vector.broadcast %div3A_37 : vector<1x16xf32> to vector<10000x16xf32>
    %sub3A_48 = arith.subf %get3A_28, %sub3A_47 : vector<10000x16xf32>
    %add3A_49 = arith.constant 9.99999974E-6 : f32
    %add3A_50 = vector.broadcast %add3A_49 : f32 to vector<1x16xf32>
    %add3A_51 = arith.addf %div3A_46, %add3A_50 : vector<1x16xf32>
    %rsqrt3A_52 = math.rsqrt %add3A_51 : vector<1x16xf32>
    %mul3A_53 = vector.broadcast %rsqrt3A_52 : vector<1x16xf32> to vector<10000x16xf32>
    %mul3A_54 = arith.mulf %sub3A_48, %mul3A_53 : vector<10000x16xf32>
    %mul3A_55 = vector.broadcast %get3A_31 : vector<1x16xf32> to vector<10000x16xf32>
    %mul3A_56 = arith.mulf %mul3A_54, %mul3A_55 : vector<10000x16xf32>
    %add3A_57 = vector.broadcast %get3A_34 : vector<1x16xf32> to vector<10000x16xf32>
    %add3A_58 = arith.addf %mul3A_56, %add3A_57 : vector<10000x16xf32>
    %get3A_59 = arith.constant 0 : index
    %get3A_60 = arith.constant 0 : index
    %get3A_61 = vector.load %arg7[%get3A_59, %get3A_60] : memref<16x16xf32, #tpu.memory_space<vmem>>, vector<16x16xf32>
    %dot_general3A_62 = arith.constant dense<0.000000e+00> : vector<10000x16xf32>
    %dot_general3A_63 = tpu.matmul %add3A_58, %get3A_61, %dot_general3A_62 {dimension_numbers = #tpu.dot_dimension_numbers<[1], [0], [0], [1], [0, 0, 1, 1], [], []>, transpose_lhs_hint = false} : vector<10000x16xf32>, vector<16x16xf32>, vector<10000x16xf32> -> vector<10000x16xf32>
    %get3A_64 = arith.constant 0 : index
    %get3A_65 = arith.constant 0 : index
    %get3A_66 = vector.load %arg8[%get3A_64, %get3A_65] : memref<1x16xf32, #tpu.memory_space<vmem>>, vector<1x16xf32>
    %add3A_67 = vector.broadcast %get3A_66 : vector<1x16xf32> to vector<10000x16xf32>
    %add3A_68 = arith.addf %dot_general3A_63, %add3A_67 : vector<10000x16xf32>
    %concatenate3A = tpu.concatenate %add3A_25, %add3A_68 in 1 : vector<10000x112xf32>, vector<10000x16xf32> -> vector<10000x128xf32>
    %get3A_69 = arith.constant 0 : index
    %get3A_70 = arith.constant 0 : index
    %get3A_71 = vector.load %arg9[%get3A_69, %get3A_70] : memref<128x128xf32, #tpu.memory_space<vmem>>, vector<128x128xf32>
    %dot_general3A_72 = arith.constant dense<0.000000e+00> : vector<10000x128xf32>
    %dot_general3A_73 = tpu.matmul %concatenate3A, %get3A_71, %dot_general3A_72 {dimension_numbers = #tpu.dot_dimension_numbers<[1], [0], [0], [1], [0, 0, 1, 1], [], []>, transpose_lhs_hint = false} : vector<10000x128xf32>, vector<128x128xf32>, vector<10000x128xf32> -> vector<10000x128xf32>
    %mul3A_74 = vector.broadcast %rsqrt3A : vector<10000x1xf32> to vector<10000x128xf32>
    %mul3A_75 = arith.mulf %dot_general3A_73, %mul3A_74 : vector<10000x128xf32>
    %swap3A_76 = arith.constant 0 : index
    %swap3A_77 = arith.constant 0 : index
    %swap3A_78 = vector.load %arg10[%swap3A_76, %swap3A_77] : memref<10000x128xf32, #tpu.memory_space<vmem>>, vector<10000x128xf32>
    tpu.vector_store %arg10[%swap3A_76, %swap3A_77], %mul3A_75 {strides = array<i32>} : memref<10000x128xf32, #tpu.memory_space<vmem>>, vector<10000x128xf32>,
    return
  }
}

module attributes {stable_mosaic.version = 14 : i64} {
  func.func @body(%arg0: memref<2x10000x128xf32, #tpu.memory_space<vmem>>, %arg1: memref<10000x128xf32, #tpu.memory_space<vmem>>, %arg2: memref<10000x1xf32, #tpu.memory_space<vmem>>, %arg3: memref<1x128xf32, #tpu.memory_space<vmem>>, %arg4: memref<128x128xf32, #tpu.memory_space<vmem>>, %arg5: memref<10000x128xf32, #tpu.memory_space<vmem>>) attributes {dimension_semantics = [], scalar_prefetch = 0 : i64, scratch_operands = 0 : i64, tpu.core_type = #tpu.core_type<tc>} {
    %get3A = arith.constant 0 : index
    %get3A_0 = arith.constant 0 : index
    %get3A_1 = vector.load %arg2[%get3A, %get3A_0] : memref<10000x1xf32, #tpu.memory_space<vmem>>, vector<10000x1xf32>
    %get3A_2 = arith.constant 0 : index
    %get3A_3 = arith.constant 0 : index
    %get3A_4 = arith.constant 0 : index
    %get3A_5 = vector.load %arg0[%get3A_2, %get3A_3, %get3A_4] : memref<2x10000x128xf32, #tpu.memory_space<vmem>>, vector<1x10000x128xf32>
    %get3A_6 = vector.shape_cast %get3A_5 : vector<1x10000x128xf32> to vector<10000x128xf32>
    %get3A_7 = arith.constant 1 : index
    %get3A_8 = arith.constant 0 : index
    %get3A_9 = arith.constant 0 : index
    %get3A_10 = vector.load %arg0[%get3A_7, %get3A_8, %get3A_9] : memref<2x10000x128xf32, #tpu.memory_space<vmem>>, vector<1x10000x128xf32>
    %get3A_11 = vector.shape_cast %get3A_10 : vector<1x10000x128xf32> to vector<10000x128xf32>
    %add3A = arith.addf %get3A_6, %get3A_11 : vector<10000x128xf32>
    %get3A_12 = arith.constant 0 : index
    %get3A_13 = arith.constant 0 : index
    %get3A_14 = vector.load %arg1[%get3A_12, %get3A_13] : memref<10000x128xf32, #tpu.memory_space<vmem>>, vector<10000x128xf32>
    %add3A_15 = arith.addf %add3A, %get3A_14 : vector<10000x128xf32>
    %mul3A = vector.broadcast %get3A_1 : vector<10000x1xf32> to vector<10000x128xf32>
    %mul3A_16 = arith.mulf %mul3A, %add3A_15 : vector<10000x128xf32>
    %get3A_17 = arith.constant 0 : index
    %get3A_18 = arith.constant 0 : index
    %get3A_19 = vector.load %arg3[%get3A_17, %get3A_18] : memref<1x128xf32, #tpu.memory_space<vmem>>, vector<1x128xf32>
    %add3A_20 = vector.broadcast %get3A_19 : vector<1x128xf32> to vector<10000x128xf32>
    %add3A_21 = arith.addf %mul3A_16, %add3A_20 : vector<10000x128xf32>
    %max3A = arith.constant 0.000000e+00 : f32
    %max3A_22 = vector.broadcast %max3A : f32 to vector<10000x128xf32>
    %max3A_23 = arith.maximumf %add3A_21, %max3A_22 : vector<10000x128xf32>
    %get3A_24 = arith.constant 0 : index
    %get3A_25 = arith.constant 0 : index
    %get3A_26 = vector.load %arg4[%get3A_24, %get3A_25] : memref<128x128xf32, #tpu.memory_space<vmem>>, vector<128x128xf32>
    %dot_general3A = arith.constant dense<0.000000e+00> : vector<10000x128xf32>
    %dot_general3A_27 = tpu.matmul %max3A_23, %get3A_26, %dot_general3A {dimension_numbers = #tpu.dot_dimension_numbers<[1], [0], [0], [1], [0, 0, 1, 1], [], []>, transpose_lhs_hint = false} : vector<10000x128xf32>, vector<128x128xf32>, vector<10000x128xf32> -> vector<10000x128xf32>
    %mul3A_28 = vector.broadcast %get3A_1 : vector<10000x1xf32> to vector<10000x128xf32>
    %mul3A_29 = arith.mulf %dot_general3A_27, %mul3A_28 : vector<10000x128xf32>
    %swap3A = arith.constant 0 : index
    %swap3A_30 = arith.constant 0 : index
    %swap3A_31 = vector.load %arg5[%swap3A, %swap3A_30] : memref<10000x128xf32, #tpu.memory_space<vmem>>, vector<10000x128xf32>
    tpu.vector_store %arg5[%swap3A, %swap3A_30], %mul3A_29 {strides = array<i32>} : memref<10000x128xf32, #tpu.memory_space<vmem>>, vector<10000x128xf32>,
    return
  }
}

module attributes {stable_mosaic.version = 14 : i64} {
  func.func @body(%arg0: memref<2x10000x128xf32, #tpu.memory_space<vmem>>, %arg1: memref<10000x128xf32, #tpu.memory_space<vmem>>, %arg2: memref<10000x1xf32, #tpu.memory_space<vmem>>, %arg3: memref<1x128xf32, #tpu.memory_space<vmem>>, %arg4: memref<10000x1xi32, #tpu.memory_space<vmem>>, %arg5: memref<128x64xf32, #tpu.memory_space<vmem>>, %arg6: memref<1x64xf32, #tpu.memory_space<vmem>>, %arg7: memref<1x64xf32, #tpu.memory_space<vmem>>, %arg8: memref<1x64xf32, #tpu.memory_space<vmem>>, %arg9: memref<64x2xf32, #tpu.memory_space<vmem>>, %arg10: memref<1x2xf32, #tpu.memory_space<vmem>>, %arg11: memref<128x64xf32, #tpu.memory_space<vmem>>, %arg12: memref<1x64xf32, #tpu.memory_space<vmem>>, %arg13: memref<1x64xf32, #tpu.memory_space<vmem>>, %arg14: memref<1x64xf32, #tpu.memory_space<vmem>>, %arg15: memref<64x2xf32, #tpu.memory_space<vmem>>, %arg16: memref<1x2xf32, #tpu.memory_space<vmem>>, %arg17: memref<10000x2xf32, #tpu.memory_space<vmem>>, %arg18: memref<16x2xf32, #tpu.memory_space<vmem>>) attributes {dimension_semantics = [], scalar_prefetch = 0 : i64, scratch_operands = 0 : i64, tpu.core_type = #tpu.core_type<tc>} {
    %get3A = arith.constant 0 : index
    %get3A_0 = arith.constant 0 : index
    %get3A_1 = vector.load %arg2[%get3A, %get3A_0] : memref<10000x1xf32, #tpu.memory_space<vmem>>, vector<10000x1xf32>
    %get3A_2 = arith.constant 0 : index
    %get3A_3 = arith.constant 0 : index
    %get3A_4 = arith.constant 0 : index
    %get3A_5 = vector.load %arg0[%get3A_2, %get3A_3, %get3A_4] : memref<2x10000x128xf32, #tpu.memory_space<vmem>>, vector<1x10000x128xf32>
    %get3A_6 = vector.shape_cast %get3A_5 : vector<1x10000x128xf32> to vector<10000x128xf32>
    %get3A_7 = arith.constant 1 : index
    %get3A_8 = arith.constant 0 : index
    %get3A_9 = arith.constant 0 : index
    %get3A_10 = vector.load %arg0[%get3A_7, %get3A_8, %get3A_9] : memref<2x10000x128xf32, #tpu.memory_space<vmem>>, vector<1x10000x128xf32>
    %get3A_11 = vector.shape_cast %get3A_10 : vector<1x10000x128xf32> to vector<10000x128xf32>
    %add3A = arith.addf %get3A_6, %get3A_11 : vector<10000x128xf32>
    %get3A_12 = arith.constant 0 : index
    %get3A_13 = arith.constant 0 : index
    %get3A_14 = vector.load %arg1[%get3A_12, %get3A_13] : memref<10000x128xf32, #tpu.memory_space<vmem>>, vector<10000x128xf32>
    %add3A_15 = arith.addf %add3A, %get3A_14 : vector<10000x128xf32>
    %mul3A = vector.broadcast %get3A_1 : vector<10000x1xf32> to vector<10000x128xf32>
    %mul3A_16 = arith.mulf %mul3A, %add3A_15 : vector<10000x128xf32>
    %get3A_17 = arith.constant 0 : index
    %get3A_18 = arith.constant 0 : index
    %get3A_19 = vector.load %arg3[%get3A_17, %get3A_18] : memref<1x128xf32, #tpu.memory_space<vmem>>, vector<1x128xf32>
    %add3A_20 = vector.broadcast %get3A_19 : vector<1x128xf32> to vector<10000x128xf32>
    %add3A_21 = arith.addf %mul3A_16, %add3A_20 : vector<10000x128xf32>
    %max3A = arith.constant 0.000000e+00 : f32
    %max3A_22 = vector.broadcast %max3A : f32 to vector<10000x128xf32>
    %max3A_23 = arith.maximumf %add3A_21, %max3A_22 : vector<10000x128xf32>
    %get3A_24 = arith.constant 0 : index
    %get3A_25 = arith.constant 0 : index
    %get3A_26 = vector.load %arg5[%get3A_24, %get3A_25] : memref<128x64xf32, #tpu.memory_space<vmem>>, vector<128x64xf32>
    %dot_general3A = arith.constant dense<0.000000e+00> : vector<10000x64xf32>
    %dot_general3A_27 = tpu.matmul %max3A_23, %get3A_26, %dot_general3A {dimension_numbers = #tpu.dot_dimension_numbers<[1], [0], [0], [1], [0, 0, 1, 1], [], []>, transpose_lhs_hint = false} : vector<10000x128xf32>, vector<128x64xf32>, vector<10000x64xf32> -> vector<10000x64xf32>
    %get3A_28 = arith.constant 0 : index
    %get3A_29 = arith.constant 0 : index
    %get3A_30 = vector.load %arg6[%get3A_28, %get3A_29] : memref<1x64xf32, #tpu.memory_space<vmem>>, vector<1x64xf32>
    %add3A_31 = vector.broadcast %get3A_30 : vector<1x64xf32> to vector<10000x64xf32>
    %add3A_32 = arith.addf %dot_general3A_27, %add3A_31 : vector<10000x64xf32>
    %get3A_33 = arith.constant 0 : index
    %get3A_34 = arith.constant 0 : index
    %get3A_35 = vector.load %arg7[%get3A_33, %get3A_34] : memref<1x64xf32, #tpu.memory_space<vmem>>, vector<1x64xf32>
    %get3A_36 = arith.constant 0 : index
    %get3A_37 = arith.constant 0 : index
    %get3A_38 = vector.load %arg8[%get3A_36, %get3A_37] : memref<1x64xf32, #tpu.memory_space<vmem>>, vector<1x64xf32>
    %reduce_sum3A = arith.constant dense<0.000000e+00> : vector<64xf32>
    %reduce_sum3A_39 = vector.multi_reduction <add>, %add3A_32, %reduce_sum3A [0] : vector<10000x64xf32> to vector<64xf32>
    %broadcast_in_dim3A = vector.shape_cast %reduce_sum3A_39 : vector<64xf32> to vector<1x64xf32>
    %div3A = arith.constant 1.000000e+04 : f32
    %div3A_40 = vector.broadcast %div3A : f32 to vector<1x64xf32>
    %div3A_41 = arith.divf %broadcast_in_dim3A, %div3A_40 : vector<1x64xf32>
    %sub3A = vector.broadcast %div3A_41 : vector<1x64xf32> to vector<10000x64xf32>
    %sub3A_42 = arith.subf %add3A_32, %sub3A : vector<10000x64xf32>
    %sub3A_43 = vector.broadcast %div3A_41 : vector<1x64xf32> to vector<10000x64xf32>
    %sub3A_44 = arith.subf %add3A_32, %sub3A_43 : vector<10000x64xf32>
    %mul3A_45 = arith.mulf %sub3A_42, %sub3A_44 : vector<10000x64xf32>
    %reduce_sum3A_46 = arith.constant dense<0.000000e+00> : vector<64xf32>
    %reduce_sum3A_47 = vector.multi_reduction <add>, %mul3A_45, %reduce_sum3A_46 [0] : vector<10000x64xf32> to vector<64xf32>
    %broadcast_in_dim3A_48 = vector.shape_cast %reduce_sum3A_47 : vector<64xf32> to vector<1x64xf32>
    %div3A_49 = arith.constant 1.000000e+04 : f32
    %div3A_50 = vector.broadcast %div3A_49 : f32 to vector<1x64xf32>
    %div3A_51 = arith.divf %broadcast_in_dim3A_48, %div3A_50 : vector<1x64xf32>
    %sub3A_52 = vector.broadcast %div3A_41 : vector<1x64xf32> to vector<10000x64xf32>
    %sub3A_53 = arith.subf %add3A_32, %sub3A_52 : vector<10000x64xf32>
    %add3A_54 = arith.constant 9.99999974E-6 : f32
    %add3A_55 = vector.broadcast %add3A_54 : f32 to vector<1x64xf32>
    %add3A_56 = arith.addf %div3A_51, %add3A_55 : vector<1x64xf32>
    %rsqrt3A = math.rsqrt %add3A_56 : vector<1x64xf32>
    %mul3A_57 = vector.broadcast %rsqrt3A : vector<1x64xf32> to vector<10000x64xf32>
    %mul3A_58 = arith.mulf %sub3A_53, %mul3A_57 : vector<10000x64xf32>
    %mul3A_59 = vector.broadcast %get3A_35 : vector<1x64xf32> to vector<10000x64xf32>
    %mul3A_60 = arith.mulf %mul3A_58, %mul3A_59 : vector<10000x64xf32>
    %add3A_61 = vector.broadcast %get3A_38 : vector<1x64xf32> to vector<10000x64xf32>
    %add3A_62 = arith.addf %mul3A_60, %add3A_61 : vector<10000x64xf32>
    %mul3A_63 = arith.constant 5.000000e-01 : f32
    %mul3A_64 = vector.broadcast %mul3A_63 : f32 to vector<10000x64xf32>
    %mul3A_65 = arith.mulf %add3A_62, %mul3A_64 : vector<10000x64xf32>
    %mul3A_66 = arith.constant 0.707106769 : f32
    %mul3A_67 = vector.broadcast %mul3A_66 : f32 to vector<10000x64xf32>
    %mul3A_68 = arith.mulf %add3A_62, %mul3A_67 : vector<10000x64xf32>
    %erf3A = math.erf %mul3A_68 : vector<10000x64xf32>
    %add3A_69 = arith.constant 1.000000e+00 : f32
    %add3A_70 = vector.broadcast %add3A_69 : f32 to vector<10000x64xf32>
    %add3A_71 = arith.addf %add3A_70, %erf3A : vector<10000x64xf32>
    %mul3A_72 = arith.mulf %mul3A_65, %add3A_71 : vector<10000x64xf32>
    %get3A_73 = arith.constant 0 : index
    %get3A_74 = arith.constant 0 : index
    %get3A_75 = vector.load %arg9[%get3A_73, %get3A_74] : memref<64x2xf32, #tpu.memory_space<vmem>>, vector<64x2xf32>
    %dot_general3A_76 = arith.constant dense<0.000000e+00> : vector<10000x2xf32>
    %dot_general3A_77 = tpu.matmul %mul3A_72, %get3A_75, %dot_general3A_76 {dimension_numbers = #tpu.dot_dimension_numbers<[1], [0], [0], [1], [0, 0, 1, 1], [], []>, transpose_lhs_hint = false} : vector<10000x64xf32>, vector<64x2xf32>, vector<10000x2xf32> -> vector<10000x2xf32>
    %get3A_78 = arith.constant 0 : index
    %get3A_79 = arith.constant 0 : index
    %get3A_80 = vector.load %arg10[%get3A_78, %get3A_79] : memref<1x2xf32, #tpu.memory_space<vmem>>, vector<1x2xf32>
    %add3A_81 = vector.broadcast %get3A_80 : vector<1x2xf32> to vector<10000x2xf32>
    %add3A_82 = arith.addf %dot_general3A_77, %add3A_81 : vector<10000x2xf32>
    %swap3A = arith.constant 0 : index
    %swap3A_83 = arith.constant 0 : index
    %swap3A_84 = vector.load %arg17[%swap3A, %swap3A_83] : memref<10000x2xf32, #tpu.memory_space<vmem>>, vector<10000x2xf32>
    tpu.vector_store %arg17[%swap3A, %swap3A_83], %add3A_82 {strides = array<i32>} : memref<10000x2xf32, #tpu.memory_space<vmem>>, vector<10000x2xf32>,
    %iota3A = tpu.iota {dimensions = array<i32: 1>} : vector<10000x16xi32>
    %get3A_85 = arith.constant 0 : index
    %get3A_86 = arith.constant 0 : index
    %get3A_87 = vector.load %arg4[%get3A_85, %get3A_86] : memref<10000x1xi32, #tpu.memory_space<vmem>>, vector<10000x1xi32>
    %eq3A = vector.broadcast %get3A_87 : vector<10000x1xi32> to vector<10000x16xi32>
    %eq3A_88 = arith.cmpi eq, %eq3A, %iota3A : vector<10000x16xi32>
    %convert_element_type3A = arith.extui %eq3A_88 : vector<10000x16xi1> to vector<10000x16xi32>
    %convert_element_type3A_89 = arith.sitofp %convert_element_type3A : vector<10000x16xi32> to vector<10000x16xf32>
    %reduce_sum3A_90 = arith.constant dense<0.000000e+00> : vector<16xf32>
    %reduce_sum3A_91 = vector.multi_reduction <add>, %convert_element_type3A_89, %reduce_sum3A_90 [0] : vector<10000x16xf32> to vector<16xf32>
    %broadcast_in_dim3A_92 = vector.shape_cast %reduce_sum3A_91 : vector<16xf32> to vector<1x16xf32>
    %dot_general3A_93 = arith.constant dense<0.000000e+00> : vector<16x128xf32>
    %dot_general3A_94 = tpu.matmul %convert_element_type3A_89, %max3A_23, %dot_general3A_93 {dimension_numbers = #tpu.dot_dimension_numbers<[0], [0], [1], [1], [0, 1, 1, 1], [], []>, precision = #tpu.contract_precision<fp32>, transpose_lhs_hint = false} : vector<10000x16xf32>, vector<10000x128xf32>, vector<16x128xf32> -> vector<16x128xf32>
    %max3A_95 = arith.constant 1.000000e+00 : f32
    %max3A_96 = vector.broadcast %max3A_95 : f32 to vector<1x16xf32>
    %max3A_97 = arith.maximumf %broadcast_in_dim3A_92, %max3A_96 : vector<1x16xf32>
    %reshape3A = vector.shape_cast %max3A_97 : vector<1x16xf32> to vector<16x1xf32>
    %div3A_98 = vector.broadcast %reshape3A : vector<16x1xf32> to vector<16x128xf32>
    %div3A_99 = arith.divf %dot_general3A_94, %div3A_98 : vector<16x128xf32>
    %get3A_100 = arith.constant 0 : index
    %get3A_101 = arith.constant 0 : index
    %get3A_102 = vector.load %arg11[%get3A_100, %get3A_101] : memref<128x64xf32, #tpu.memory_space<vmem>>, vector<128x64xf32>
    %dot_general3A_103 = arith.constant dense<0.000000e+00> : vector<16x64xf32>
    %dot_general3A_104 = tpu.matmul %div3A_99, %get3A_102, %dot_general3A_103 {dimension_numbers = #tpu.dot_dimension_numbers<[1], [0], [0], [1], [0, 0, 1, 1], [], []>, transpose_lhs_hint = false} : vector<16x128xf32>, vector<128x64xf32>, vector<16x64xf32> -> vector<16x64xf32>
    %get3A_105 = arith.constant 0 : index
    %get3A_106 = arith.constant 0 : index
    %get3A_107 = vector.load %arg12[%get3A_105, %get3A_106] : memref<1x64xf32, #tpu.memory_space<vmem>>, vector<1x64xf32>
    %add3A_108 = vector.broadcast %get3A_107 : vector<1x64xf32> to vector<16x64xf32>
    %add3A_109 = arith.addf %dot_general3A_104, %add3A_108 : vector<16x64xf32>
    %get3A_110 = arith.constant 0 : index
    %get3A_111 = arith.constant 0 : index
    %get3A_112 = vector.load %arg13[%get3A_110, %get3A_111] : memref<1x64xf32, #tpu.memory_space<vmem>>, vector<1x64xf32>
    %get3A_113 = arith.constant 0 : index
    %get3A_114 = arith.constant 0 : index
    %get3A_115 = vector.load %arg14[%get3A_113, %get3A_114] : memref<1x64xf32, #tpu.memory_space<vmem>>, vector<1x64xf32>
    %reduce_sum3A_116 = arith.constant dense<0.000000e+00> : vector<64xf32>
    %reduce_sum3A_117 = vector.multi_reduction <add>, %add3A_109, %reduce_sum3A_116 [0] : vector<16x64xf32> to vector<64xf32>
    %broadcast_in_dim3A_118 = vector.shape_cast %reduce_sum3A_117 : vector<64xf32> to vector<1x64xf32>
    %div3A_119 = arith.constant 1.600000e+01 : f32
    %div3A_120 = vector.broadcast %div3A_119 : f32 to vector<1x64xf32>
    %div3A_121 = arith.divf %broadcast_in_dim3A_118, %div3A_120 : vector<1x64xf32>
    %sub3A_122 = vector.broadcast %div3A_121 : vector<1x64xf32> to vector<16x64xf32>
    %sub3A_123 = arith.subf %add3A_109, %sub3A_122 : vector<16x64xf32>
    %sub3A_124 = vector.broadcast %div3A_121 : vector<1x64xf32> to vector<16x64xf32>
    %sub3A_125 = arith.subf %add3A_109, %sub3A_124 : vector<16x64xf32>
    %mul3A_126 = arith.mulf %sub3A_123, %sub3A_125 : vector<16x64xf32>
    %reduce_sum3A_127 = arith.constant dense<0.000000e+00> : vector<64xf32>
    %reduce_sum3A_128 = vector.multi_reduction <add>, %mul3A_126, %reduce_sum3A_127 [0] : vector<16x64xf32> to vector<64xf32>
    %broadcast_in_dim3A_129 = vector.shape_cast %reduce_sum3A_128 : vector<64xf32> to vector<1x64xf32>
    %div3A_130 = arith.constant 1.600000e+01 : f32
    %div3A_131 = vector.broadcast %div3A_130 : f32 to vector<1x64xf32>
    %div3A_132 = arith.divf %broadcast_in_dim3A_129, %div3A_131 : vector<1x64xf32>
    %sub3A_133 = vector.broadcast %div3A_121 : vector<1x64xf32> to vector<16x64xf32>
    %sub3A_134 = arith.subf %add3A_109, %sub3A_133 : vector<16x64xf32>
    %add3A_135 = arith.constant 9.99999974E-6 : f32
    %add3A_136 = vector.broadcast %add3A_135 : f32 to vector<1x64xf32>
    %add3A_137 = arith.addf %div3A_132, %add3A_136 : vector<1x64xf32>
    %rsqrt3A_138 = math.rsqrt %add3A_137 : vector<1x64xf32>
    %mul3A_139 = vector.broadcast %rsqrt3A_138 : vector<1x64xf32> to vector<16x64xf32>
    %mul3A_140 = arith.mulf %sub3A_134, %mul3A_139 : vector<16x64xf32>
    %mul3A_141 = vector.broadcast %get3A_112 : vector<1x64xf32> to vector<16x64xf32>
    %mul3A_142 = arith.mulf %mul3A_140, %mul3A_141 : vector<16x64xf32>
    %add3A_143 = vector.broadcast %get3A_115 : vector<1x64xf32> to vector<16x64xf32>
    %add3A_144 = arith.addf %mul3A_142, %add3A_143 : vector<16x64xf32>
    %mul3A_145 = arith.constant 5.000000e-01 : f32
    %mul3A_146 = vector.broadcast %mul3A_145 : f32 to vector<16x64xf32>
    %mul3A_147 = arith.mulf %add3A_144, %mul3A_146 : vector<16x64xf32>
    %mul3A_148 = arith.constant 0.707106769 : f32
    %mul3A_149 = vector.broadcast %mul3A_148 : f32 to vector<16x64xf32>
    %mul3A_150 = arith.mulf %add3A_144, %mul3A_149 : vector<16x64xf32>
    %erf3A_151 = math.erf %mul3A_150 : vector<16x64xf32>
    %add3A_152 = arith.constant 1.000000e+00 : f32
    %add3A_153 = vector.broadcast %add3A_152 : f32 to vector<16x64xf32>
    %add3A_154 = arith.addf %add3A_153, %erf3A_151 : vector<16x64xf32>
    %mul3A_155 = arith.mulf %mul3A_147, %add3A_154 : vector<16x64xf32>
    %get3A_156 = arith.constant 0 : index
    %get3A_157 = arith.constant 0 : index
    %get3A_158 = vector.load %arg15[%get3A_156, %get3A_157] : memref<64x2xf32, #tpu.memory_space<vmem>>, vector<64x2xf32>
    %dot_general3A_159 = arith.constant dense<0.000000e+00> : vector<16x2xf32>
    %dot_general3A_160 = tpu.matmul %mul3A_155, %get3A_158, %dot_general3A_159 {dimension_numbers = #tpu.dot_dimension_numbers<[1], [0], [0], [1], [0, 0, 1, 1], [], []>, transpose_lhs_hint = false} : vector<16x64xf32>, vector<64x2xf32>, vector<16x2xf32> -> vector<16x2xf32>
    %get3A_161 = arith.constant 0 : index
    %get3A_162 = arith.constant 0 : index
    %get3A_163 = vector.load %arg16[%get3A_161, %get3A_162] : memref<1x2xf32, #tpu.memory_space<vmem>>, vector<1x2xf32>
    %add3A_164 = vector.broadcast %get3A_163 : vector<1x2xf32> to vector<16x2xf32>
    %add3A_165 = arith.addf %dot_general3A_160, %add3A_164 : vector<16x2xf32>
    %swap3A_166 = arith.constant 0 : index
    %swap3A_167 = arith.constant 0 : index
    %swap3A_168 = vector.load %arg18[%swap3A_166, %swap3A_167] : memref<16x2xf32, #tpu.memory_space<vmem>>, vector<16x2xf32>
    tpu.vector_store %arg18[%swap3A_166, %swap3A_167], %add3A_165 {strides = array<i32>} : memref<16x2xf32, #tpu.memory_space<vmem>>, vector<16x2xf32>,
    return
  }
}

</mosaic_0001>

<sc_bundles>
// kernel: kernel.10.cloned.1.call-start
scs
__scs_entry_jumppad:
0x0: {  	(pc) =	sbr.rel $0x88, $3  }
0x1: {  	(tag) =	ssettag $0x0;
	lr =	simm.s32 $0x1  }
0x2: {  	[smem:$0x3F85] =	sst lr;
	_ =	strace $0xD0000000  }
0x3: {  	_ = 	snop  }
0x4: {  	_ = 	snop  }
0x5: {  	_ = 	snop  }
0x6: {  	_ = 	snop  }
0x7: {  	_ = 	snop  }
__scs_overlays_trampoline_lowered:
0x8: {  	[smem:$0x3F94] =	sst s0  }
0x9: {  	[smem:$0x3F95] =	sst s1  }
0xa: {  	[smem:$0x3F96] =	sst s2  }
0xb: {  	[smem:$0x3F97] =	sst s3  }
0xc: {  	[smem:$0x3F98] =	sst s4  }
0xd: {  	[smem:$0x3F99] =	sst s5  }
0xe: {  	[smem:$0x3F9A] =	sst s6  }
0xf: {  	[smem:$0x3F9B] =	sst s7  }
0x10: {  	[smem:$0x3F9C] =	sst s8  }
0x11: {  	[smem:$0x3F9D] =	sst s9;
	s0 =	simm.s32 @!p0 $0x0  }
0x12: {  	s1 =	sld [smem:$0x3F83];
	s0 =	simm.s32 @p0 $0x1  }
0x13: {  	[smem:$0x3F9E] =	sst s0;
	s0 =	simm.s32 @!p1 $0x0  }
0x14: {  	s2 =	sld [smem:$0x3F82];
	s0 =	simm.s32 @p1 $0x1  }
0x15: {  	[smem:$0x3F9F] =	sst s0;
	s0 =	simm.s32 @!p2 $0x0  }
0x16: {  	s3 =	sld [smem:$0x3FDB];
	s0 =	simm.s32 @p2 $0x1  }
0x17: {  	s4 =	simm.s32 $0x1BF5;
	[smem:$0x3FA1] =	sst s0  }
0x18: {  	s0 =	sld [smem:$0x3F84];
	_ =	swait.ge [sflag:s4], $0x0  }
0x19: {  	s7 =	sld [smem:$0x3F85]  }
0x1a: {  	s8 =	sadd.s32 $0xFFFFE003, lr  }
0x1b: {  	s9 =	sadd.s32 $0xFFFFFEF7, lr;
	s5 =	simm.s32 $0xFFFFFFFF;
	p2 =	slt.u32 s8, $0xFFFFF086  }
0x1c: {  	p1 =	slt.u32 s9, $0xF7A;
	s5 =	simm.s32 @!p2 $0x0  }
0x1d: {  	s5 =	simm.s32 @p1 $0x1;
	p0 =	seq.s32 s7, s2  }
0x1e: {  	s7 =	smul.u32 @!p0 $0xF7A, s2;
	p2 =	seq.s32 @!p0 s5, $0x0  }
0x1f: {  	s9 =	smul.u32 $0xF7A, s1;
	s8 =	simm.s32 @!p0 $0x1BF5;
	p2 =	por !p2, p0  }
0x20: {  	[sflag:s8] =	ssyncset.s32 @!p0 $0xFFFFF086;
	s6 =	sadd.s32 @!p0 s3, s7;
	s7 =	simm.s32 @!p0 $0x108  }
0x21: {  	s3 =	sadd.s32 s3, s9;
	s6 =	sadd.s32 @!p0 $0x88, s6;
	s7 =	simm.s32 @p2 $0x1082  }
0x22: {  	[simem:s7], [sflag:s8] =	dma.local @!p0 [hbm:s6], $0xF7A  }
0x23: {  	s9 =	sor.u32 $0xD0000000, s2;
	s6 =	simm.s32 $0x108;
	_ =	swait.ge @!p0 [sflag:s8], $0x0  }
0x24: {  	s3 =	sadd.s32 $0x88, s3;
	s6 =	simm.s32 @!p1 $0x1082;
	[sflag:s4] =	ssyncset.s32 $0xFFFFF086  }
0x25: {  	[simem:s6], [sflag:s4] =	dma.local [hbm:s3], $0xF7A  }
0x26: {  	[smem:$0x3F85] =	sst s1;
	(tag) =	ssettag s2;
	_ =	strace s9  }
0x27: {  	s1 =	sld [smem:$0x3F95]  }
0x28: {  	s2 =	sld [smem:$0x3F96]  }
0x29: {  	s4 =	sld [smem:$0x3F98]  }
0x2a: {  	p0 =	seq.s32 s5, $0x0;
	s5 =	sld [smem:$0x3F99]  }
0x2b: {  	s6 =	sld [smem:$0x3F9A]  }
0x2c: {  	s7 =	sld [smem:$0x3F9B]  }
0x2d: {  	s3 =	simm.s32 $0x108;
	s8 =	sld [smem:$0x3F9C]  }
0x2e: {  	s3 =	simm.s32 @!p0 $0x1082;
	s9 =	sld [smem:$0x3F9D]  }
0x2f: {  	lr =	sadd.s32 s0, s3;
	s0 =	sld [smem:$0x3F94]  }
0x30: {  	s3 =	sld [smem:$0x3F97]  }
0x31: {  	[smem:$0x3FA0] =	sst s10  }
0x32: {  	s10 =	sld [smem:$0x3F9E];
	_ =	sdelay $0x3  }
0x33: {  	p0 =	seq.s32 s10, $0x1;
	s10 =	sld [smem:$0x3FA0];
	_ =	sdelay $0x3  }
0x34: {  	[smem:$0x3FA0] =	sst s10  }
0x35: {  	s10 =	sld [smem:$0x3F9F];
	_ =	sdelay $0x3  }
0x36: {  	p1 =	seq.s32 s10, $0x1;
	s10 =	sld [smem:$0x3FA0];
	_ =	sdelay $0x3  }
0x37: {  	[smem:$0x3FA0] =	sst s10  }
0x38: {  	s10 =	sld [smem:$0x3FA1]  }
0x39: {  	_ = 	snop;
	(pc) =	sbr.ind lr, $3  }
0x3a: {  	_ = 	snop  }
0x3b: {  	_ = 	snop  }
0x3c: {  	p2 =	seq.s32 s10, $0x1;
	s10 =	sld [smem:$0x3FA0]  }
0x3d: {  	_ =	shalt  }
0x3e: {  	_ =	shalt  }
0x3f: {  	_ =	shalt  }
0x40: {  	_ =	shalt  }
0x41: {  	_ =	shalt  }
0x42: {  	_ =	shalt  }
0x43: {  	_ =	shalt  }
0x44: {  	_ =	shalt  }
0x45: {  	_ =	shalt  }
0x46: {  	_ =	shalt  }
0x47: {  	_ =	shalt  }
0x48: {  	_ =	shalt  }
0x49: {  	_ =	shalt  }
0x4a: {  	_ =	shalt  }
0x4b: {  	_ =	shalt  }
0x4c: {  	_ =	shalt  }
0x4d: {  	_ =	shalt  }
0x4e: {  	_ =	shalt  }
0x4f: {  	_ =	shalt  }
0x50: {  	_ =	shalt  }
0x51: {  	_ =	shalt  }
0x52: {  	_ =	shalt  }
0x53: {  	_ =	shalt  }
0x54: {  	_ =	shalt  }
0x55: {  	_ =	shalt  }
0x56: {  	_ =	shalt  }
0x57: {  	_ =	shalt  }
0x58: {  	_ =	shalt  }
0x59: {  	_ =	shalt  }
0x5a: {  	_ =	shalt  }
0x5b: {  	_ =	shalt  }
0x5c: {  	_ =	shalt  }
0x5d: {  	_ =	shalt  }
0x5e: {  	_ =	shalt  }
0x5f: {  	_ =	shalt  }
0x60: {  	_ =	shalt  }
0x61: {  	_ =	shalt  }
0x62: {  	_ =	shalt  }
0x63: {  	_ =	shalt  }
0x64: {  	_ =	shalt  }
0x65: {  	_ =	shalt  }
0x66: {  	_ =	shalt  }
0x67: {  	_ =	shalt  }
0x68: {  	_ =	shalt  }
0x69: {  	_ =	shalt  }
0x6a: {  	_ =	shalt  }
0x6b: {  	_ =	shalt  }
0x6c: {  	_ =	shalt  }
0x6d: {  	_ =	shalt  }
0x6e: {  	_ =	shalt  }
0x6f: {  	_ =	shalt  }
0x70: {  	_ =	shalt  }
0x71: {  	_ =	shalt  }
0x72: {  	_ =	shalt  }
0x73: {  	_ =	shalt  }
0x74: {  	_ =	shalt  }
0x75: {  	_ =	shalt  }
0x76: {  	_ =	shalt  }
0x77: {  	_ =	shalt  }
0x78: {  	_ =	shalt  }
0x79: {  	_ =	shalt  }
0x7a: {  	_ =	shalt  }
0x7b: {  	_ =	shalt  }
0x7c: {  	_ =	shalt  }
0x7d: {  	_ =	shalt  }
0x7e: {  	_ =	shalt  }
0x7f: {  	_ =	shalt  }
0x80: {  	_ =	shalt  }
0x81: {  	_ =	shalt  }
0x82: {  	_ =	shalt  }
0x83: {  	_ =	shalt  }
0x84: {  	_ =	shalt  }
0x85: {  	_ =	shalt  }
0x86: {  	_ =	shalt  }
0x87: {  	_ =	shalt  }
.Lfunc_end0:
.L_simem_size_0:
called_computation_lowered:
.L_overlay_start_0:
0x88: {  	s2 =	sld [smem:$0x3FD9]  }
0x89: {  	s3 =	sld [smem:$0x3FFE];
	_ =	sdelay $0x1  }
0x8a: {  	s1 =	srdreg.scid  }
0x8b: {  	s0 =	sand.u32 $0x1, s1  }
0x8c: {  	s14 =	sshll.u32 s0, $0xA;
	s2 =	sadd.s32 s3, s2  }
0x8d: {  	s2 =	sadd.s32 s2, s14  }
0x8e: {  	[smem:$0x3FAC] =	sst s2  }
0x8f: {  	_ = 	snop  }
0x90: {  	s2 =	sld [smem:$0x3FD0];
	_ =	sdelay $0x2  }
0x91: {  	s15 =	simm.s32 $0xA;
	s4 =	simm.s32 $0x10  }
0x92: {  	[smem:s4], [sflag:s15] =	dma.local [hbm:s2], $0x1  }
0x93: {  	_ =	swait.eq [sflag:s15], $0x1  }
0x94: {  	[sflag:s15] =	ssyncset.done $0x0  }
0x95: {  	[sflag:s15] =	ssyncadd.s32 $0xFFFFFFFF  }
0x96: {  	s16 =	sld [smem:$0x10];
	(tm) =	ssettm $0x1  }
0x97: {  	s17 =	sld [smem:$0x3FFB];
	_ =	sdelay $0x3  }
0x98: {  	_ =	strace s17  }
0x99: {  	s3 =	sld [smem:$0x3FFC];
	_ =	sdelay $0x3  }
0x9a: {  	_ =	strace s3  }
0x9b: {  	s3 =	sld [smem:$0x3FFD];
	_ =	sdelay $0x3  }
0x9c: {  	_ =	strace s3  }
0x9d: {  	_ =	strace $0x8FFFFFFF  }
0x9e: {  	s18 =	sld [smem:$0x3FDB];
	_ =	sdelay $0x1  }
0x9f: {  	s19 =	simm.s32 $_scs_section_size  }
0xa0: {  	s5 =	simm.s32 $_size__tile_overlayer_lowered;
	s6 =	simm.s32 $_tile_overlayer_lowered  }
0xa1: {  	s22 =	simm.s32 $0x1BFF;
	s21 =	sshll.u32 s6, $0x1;
	s3 =	sadd.s32 s19, s18  }
0xa2: {  	s7 =	simm.s32 $0x0;
	s20 =	sshll.u32 s5, $0x1;
	s5 =	sadd.s32 s21, s3  }
0xa3: {  	[timem:s7], [sflag:s22] =	dma.local [hbm:s5], s20  }
0xa4: {  	_ =	swait.ge [sflag:s22], s20  }
0xa5: {  	s4 =	ssub.s32 $0x0, s20;
	[sflag:s22] =	ssyncset.done $0x0  }
0xa6: {  	[sflag:s22] =	ssyncadd.s32 s4;
	_ =	sdelay $0x1  }
0xa7: {  	s23 =	simm.s32 $0x1B8B  }
0xa8: {  	_ =	swait.ge [sflag:s23], $0x1  }
0xa9: {  	[sflag:s23] =	ssyncset.done $0x0  }
0xaa: {  	s25 =	simm.s32 $0x1B8E;
	s24 =	sld [smem:$0x3FFE];
	[sflag:s23] =	ssyncadd.s32 $0xFFFFFFFF  }
0xab: {  	s26 =	simm.s32 $execute0_lowered;
	[smem:$0x3FD2] =	sst s25  }
0xac: {  	s5 =	sshll.u32 s26, $0x1;
	_ =	strace $0x80000046;
	[dreg:$0x1] =	wrdreg $0xFFFFFFFF  }
0xad: {  	s28 =	simm.s32 $_size_execute0_lowered;
	s3 =	sadd.s32 s3, s5;
	[dreg:$0x0] =	wrdreg $0x0  }
0xae: {  	s5 =	sshll.u32 s28, $0x1;
	[dreg:$0x2] =	wrdreg s3  }
0xaf: {  	[dreg:$0x3] =	wrdreg s5  }
0xb0: {  	[dreg:$0x4] =	wrdreg $0xC0  }
0xb1: {  	_ =	task [dreg:s7], $0x5FFFF  }
0xb2: {  	[dreg:$0x1] =	wrdreg $0xFFFFFFFF  }
0xb3: {  	[dreg:$0x0] =	wrdreg $0x60  }
0xb4: {  	[dreg:$0x2] =	wrdreg s24  }
0xb5: {  	[dreg:$0x3] =	wrdreg s16  }
0xb6: {  	[dreg:$0x4] =	wrdreg $0x68000  }
0xb7: {  	[dreg:$0x5] =	wrdreg $0x9  }
0xb8: {  	_ =	task.clear_ibuf [dreg:s7], $0x6FFFF;
	_ =	strace $0x90000046  }
0xb9: {  	s29 =	simm.s32 $0x9;
	_ =	strace $0x80000048  }
0xba: {  	_ =	swait.ge [sflag:s29], $0x1  }
0xbb: {  	[sflag:s29] =	ssyncadd.s32 $0xFFFFFFFF  }
0xbc: {  	_ =	strace $0x90000048  }
0xbd: {  	_ =	sfence  }
0xbe: {  	s30 =	sld [smem:$0x0];
	_ =	sdelay $0x2  }
0xbf: {  	s31 =	sshll.u32 s1, $0xD;
	s1 =	sshrl.u32 s1, $0x2  }
0xc0: {  	s3 =	sand.u32 $0x4000, s31;
	s1 =	sadd.s32 s1, s30  }
0xc1: {  	s0 =	sor.u32 s3, s0;
	s1 =	sshll.u32 s1, $0x11  }
0xc2: {  	s0 =	sor.u32 s1, s0  }
0xc3: {  	s0 =	sadd.s32 $0x8F2B, s0  }
0xc4: {  	[sflag:s0] =	ssyncadd.remote.s32 $0x1  }
0xc5: {  	_ =	sfence.sel $0xFFFF  }
0xc6: {  	[dreg:$0x0] =	wrdreg $0xFFFFFFFF;
	(pc) =	sbr.abs _section_cstart, $3  }
0xc7: {  	[dreg:$0x1] =	wrdreg $0xFFFFFFFF  }
0xc8: {  	_ =	task.clear_ibuf [dreg:s7], $0x2FFFF;
	_ =	strace $0x9FFFFFFF  }
0xc9: {  	(tm) =	ssettm $0x7FFFFFFF  }
tec
execute0_lowered:
.L_overlay_start_1:
0x0: {  	(tag) =	ssettag $0x1  }
0x1: {  	s6 =	rddreg [dreg:$0x0]  }
0x2: {  	s1 =	rddreg [dreg:$0x1]  }
0x3: {  	s2 =	rddreg [dreg:$0x2]  }
0x4: {  	s4 =	srdreg.scid;
	s0 =	rddreg [dreg:$0x3];
	s3 =	simm.s32 $0x0  }
0x5: {  	s7 =	sand.u32 $0x1, s4;
	[smem:$0x7FF] =	sst s3;
	s5 =	sadd.s32 $0x15400, s6  }
0x6: {  	s11 =	sadd.s32 $0x17C00, s6;
	s4 =	sshll.u32 s7, $0xB;
	s9 =	ssub.s32 $0x2, s7  }
0x7: {  	s7 =	smul.u32 $0x138800, s7;
	s8 =	sadd.s32 s4, s6;
	s4 =	stileid.u32  }
0x8: {  	s16 =	sadd.s32 $0x138000, s2;
	_ =	strace $0x80000047;
	s10 =	smul.u32 $0x4E000, s4  }
0x9: {  	s25 =	sshrl.u32 s9, $0x1;
	s12 =	sshll.u32 s4, $0x6;
	s13 =	smul.u32 $0x13800, s4  }
0xa: {  	s14 =	ssub.s32 s9, s25;
	s26 =	sshll.u32 s4, $0xC;
	s30 =	sshrl.u32 s7, $0x3  }
0xb: {  	p0 =	sne.s32 s4, $0xF;
	s6 =	sor.u32 $0x1C01, s12;
	s8 =	sadd.s32 s26, s8  }
0xc: {  	s31 =	sadd.s32 s11, s30;
	s12 =	simm.s32 $0x1;
	s10 =	sshrl.u32 s10, $0x2  }
0xd: {  	s28 =	sadd.s32 s13, s7;
	s7 =	sadd.s32 $0x5400, s8;
	s9 =	sadd.s32 $0x27000, s31  }
0xe: {  	s13 =	sshrl.u32 @!p0 s16, $0x3;
	s16 =	simm.s32 $0x0;
	s15 =	sadd.s32 s10, s2  }
0xf: {  	s29 =	sshrl.u32 s28, $0x3;
	s10 =	smax.u32 s14, $0x1;
	s14 =	simm.s32 $0x4000  }
0x10: {  	s8 =	sadd.s32 s11, s29;
	s11 =	sshrl.u32 s15, $0x3;
	s15 =	simm.s32 $0x50  }
.LBB2_1:
0x11: {  	[spmem:s11], [sflag:s6] =	dma.local [hbm:s5], $0x2700  }
0x12: {  	_ =	swait.ge [sflag:s12], $0x2700  }
0x13: {  	[sflag:s12] =	ssyncset.done $0x0  }
0x14: {  	s17 =	simm.s32 @!p0 $0x1;
	[sflag:s12] =	ssyncadd.s32 $0xFFFFD900  }
0x15: {  	[spmem:s13], [sflag:s6] =	dma.local @!p0 [hbm:s5], $0x100  }
0x16: {  	_ =	swait.ge @!p0 [sflag:s17], $0x100  }
0x17: {  	[sflag:s17] =	ssyncset.done @!p0 $0x0  }
0x18: {  	[sflag:s17] =	ssyncadd.s32 @!p0 $0xFFFFFF00  }
0x19: {  	[tilespmem:s3], [sflag:$0x1] =	stream.linear.gather [hbm4b:s7+s3], $0x3E80, $0x38;
	[tilespmem:$0x1A080] =	vst v63  }
0x1a: {  	_ =	swait.ge [sflag:s12], $0x3E80  }
0x1b: {  	[sflag:s12] =	ssyncset.done $0x0  }
0x1c: {  	[sflag:s12] =	ssyncadd.s32 $0xFFFFC180  }
0x1d: {  	[tilespmem:s14], [sflag:$0x1] =	stream.linear.gather [hbm4b:s1+s3], $0x2800, $0x38;
	[tilespmem:$0x1A080] =	vst v63  }
0x1e: {  	_ =	swait.ge [sflag:s12], $0x2800  }
0x1f: {  	[sflag:s12] =	ssyncset.done $0x0  }
0x20: {  	[sflag:s12] =	ssyncadd.s32 $0xFFFFD800  }
0x21: {  	s31 =	simm.s32 $0x0;
	[bflag:$0x0] =	sbarrier.arrive $0xFFFF  }
0x22: {  	[spmem:s2] =	stream.indirect.scatter.add.f32 [tilespmem:s14], [sflag:$0x1], $0x80, s31, s15, $0xb8;
	[tilespmem:$0x1A080] =	vst v63  }
0x23: {  	_ =	swait.ge [sflag:s12], $0x2800  }
0x24: {  	s17 =	simm.s32 $0x200;
	[sflag:s12] =	ssyncset.done $0x0  }
.LBB2_2:
0x25: {  	s18 =	sshra.s32 s17, $0x2;
	[sflag:s12] =	ssyncadd.s32 $0xFFFFD800;
	p1 =	sne.s32 s17, $0xF800  }
0x26: {  	[spmem:s2] =	stream.indirect.scatter.add.f32 [tilespmem:s14], [sflag:$0x1], $0x80, s18, s15, $0xb8;
	[tilespmem:$0x1A080] =	vst v63  }
.Ltmp0:
0x27: {  	_ = 	snop;
	(pc) =	sbr.rel @p1 .LBB2_2-.Ltmp0, $4  }
0x28: {  	_ = 	snop  }
0x29: {  	s17 =	sadd.s32 $0x200, s17  }
0x2a: {  	_ =	swait.ge [sflag:s12], $0x2800  }
0x2b: {  	[sflag:s12] =	ssyncset.done $0x0  }
0x2c: {  	[sflag:s12] =	ssyncadd.s32 $0xFFFFD800  }
0x2d: {  	[bflag:$0x0] =	sbarrier.arrive $0xFFFF  }
0x2e: {  	[hbm:s8], [sflag:s6] =	dma.local [spmem:s11], $0x2700  }
0x2f: {  	s16 =	sadd.s32 $0x1, s16;
	_ =	swait.ge [sflag:s12], $0x2700  }
0x30: {  	p1 =	sne.s32 s16, s10;
	[sflag:s12] =	ssyncset.done $0x0  }
.Ltmp1:
0x31: {  	s17 =	simm.s32 @!p0 $0x1;
	[sflag:s12] =	ssyncadd.s32 $0xFFFFD900;
	(pc) =	sbr.rel @p1 .LBB2_1-.Ltmp1, $4  }
0x32: {  	[hbm:s9], [sflag:s6] =	dma.local @!p0 [spmem:s13], $0x100  }
0x33: {  	_ =	swait.ge @!p0 [sflag:s17], $0x100  }
0x34: {  	[sflag:s17] =	ssyncset.done @!p0 $0x0  }
0x35: {  	[sflag:s17] =	ssyncadd.s32 @!p0 $0xFFFFFF00  }
0x36: {  	_ =	sfence.sel $0x180000  }
0x37: {  	[bflag:$0x0] =	sbarrier.arrive $0xFFFF  }
0x38: {  	p0 =	sne.s32 s4, $0x0;
	_ =	strace $0x90000047  }
0x39: {  	s0 =	sadd.s32 @!p0 $0x100000, s0;
	[bflag:$0x2] =	sbarrier.arrive $0xFFFF  }
0x3a: {  	[sflag:s0] =	ssyncadd.tile.s32 @!p0 $0x1;
	_ =	shalt  }
.Lfunc_end2:
_tile_overlayer_lowered:
.L_overlay_start_2:
0x3b: {  	(tag) =	ssettag $0x2  }
0x3c: {  	s0 =	rddreg [dreg:$0x0];
	s2 =	stileid.u32  }
0x3d: {  	s1 =	rddreg [dreg:$0x1];
	p0 =	sne.s32 s2, $0x0  }
0x3e: {  	s3 =	rddreg [dreg:$0x2];
	[bflag:$0x3] =	sbarrier.arrive $0xFFFF;
	s2 =	simm.s32 @!p0 $0x1C01  }
0x3f: {  	[timem:s3], [sflag:s2] =	dma.local @!p0 [hbm:s0], s1  }
0x40: {  	s0 =	simm.s32 @!p0 $0x1  }
0x41: {  	_ =	swait.ge @!p0 [sflag:s0], s1  }
0x42: {  	s1 =	ssub.s32 @!p0 $0x0, s1;
	[sflag:s0] =	ssyncset.done @!p0 $0x0  }
0x43: {  	[sflag:s0] =	ssyncadd.s32 @!p0 s1  }
0x44: {  	[bflag:$0x3] =	sbarrier.arrive $0xFFFF  }
0x45: {  	_ =	shalt  }

// kernel: kernel.13.cloned.1.call-start
scs
__scs_entry_jumppad:
0x0: {  	(pc) =	sbr.rel $0x88, $3  }
0x1: {  	(tag) =	ssettag $0x0;
	lr =	simm.s32 $0x1  }
0x2: {  	[smem:$0x3F85] =	sst lr;
	_ =	strace $0xD0000000  }
0x3: {  	_ = 	snop  }
0x4: {  	_ = 	snop  }
0x5: {  	_ = 	snop  }
0x6: {  	_ = 	snop  }
0x7: {  	_ = 	snop  }
__scs_overlays_trampoline_lowered:
0x8: {  	[smem:$0x3F94] =	sst s0  }
0x9: {  	[smem:$0x3F95] =	sst s1  }
0xa: {  	[smem:$0x3F96] =	sst s2  }
0xb: {  	[smem:$0x3F97] =	sst s3  }
0xc: {  	[smem:$0x3F98] =	sst s4  }
0xd: {  	[smem:$0x3F99] =	sst s5  }
0xe: {  	[smem:$0x3F9A] =	sst s6  }
0xf: {  	[smem:$0x3F9B] =	sst s7  }
0x10: {  	[smem:$0x3F9C] =	sst s8  }
0x11: {  	[smem:$0x3F9D] =	sst s9;
	s0 =	simm.s32 @!p0 $0x0  }
0x12: {  	s1 =	sld [smem:$0x3F83];
	s0 =	simm.s32 @p0 $0x1  }
0x13: {  	[smem:$0x3F9E] =	sst s0;
	s0 =	simm.s32 @!p1 $0x0  }
0x14: {  	s2 =	sld [smem:$0x3F82];
	s0 =	simm.s32 @p1 $0x1  }
0x15: {  	[smem:$0x3F9F] =	sst s0;
	s0 =	simm.s32 @!p2 $0x0  }
0x16: {  	s3 =	sld [smem:$0x3FDB];
	s0 =	simm.s32 @p2 $0x1  }
0x17: {  	s4 =	simm.s32 $0x1BF5;
	[smem:$0x3FA1] =	sst s0  }
0x18: {  	s0 =	sld [smem:$0x3F84];
	_ =	swait.ge [sflag:s4], $0x0  }
0x19: {  	s7 =	sld [smem:$0x3F85]  }
0x1a: {  	s8 =	sadd.s32 $0xFFFFE003, lr  }
0x1b: {  	s9 =	sadd.s32 $0xFFFFFEF7, lr;
	s5 =	simm.s32 $0xFFFFFFFF;
	p2 =	slt.u32 s8, $0xFFFFF086  }
0x1c: {  	p1 =	slt.u32 s9, $0xF7A;
	s5 =	simm.s32 @!p2 $0x0  }
0x1d: {  	s5 =	simm.s32 @p1 $0x1;
	p0 =	seq.s32 s7, s2  }
0x1e: {  	s7 =	smul.u32 @!p0 $0xF7A, s2;
	p2 =	seq.s32 @!p0 s5, $0x0  }
0x1f: {  	s9 =	smul.u32 $0xF7A, s1;
	s8 =	simm.s32 @!p0 $0x1BF5;
	p2 =	por !p2, p0  }
0x20: {  	[sflag:s8] =	ssyncset.s32 @!p0 $0xFFFFF086;
	s6 =	sadd.s32 @!p0 s3, s7;
	s7 =	simm.s32 @!p0 $0x108  }
0x21: {  	s3 =	sadd.s32 s3, s9;
	s6 =	sadd.s32 @!p0 $0x88, s6;
	s7 =	simm.s32 @p2 $0x1082  }
0x22: {  	[simem:s7], [sflag:s8] =	dma.local @!p0 [hbm:s6], $0xF7A  }
0x23: {  	s9 =	sor.u32 $0xD0000000, s2;
	s6 =	simm.s32 $0x108;
	_ =	swait.ge @!p0 [sflag:s8], $0x0  }
0x24: {  	s3 =	sadd.s32 $0x88, s3;
	s6 =	simm.s32 @!p1 $0x1082;
	[sflag:s4] =	ssyncset.s32 $0xFFFFF086  }
0x25: {  	[simem:s6], [sflag:s4] =	dma.local [hbm:s3], $0xF7A  }
0x26: {  	[smem:$0x3F85] =	sst s1;
	(tag) =	ssettag s2;
	_ =	strace s9  }
0x27: {  	s1 =	sld [smem:$0x3F95]  }
0x28: {  	s2 =	sld [smem:$0x3F96]  }
0x29: {  	s4 =	sld [smem:$0x3F98]  }
0x2a: {  	p0 =	seq.s32 s5, $0x0;
	s5 =	sld [smem:$0x3F99]  }
0x2b: {  	s6 =	sld [smem:$0x3F9A]  }
0x2c: {  	s7 =	sld [smem:$0x3F9B]  }
0x2d: {  	s3 =	simm.s32 $0x108;
	s8 =	sld [smem:$0x3F9C]  }
0x2e: {  	s3 =	simm.s32 @!p0 $0x1082;
	s9 =	sld [smem:$0x3F9D]  }
0x2f: {  	lr =	sadd.s32 s0, s3;
	s0 =	sld [smem:$0x3F94]  }
0x30: {  	s3 =	sld [smem:$0x3F97]  }
0x31: {  	[smem:$0x3FA0] =	sst s10  }
0x32: {  	s10 =	sld [smem:$0x3F9E];
	_ =	sdelay $0x3  }
0x33: {  	p0 =	seq.s32 s10, $0x1;
	s10 =	sld [smem:$0x3FA0];
	_ =	sdelay $0x3  }
0x34: {  	[smem:$0x3FA0] =	sst s10  }
0x35: {  	s10 =	sld [smem:$0x3F9F];
	_ =	sdelay $0x3  }
0x36: {  	p1 =	seq.s32 s10, $0x1;
	s10 =	sld [smem:$0x3FA0];
	_ =	sdelay $0x3  }
0x37: {  	[smem:$0x3FA0] =	sst s10  }
0x38: {  	s10 =	sld [smem:$0x3FA1]  }
0x39: {  	_ = 	snop;
	(pc) =	sbr.ind lr, $3  }
0x3a: {  	_ = 	snop  }
0x3b: {  	_ = 	snop  }
0x3c: {  	p2 =	seq.s32 s10, $0x1;
	s10 =	sld [smem:$0x3FA0]  }
0x3d: {  	_ =	shalt  }
0x3e: {  	_ =	shalt  }
0x3f: {  	_ =	shalt  }
0x40: {  	_ =	shalt  }
0x41: {  	_ =	shalt  }
0x42: {  	_ =	shalt  }
0x43: {  	_ =	shalt  }
0x44: {  	_ =	shalt  }
0x45: {  	_ =	shalt  }
0x46: {  	_ =	shalt  }
0x47: {  	_ =	shalt  }
0x48: {  	_ =	shalt  }
0x49: {  	_ =	shalt  }
0x4a: {  	_ =	shalt  }
0x4b: {  	_ =	shalt  }
0x4c: {  	_ =	shalt  }
0x4d: {  	_ =	shalt  }
0x4e: {  	_ =	shalt  }
0x4f: {  	_ =	shalt  }
0x50: {  	_ =	shalt  }
0x51: {  	_ =	shalt  }
0x52: {  	_ =	shalt  }
0x53: {  	_ =	shalt  }
0x54: {  	_ =	shalt  }
0x55: {  	_ =	shalt  }
0x56: {  	_ =	shalt  }
0x57: {  	_ =	shalt  }
0x58: {  	_ =	shalt  }
0x59: {  	_ =	shalt  }
0x5a: {  	_ =	shalt  }
0x5b: {  	_ =	shalt  }
0x5c: {  	_ =	shalt  }
0x5d: {  	_ =	shalt  }
0x5e: {  	_ =	shalt  }
0x5f: {  	_ =	shalt  }
0x60: {  	_ =	shalt  }
0x61: {  	_ =	shalt  }
0x62: {  	_ =	shalt  }
0x63: {  	_ =	shalt  }
0x64: {  	_ =	shalt  }
0x65: {  	_ =	shalt  }
0x66: {  	_ =	shalt  }
0x67: {  	_ =	shalt  }
0x68: {  	_ =	shalt  }
0x69: {  	_ =	shalt  }
0x6a: {  	_ =	shalt  }
0x6b: {  	_ =	shalt  }
0x6c: {  	_ =	shalt  }
0x6d: {  	_ =	shalt  }
0x6e: {  	_ =	shalt  }
0x6f: {  	_ =	shalt  }
0x70: {  	_ =	shalt  }
0x71: {  	_ =	shalt  }
0x72: {  	_ =	shalt  }
0x73: {  	_ =	shalt  }
0x74: {  	_ =	shalt  }
0x75: {  	_ =	shalt  }
0x76: {  	_ =	shalt  }
0x77: {  	_ =	shalt  }
0x78: {  	_ =	shalt  }
0x79: {  	_ =	shalt  }
0x7a: {  	_ =	shalt  }
0x7b: {  	_ =	shalt  }
0x7c: {  	_ =	shalt  }
0x7d: {  	_ =	shalt  }
0x7e: {  	_ =	shalt  }
0x7f: {  	_ =	shalt  }
0x80: {  	_ =	shalt  }
0x81: {  	_ =	shalt  }
0x82: {  	_ =	shalt  }
0x83: {  	_ =	shalt  }
0x84: {  	_ =	shalt  }
0x85: {  	_ =	shalt  }
0x86: {  	_ =	shalt  }
0x87: {  	_ =	shalt  }
.Lfunc_end0:
.L_simem_size_0:
called_computation.1_lowered:
.L_overlay_start_0:
0x88: {  	s2 =	sld [smem:$0x3FD9]  }
0x89: {  	s3 =	sld [smem:$0x3FFE];
	_ =	sdelay $0x1  }
0x8a: {  	s1 =	srdreg.scid  }
0x8b: {  	s0 =	sand.u32 $0x1, s1  }
0x8c: {  	s16 =	sshll.u32 s0, $0xA;
	s2 =	sadd.s32 s3, s2  }
0x8d: {  	s2 =	sadd.s32 s2, s16  }
0x8e: {  	[smem:$0x3FAC] =	sst s2  }
0x8f: {  	_ = 	snop  }
0x90: {  	(tm) =	ssettm $0x1  }
0x91: {  	s17 =	sld [smem:$0x3FFB];
	_ =	sdelay $0x3  }
0x92: {  	_ =	strace s17  }
0x93: {  	s2 =	sld [smem:$0x3FFC];
	_ =	sdelay $0x3  }
0x94: {  	_ =	strace s2  }
0x95: {  	s2 =	sld [smem:$0x3FFD];
	_ =	sdelay $0x3  }
0x96: {  	_ =	strace s2  }
0x97: {  	_ =	strace $0x8FFFFFFF  }
0x98: {  	s18 =	sld [smem:$0x3FDB];
	_ =	sdelay $0x1  }
0x99: {  	s19 =	simm.s32 $_scs_section_size  }
0x9a: {  	s4 =	simm.s32 $_size__tile_overlayer_lowered;
	s5 =	simm.s32 $_tile_overlayer_lowered  }
0x9b: {  	s22 =	simm.s32 $0x1BFF;
	s21 =	sshll.u32 s5, $0x1;
	s2 =	sadd.s32 s19, s18  }
0x9c: {  	s6 =	simm.s32 $0x0;
	s20 =	sshll.u32 s4, $0x1;
	s4 =	sadd.s32 s21, s2  }
0x9d: {  	[timem:s6], [sflag:s22] =	dma.local [hbm:s4], s20  }
0x9e: {  	_ =	swait.ge [sflag:s22], s20  }
0x9f: {  	s3 =	ssub.s32 $0x0, s20;
	[sflag:s22] =	ssyncset.done $0x0  }
0xa0: {  	[sflag:s22] =	ssyncadd.s32 s3;
	_ =	sdelay $0x1  }
0xa1: {  	s23 =	simm.s32 $0x1B8B  }
0xa2: {  	_ =	swait.ge [sflag:s23], $0x1  }
0xa3: {  	[sflag:s23] =	ssyncset.done $0x0  }
0xa4: {  	s25 =	simm.s32 $0x1B8E;
	s24 =	sld [smem:$0x3FFE];
	[sflag:s23] =	ssyncadd.s32 $0xFFFFFFFF  }
0xa5: {  	s26 =	simm.s32 $execute0_lowered;
	[smem:$0x3FD2] =	sst s25  }
0xa6: {  	s4 =	sshll.u32 s26, $0x1;
	_ =	strace $0x80000049;
	[dreg:$0x1] =	wrdreg $0xFFFFFFFF  }
0xa7: {  	s28 =	simm.s32 $_size_execute0_lowered;
	s2 =	sadd.s32 s2, s4;
	[dreg:$0x0] =	wrdreg $0x0  }
0xa8: {  	s4 =	sshll.u32 s28, $0x1;
	[dreg:$0x2] =	wrdreg s2  }
0xa9: {  	[dreg:$0x3] =	wrdreg s4  }
0xaa: {  	[dreg:$0x4] =	wrdreg $0xC0  }
0xab: {  	_ =	task [dreg:s6], $0x5FFFF  }
0xac: {  	[dreg:$0x1] =	wrdreg $0xFFFFFFFF  }
0xad: {  	[dreg:$0x0] =	wrdreg $0x60  }
0xae: {  	[dreg:$0x2] =	wrdreg s24  }
0xaf: {  	[dreg:$0x3] =	wrdreg $0xB7800  }
0xb0: {  	[dreg:$0x4] =	wrdreg $0x9  }
0xb1: {  	_ =	task.clear_ibuf [dreg:s6], $0x5FFFF;
	_ =	strace $0x90000049  }
0xb2: {  	s29 =	simm.s32 $0x9;
	_ =	strace $0x8000004B  }
0xb3: {  	_ =	swait.ge [sflag:s29], $0x1  }
0xb4: {  	[sflag:s29] =	ssyncadd.s32 $0xFFFFFFFF  }
0xb5: {  	_ =	strace $0x9000004B  }
0xb6: {  	_ =	sfence  }
0xb7: {  	s30 =	sld [smem:$0x0];
	_ =	sdelay $0x2  }
0xb8: {  	s31 =	sshll.u32 s1, $0xD;
	s1 =	sshrl.u32 s1, $0x2  }
0xb9: {  	s3 =	sand.u32 $0x4000, s31;
	s1 =	sadd.s32 s1, s30  }
0xba: {  	s0 =	sor.u32 s3, s0;
	s1 =	sshll.u32 s1, $0x11  }
0xbb: {  	s0 =	sor.u32 s1, s0  }
0xbc: {  	s0 =	sadd.s32 $0x8F2B, s0  }
0xbd: {  	[sflag:s0] =	ssyncadd.remote.s32 $0x1  }
0xbe: {  	_ =	sfence.sel $0xFFFF  }
0xbf: {  	[dreg:$0x0] =	wrdreg $0xFFFFFFFF;
	(pc) =	sbr.abs _section_cstart, $3  }
0xc0: {  	[dreg:$0x1] =	wrdreg $0xFFFFFFFF  }
0xc1: {  	_ =	task.clear_ibuf [dreg:s6], $0x2FFFF;
	_ =	strace $0x9FFFFFFF  }
0xc2: {  	(tm) =	ssettm $0x7FFFFFFF  }
0xc3: {  	_ =	shalt  }
tec
execute0_lowered:
.L_overlay_start_1:
0x0: {  	(tag) =	ssettag $0x1  }
0x1: {  	s1 =	srdreg.scid;
	s7 =	rddreg [dreg:$0x0]  }
0x2: {  	s0 =	stileid.u32;
	s2 =	rddreg [dreg:$0x1];
	s3 =	simm.s32 $0x0  }
0x3: {  	s18 =	simm.s32 $0x50;
	s19 =	simm.s32 $0x6780;
	s28 =	simm.s32 $0x0  }
0x4: {  	s6 =	sand.u32 $0x1, s1;
	s20 =	sshll.u32 s0, $0x1;
	s21 =	sshrl.u32 s0, $0x2  }
0x5: {  	[smem:$0x7FF] =	sst s3;
	s11 =	smul.u32 $0x4E000, s0;
	s12 =	sadd.s32 $0x6FC00, s7  }
0x6: {  	s25 =	sshll.u32 s0, $0x6;
	s14 =	smul.u32 $0x13800, s0;
	s17 =	sadd.s32 $0x138000, s2  }
0x7: {  	p0 =	sne.s32 s0, $0xF;
	s4 =	sor.u32 s6, s20;
	s5 =	smul.u32 $0x13C00, s21  }
0x8: {  	_ =	strace $0x8000004A;
	s10 =	ssub.s32 $0x2, s6;
	s13 =	smul.u32 $0x138800, s6  }
0x9: {  	s6 =	sor.u32 $0x1C03, s25;
	s20 =	simm.s32 $0x8F80;
	s21 =	simm.s32 $0x1  }
0xa: {  	s25 =	simm.s32 $0x6500;
	s8 =	sshll.u32 s4, $0x7;
	s22 =	sshll.u32 s4, $0xB  }
0xb: {  	s4 =	sadd.s32 $0x17C00, s7;
	s23 =	sshrl.u32 s10, $0x1;
	s24 =	sshrl.u32 s11, $0x2  }
0xc: {  	s8 =	sand.u32 $0x380, s8;
	s15 =	ssub.s32 s10, s23;
	s16 =	sadd.s32 s24, s2  }
0xd: {  	s26 =	sadd.s32 s14, s13;
	s29 =	sshrl.u32 s13, $0x3;
	s13 =	simm.s32 $0x3  }
0xe: {  	s14 =	sshrl.u32 @!p0 s17, $0x3;
	s17 =	simm.s32 $0x2780;
	s23 =	simm.s32 $0x6480  }
0xf: {  	s24 =	simm.s32 $0x26C0;
	s5 =	sor.u32 s5, s8;
	s8 =	sadd.s32 s22, s7  }
0x10: {  	s30 =	sshrl.u32 s26, $0x3;
	s31 =	sadd.s32 s12, s29;
	s11 =	smax.u32 s15, $0x1  }
0x11: {  	s15 =	simm.s32 $0x80;
	s22 =	simm.s32 $0x2;
	s5 =	sshrl.u32 s5, $0x3  }
0x12: {  	s26 =	simm.s32 $0x6580;
	s8 =	sadd.s32 $0x5400, s8;
	s9 =	sadd.s32 s5, s7  }
0x13: {  	s10 =	sadd.s32 $0x27000, s31;
	s5 =	sadd.s32 $0x15400, s7;
	s7 =	sadd.s32 $0x65E00, s9  }
0x14: {  	s9 =	sadd.s32 s12, s30;
	s12 =	sshrl.u32 s16, $0x3;
	s16 =	simm.s32 $0x400  }
.LBB2_1:
0x15: {  	[spmem:s12], [sflag:s6] =	dma.local [hbm:s5], $0x2700  }
0x16: {  	_ =	swait.ge [sflag:s13], $0x2700  }
0x17: {  	[sflag:s13] =	ssyncset.done $0x0  }
0x18: {  	s29 =	simm.s32 @!p0 $0x3;
	[sflag:s13] =	ssyncadd.s32 $0xFFFFD900  }
0x19: {  	[spmem:s14], [sflag:s6] =	dma.local @!p0 [hbm:s5], $0x100  }
0x1a: {  	_ =	swait.ge @!p0 [sflag:s29], $0x100  }
0x1b: {  	[sflag:s29] =	ssyncset.done @!p0 $0x0  }
0x1c: {  	[sflag:s29] =	ssyncadd.s32 @!p0 $0xFFFFFF00  }
0x1d: {  	[tilespmem:s3], [sflag:$0x3] =	stream.strided.gather [hbm4b:s7+s15], $0x2780, s16, s15, $0x38;
	[tilespmem:$0x1F000] =	vst v63  }
0x1e: {  	_ =	swait.ge [sflag:s13], $0x2780  }
0x1f: {  	[sflag:s13] =	ssyncset.done $0x0  }
0x20: {  	[sflag:s13] =	ssyncadd.s32 $0xFFFFD880  }
0x21: {  	[tilespmem:s17], [sflag:$0x3] =	stream.linear.gather [hbm4b:s8+s3], $0x3E80, $0x38;
	[tilespmem:$0x1F000] =	vst v63  }
0x22: {  	_ =	swait.ge [sflag:s13], $0x3E80  }
0x23: {  	[sflag:s13] =	ssyncset.done $0x0  }
0x24: {  	[sflag:s13] =	ssyncadd.s32 $0xFFFFC180  }
0x25: {  	[tilespmem:s19], [sflag:$0x1] =	stream.indirect.gather [hbm4b:s4+s18], $0x80, s3, s18, $0xb8;
	[tilespmem:$0x1F000] =	vst v63  }
0x26: {  	_ = 	snop  }
0x27: {  	[tilespmem:s20], [sflag:$0x2] =	stream.indirect.gather [hbm4b:s4+s18], $0x80, s18, s18, $0xb8;
	[tilespmem:$0x1F000] =	vst v63  }
0x28: {  	[bflag:$0x0] =	sbarrier.arrive $0xFFFF  }
0x29: {  	_ =	swait.ge [sflag:s21], $0x2800  }
0x2a: {  	[sflag:s21] =	ssyncset.done $0x0  }
0x2b: {  	s29 =	simm.s32 $0x2780;
	[sflag:s21] =	ssyncadd.s32 $0xFFFFD800  }
0x2c: {  	[spmem:s2] =	stream.indirect.scatter.add.f32 [tilespmem:s19], [sflag:$0x3], $0x80, s29, s18, $0xb8;
	[tilespmem:$0x1F000] =	vst v63  }
0x2d: {  	_ =	swait.ge [sflag:s13], $0x2800  }
0x2e: {  	[sflag:s13] =	ssyncset.done $0x0  }
0x2f: {  	s29 =	simm.s32 $0xA0;
	[sflag:s13] =	ssyncadd.s32 $0xFFFFD800  }
0x30: {  	[tilespmem:s19], [sflag:$0x1] =	stream.indirect.gather [hbm4b:s4+s18], $0x80, s29, s18, $0xb8;
	[tilespmem:$0x1F000] =	vst v63  }
0x31: {  	_ =	swait.ge [sflag:s22], $0x2800  }
0x32: {  	[sflag:s22] =	ssyncset.done $0x0  }
0x33: {  	s29 =	simm.s32 $0x2800;
	[sflag:s22] =	ssyncadd.s32 $0xFFFFD800  }
0x34: {  	[spmem:s2] =	stream.indirect.scatter.add.f32 [tilespmem:s20], [sflag:$0x3], $0x80, s29, s18, $0xb8;
	[tilespmem:$0x1F000] =	vst v63  }
0x35: {  	_ =	swait.ge [sflag:s13], $0x2800  }
0x36: {  	s30 =	simm.s32 $0x400;
	[sflag:s13] =	ssyncset.done $0x0  }
0x37: {  	s31 =	simm.s32 $0x190;
	s29 =	simm.s32 $0xF0;
	[sflag:s13] =	ssyncadd.s32 $0xFFFFD800  }
.LBB2_2:
0x38: {  	[tilespmem:s20], [sflag:$0x2] =	stream.indirect.gather [hbm4b:s4+s18], $0x80, s29, s18, $0xb8;
	[tilespmem:$0x1F000] =	vst v63  }
0x39: {  	s1 =	smov.u32 s30;
	s29 =	smov.u32 s31  }
0x3a: {  	p1 =	sne.s32 s30, $0xF000;
	s30 =	sadd.s32 $0x400, s30;
	_ =	swait.ge [sflag:s21], $0x2800  }
0x3b: {  	s1 =	sshra.s32 s1, $0x2;
	[sflag:s21] =	ssyncset.done $0x0  }
0x3c: {  	s0 =	sadd.s32 $0x2780, s1;
	[sflag:s21] =	ssyncadd.s32 $0xFFFFD800  }
0x3d: {  	[spmem:s2] =	stream.indirect.scatter.add.f32 [tilespmem:s19], [sflag:$0x3], $0x80, s0, s18, $0xb8;
	[tilespmem:$0x1F000] =	vst v63  }
0x3e: {  	_ =	swait.ge [sflag:s13], $0x2800  }
0x3f: {  	[sflag:s13] =	ssyncset.done $0x0  }
0x40: {  	s0 =	sadd.s32 $0xFFFFFFB0, s31;
	[sflag:s13] =	ssyncadd.s32 $0xFFFFD800  }
0x41: {  	[tilespmem:s19], [sflag:$0x1] =	stream.indirect.gather [hbm4b:s4+s18], $0x80, s0, s18, $0xb8;
	[tilespmem:$0x1F000] =	vst v63  }
0x42: {  	_ =	swait.ge [sflag:s22], $0x2800  }
0x43: {  	[sflag:s22] =	ssyncset.done $0x0  }
.Ltmp0:
0x44: {  	s0 =	sadd.s32 $0x2800, s1;
	[sflag:s22] =	ssyncadd.s32 $0xFFFFD800;
	(pc) =	sbr.rel @p1 .LBB2_2-.Ltmp0, $4  }
0x45: {  	[spmem:s2] =	stream.indirect.scatter.add.f32 [tilespmem:s20], [sflag:$0x3], $0x80, s0, s18, $0xb8;
	[tilespmem:$0x1F000] =	vst v63  }
0x46: {  	_ =	swait.ge [sflag:s13], $0x2800  }
0x47: {  	[sflag:s13] =	ssyncset.done $0x0  }
0x48: {  	s31 =	sadd.s32 $0xA0, s31;
	[sflag:s13] =	ssyncadd.s32 $0xFFFFD800  }
0x49: {  	[tilespmem:s20], [sflag:$0x2] =	stream.indirect.gather [hbm4b:s4+s18], $0x80, s29, s18, $0xb8;
	[tilespmem:$0x1F000] =	vst v63  }
0x4a: {  	_ =	swait.ge [sflag:s21], $0x2800  }
0x4b: {  	[sflag:s21] =	ssyncset.done $0x0  }
0x4c: {  	[sflag:s21] =	ssyncadd.s32 $0xFFFFD800  }
0x4d: {  	[spmem:s2] =	stream.indirect.scatter.add.f32 [tilespmem:s19], [sflag:$0x3], $0x80, s23, s18, $0xb8;
	[tilespmem:$0x1F000] =	vst v63  }
0x4e: {  	_ =	swait.ge [sflag:s13], $0x2800  }
0x4f: {  	[sflag:s13] =	ssyncset.done $0x0  }
0x50: {  	[sflag:s13] =	ssyncadd.s32 $0xFFFFD800  }
0x51: {  	[tilespmem:s19], [sflag:$0x1] =	stream.indirect.gather [hbm4b:s4+s18], $0x80, s24, s18, $0xb8;
	[tilespmem:$0x1F000] =	vst v63  }
0x52: {  	_ =	swait.ge [sflag:s22], $0x2800  }
0x53: {  	[sflag:s22] =	ssyncset.done $0x0  }
0x54: {  	[sflag:s22] =	ssyncadd.s32 $0xFFFFD800  }
0x55: {  	[spmem:s2] =	stream.indirect.scatter.add.f32 [tilespmem:s20], [sflag:$0x3], $0x80, s25, s18, $0xb8;
	[tilespmem:$0x1F000] =	vst v63  }
0x56: {  	_ =	swait.ge [sflag:s13], $0x2800  }
0x57: {  	[sflag:s13] =	ssyncset.done $0x0  }
0x58: {  	[sflag:s13] =	ssyncadd.s32 $0xFFFFD800  }
0x59: {  	_ =	swait.ge [sflag:s21], $0x2800  }
0x5a: {  	[sflag:s21] =	ssyncset.done $0x0  }
0x5b: {  	[sflag:s21] =	ssyncadd.s32 $0xFFFFD800  }
0x5c: {  	[spmem:s2] =	stream.indirect.scatter.add.f32 [tilespmem:s19], [sflag:$0x3], $0x80, s26, s18, $0xb8;
	[tilespmem:$0x1F000] =	vst v63  }
0x5d: {  	_ =	swait.ge [sflag:s13], $0x2800  }
0x5e: {  	[sflag:s13] =	ssyncset.done $0x0  }
0x5f: {  	[sflag:s13] =	ssyncadd.s32 $0xFFFFD800  }
0x60: {  	[bflag:$0x0] =	sbarrier.arrive $0xFFFF  }
0x61: {  	[hbm:s9], [sflag:s6] =	dma.local [spmem:s12], $0x2700  }
0x62: {  	s28 =	sadd.s32 $0x1, s28;
	_ =	swait.ge [sflag:s13], $0x2700  }
0x63: {  	p1 =	sne.s32 s28, s11;
	[sflag:s13] =	ssyncset.done $0x0  }
.Ltmp1:
0x64: {  	s0 =	simm.s32 @!p0 $0x3;
	[sflag:s13] =	ssyncadd.s32 $0xFFFFD900;
	(pc) =	sbr.rel @p1 .LBB2_1-.Ltmp1, $4  }
0x65: {  	[hbm:s10], [sflag:s6] =	dma.local @!p0 [spmem:s14], $0x100  }
0x66: {  	_ =	swait.ge @!p0 [sflag:s0], $0x100  }
0x67: {  	[sflag:s0] =	ssyncset.done @!p0 $0x0  }
0x68: {  	[sflag:s0] =	ssyncadd.s32 @!p0 $0xFFFFFF00  }
0x69: {  	_ =	sfence.sel $0x180000  }
0x6a: {  	[bflag:$0x0] =	sbarrier.arrive $0xFFFF  }
0x6b: {  	_ =	strace $0x9000004A  }
0x6c: {  	s0 =	stileid.u32;
	[bflag:$0x2] =	sbarrier.arrive $0xFFFF  }
0x6d: {  	p0 =	sne.s32 s0, $0x0;
	s0 =	rddreg [dreg:$0x2]  }
0x6e: {  	s0 =	sadd.s32 @!p0 $0x100000, s0  }
0x6f: {  	[sflag:s0] =	ssyncadd.tile.s32 @!p0 $0x1;
	_ =	shalt  }
.Lfunc_end2:
_tile_overlayer_lowered:
.L_overlay_start_2:
0x70: {  	(tag) =	ssettag $0x2  }
0x71: {  	s0 =	rddreg [dreg:$0x0];
	s2 =	stileid.u32  }
0x72: {  	s1 =	rddreg [dreg:$0x1];
	p0 =	sne.s32 s2, $0x0  }
0x73: {  	s3 =	rddreg [dreg:$0x2];
	[bflag:$0x3] =	sbarrier.arrive $0xFFFF;
	s2 =	simm.s32 @!p0 $0x1C03  }
0x74: {  	[timem:s3], [sflag:s2] =	dma.local @!p0 [hbm:s0], s1  }
0x75: {  	s0 =	simm.s32 @!p0 $0x3  }
0x76: {  	_ =	swait.ge @!p0 [sflag:s0], s1  }
0x77: {  	s1 =	ssub.s32 @!p0 $0x0, s1;
	[sflag:s0] =	ssyncset.done @!p0 $0x0  }
0x78: {  	[sflag:s0] =	ssyncadd.s32 @!p0 s1  }
0x79: {  	[bflag:$0x3] =	sbarrier.arrive $0xFFFF  }
0x7a: {  	_ =	shalt  }

// kernel: kernel.16.cloned.1.call-start
scs
__scs_entry_jumppad:
0x0: {  	(pc) =	sbr.rel $0x88, $3  }
0x1: {  	(tag) =	ssettag $0x0;
	lr =	simm.s32 $0x1  }
0x2: {  	[smem:$0x3F85] =	sst lr;
	_ =	strace $0xD0000000  }
0x3: {  	_ = 	snop  }
0x4: {  	_ = 	snop  }
0x5: {  	_ = 	snop  }
0x6: {  	_ = 	snop  }
0x7: {  	_ = 	snop  }
__scs_overlays_trampoline_lowered:
0x8: {  	[smem:$0x3F94] =	sst s0  }
0x9: {  	[smem:$0x3F95] =	sst s1  }
0xa: {  	[smem:$0x3F96] =	sst s2  }
0xb: {  	[smem:$0x3F97] =	sst s3  }
0xc: {  	[smem:$0x3F98] =	sst s4  }
0xd: {  	[smem:$0x3F99] =	sst s5  }
0xe: {  	[smem:$0x3F9A] =	sst s6  }
0xf: {  	[smem:$0x3F9B] =	sst s7  }
0x10: {  	[smem:$0x3F9C] =	sst s8  }
0x11: {  	[smem:$0x3F9D] =	sst s9;
	s0 =	simm.s32 @!p0 $0x0  }
0x12: {  	s1 =	sld [smem:$0x3F83];
	s0 =	simm.s32 @p0 $0x1  }
0x13: {  	[smem:$0x3F9E] =	sst s0;
	s0 =	simm.s32 @!p1 $0x0  }
0x14: {  	s2 =	sld [smem:$0x3F82];
	s0 =	simm.s32 @p1 $0x1  }
0x15: {  	[smem:$0x3F9F] =	sst s0;
	s0 =	simm.s32 @!p2 $0x0  }
0x16: {  	s3 =	sld [smem:$0x3FDB];
	s0 =	simm.s32 @p2 $0x1  }
0x17: {  	s4 =	simm.s32 $0x1BF5;
	[smem:$0x3FA1] =	sst s0  }
0x18: {  	s0 =	sld [smem:$0x3F84];
	_ =	swait.ge [sflag:s4], $0x0  }
0x19: {  	s7 =	sld [smem:$0x3F85]  }
0x1a: {  	s8 =	sadd.s32 $0xFFFFE003, lr  }
0x1b: {  	s9 =	sadd.s32 $0xFFFFFEF7, lr;
	s5 =	simm.s32 $0xFFFFFFFF;
	p2 =	slt.u32 s8, $0xFFFFF086  }
0x1c: {  	p1 =	slt.u32 s9, $0xF7A;
	s5 =	simm.s32 @!p2 $0x0  }
0x1d: {  	s5 =	simm.s32 @p1 $0x1;
	p0 =	seq.s32 s7, s2  }
0x1e: {  	s7 =	smul.u32 @!p0 $0xF7A, s2;
	p2 =	seq.s32 @!p0 s5, $0x0  }
0x1f: {  	s9 =	smul.u32 $0xF7A, s1;
	s8 =	simm.s32 @!p0 $0x1BF5;
	p2 =	por !p2, p0  }
0x20: {  	[sflag:s8] =	ssyncset.s32 @!p0 $0xFFFFF086;
	s6 =	sadd.s32 @!p0 s3, s7;
	s7 =	simm.s32 @!p0 $0x108  }
0x21: {  	s3 =	sadd.s32 s3, s9;
	s6 =	sadd.s32 @!p0 $0x88, s6;
	s7 =	simm.s32 @p2 $0x1082  }
0x22: {  	[simem:s7], [sflag:s8] =	dma.local @!p0 [hbm:s6], $0xF7A  }
0x23: {  	s9 =	sor.u32 $0xD0000000, s2;
	s6 =	simm.s32 $0x108;
	_ =	swait.ge @!p0 [sflag:s8], $0x0  }
0x24: {  	s3 =	sadd.s32 $0x88, s3;
	s6 =	simm.s32 @!p1 $0x1082;
	[sflag:s4] =	ssyncset.s32 $0xFFFFF086  }
0x25: {  	[simem:s6], [sflag:s4] =	dma.local [hbm:s3], $0xF7A  }
0x26: {  	[smem:$0x3F85] =	sst s1;
	(tag) =	ssettag s2;
	_ =	strace s9  }
0x27: {  	s1 =	sld [smem:$0x3F95]  }
0x28: {  	s2 =	sld [smem:$0x3F96]  }
0x29: {  	s4 =	sld [smem:$0x3F98]  }
0x2a: {  	p0 =	seq.s32 s5, $0x0;
	s5 =	sld [smem:$0x3F99]  }
0x2b: {  	s6 =	sld [smem:$0x3F9A]  }
0x2c: {  	s7 =	sld [smem:$0x3F9B]  }
0x2d: {  	s3 =	simm.s32 $0x108;
	s8 =	sld [smem:$0x3F9C]  }
0x2e: {  	s3 =	simm.s32 @!p0 $0x1082;
	s9 =	sld [smem:$0x3F9D]  }
0x2f: {  	lr =	sadd.s32 s0, s3;
	s0 =	sld [smem:$0x3F94]  }
0x30: {  	s3 =	sld [smem:$0x3F97]  }
0x31: {  	[smem:$0x3FA0] =	sst s10  }
0x32: {  	s10 =	sld [smem:$0x3F9E];
	_ =	sdelay $0x3  }
0x33: {  	p0 =	seq.s32 s10, $0x1;
	s10 =	sld [smem:$0x3FA0];
	_ =	sdelay $0x3  }
0x34: {  	[smem:$0x3FA0] =	sst s10  }
0x35: {  	s10 =	sld [smem:$0x3F9F];
	_ =	sdelay $0x3  }
0x36: {  	p1 =	seq.s32 s10, $0x1;
	s10 =	sld [smem:$0x3FA0];
	_ =	sdelay $0x3  }
0x37: {  	[smem:$0x3FA0] =	sst s10  }
0x38: {  	s10 =	sld [smem:$0x3FA1]  }
0x39: {  	_ = 	snop;
	(pc) =	sbr.ind lr, $3  }
0x3a: {  	_ = 	snop  }
0x3b: {  	_ = 	snop  }
0x3c: {  	p2 =	seq.s32 s10, $0x1;
	s10 =	sld [smem:$0x3FA0]  }
0x3d: {  	_ =	shalt  }
0x3e: {  	_ =	shalt  }
0x3f: {  	_ =	shalt  }
0x40: {  	_ =	shalt  }
0x41: {  	_ =	shalt  }
0x42: {  	_ =	shalt  }
0x43: {  	_ =	shalt  }
0x44: {  	_ =	shalt  }
0x45: {  	_ =	shalt  }
0x46: {  	_ =	shalt  }
0x47: {  	_ =	shalt  }
0x48: {  	_ =	shalt  }
0x49: {  	_ =	shalt  }
0x4a: {  	_ =	shalt  }
0x4b: {  	_ =	shalt  }
0x4c: {  	_ =	shalt  }
0x4d: {  	_ =	shalt  }
0x4e: {  	_ =	shalt  }
0x4f: {  	_ =	shalt  }
0x50: {  	_ =	shalt  }
0x51: {  	_ =	shalt  }
0x52: {  	_ =	shalt  }
0x53: {  	_ =	shalt  }
0x54: {  	_ =	shalt  }
0x55: {  	_ =	shalt  }
0x56: {  	_ =	shalt  }
0x57: {  	_ =	shalt  }
0x58: {  	_ =	shalt  }
0x59: {  	_ =	shalt  }
0x5a: {  	_ =	shalt  }
0x5b: {  	_ =	shalt  }
0x5c: {  	_ =	shalt  }
0x5d: {  	_ =	shalt  }
0x5e: {  	_ =	shalt  }
0x5f: {  	_ =	shalt  }
0x60: {  	_ =	shalt  }
0x61: {  	_ =	shalt  }
0x62: {  	_ =	shalt  }
0x63: {  	_ =	shalt  }
0x64: {  	_ =	shalt  }
0x65: {  	_ =	shalt  }
0x66: {  	_ =	shalt  }
0x67: {  	_ =	shalt  }
0x68: {  	_ =	shalt  }
0x69: {  	_ =	shalt  }
0x6a: {  	_ =	shalt  }
0x6b: {  	_ =	shalt  }
0x6c: {  	_ =	shalt  }
0x6d: {  	_ =	shalt  }
0x6e: {  	_ =	shalt  }
0x6f: {  	_ =	shalt  }
0x70: {  	_ =	shalt  }
0x71: {  	_ =	shalt  }
0x72: {  	_ =	shalt  }
0x73: {  	_ =	shalt  }
0x74: {  	_ =	shalt  }
0x75: {  	_ =	shalt  }
0x76: {  	_ =	shalt  }
0x77: {  	_ =	shalt  }
0x78: {  	_ =	shalt  }
0x79: {  	_ =	shalt  }
0x7a: {  	_ =	shalt  }
0x7b: {  	_ =	shalt  }
0x7c: {  	_ =	shalt  }
0x7d: {  	_ =	shalt  }
0x7e: {  	_ =	shalt  }
0x7f: {  	_ =	shalt  }
0x80: {  	_ =	shalt  }
0x81: {  	_ =	shalt  }
0x82: {  	_ =	shalt  }
0x83: {  	_ =	shalt  }
0x84: {  	_ =	shalt  }
0x85: {  	_ =	shalt  }
0x86: {  	_ =	shalt  }
0x87: {  	_ =	shalt  }
.Lfunc_end0:
.L_simem_size_0:
called_computation.2_lowered:
.L_overlay_start_0:
0x88: {  	s2 =	sld [smem:$0x3FD9]  }
0x89: {  	s3 =	sld [smem:$0x3FFE];
	_ =	sdelay $0x1  }
0x8a: {  	s1 =	srdreg.scid  }
0x8b: {  	s0 =	sand.u32 $0x1, s1  }
0x8c: {  	s16 =	sshll.u32 s0, $0xA;
	s2 =	sadd.s32 s3, s2  }
0x8d: {  	s2 =	sadd.s32 s2, s16  }
0x8e: {  	[smem:$0x3FAC] =	sst s2  }
0x8f: {  	_ = 	snop  }
0x90: {  	(tm) =	ssettm $0x1  }
0x91: {  	s17 =	sld [smem:$0x3FFB];
	_ =	sdelay $0x3  }
0x92: {  	_ =	strace s17  }
0x93: {  	s2 =	sld [smem:$0x3FFC];
	_ =	sdelay $0x3  }
0x94: {  	_ =	strace s2  }
0x95: {  	s2 =	sld [smem:$0x3FFD];
	_ =	sdelay $0x3  }
0x96: {  	_ =	strace s2  }
0x97: {  	_ =	strace $0x8FFFFFFF  }
0x98: {  	s18 =	sld [smem:$0x3FDB];
	_ =	sdelay $0x1  }
0x99: {  	s19 =	simm.s32 $_scs_section_size  }
0x9a: {  	s4 =	simm.s32 $_size__tile_overlayer_lowered;
	s5 =	simm.s32 $_tile_overlayer_lowered  }
0x9b: {  	s22 =	simm.s32 $0x1BFF;
	s21 =	sshll.u32 s5, $0x1;
	s2 =	sadd.s32 s19, s18  }
0x9c: {  	s6 =	simm.s32 $0x0;
	s20 =	sshll.u32 s4, $0x1;
	s4 =	sadd.s32 s21, s2  }
0x9d: {  	[timem:s6], [sflag:s22] =	dma.local [hbm:s4], s20  }
0x9e: {  	_ =	swait.ge [sflag:s22], s20  }
0x9f: {  	s3 =	ssub.s32 $0x0, s20;
	[sflag:s22] =	ssyncset.done $0x0  }
0xa0: {  	[sflag:s22] =	ssyncadd.s32 s3;
	_ =	sdelay $0x1  }
0xa1: {  	s23 =	simm.s32 $0x1B8B  }
0xa2: {  	_ =	swait.ge [sflag:s23], $0x1  }
0xa3: {  	[sflag:s23] =	ssyncset.done $0x0  }
0xa4: {  	s25 =	simm.s32 $0x1B8E;
	s24 =	sld [smem:$0x3FFE];
	[sflag:s23] =	ssyncadd.s32 $0xFFFFFFFF  }
0xa5: {  	s26 =	simm.s32 $execute0_lowered;
	[smem:$0x3FD2] =	sst s25  }
0xa6: {  	s4 =	sshll.u32 s26, $0x1;
	_ =	strace $0x8000004C;
	[dreg:$0x1] =	wrdreg $0xFFFFFFFF  }
0xa7: {  	s28 =	simm.s32 $_size_execute0_lowered;
	s2 =	sadd.s32 s2, s4;
	[dreg:$0x0] =	wrdreg $0x0  }
0xa8: {  	s4 =	sshll.u32 s28, $0x1;
	[dreg:$0x2] =	wrdreg s2  }
0xa9: {  	[dreg:$0x3] =	wrdreg s4  }
0xaa: {  	[dreg:$0x4] =	wrdreg $0xC0  }
0xab: {  	_ =	task [dreg:s6], $0x5FFFF  }
0xac: {  	[dreg:$0x1] =	wrdreg $0xFFFFFFFF  }
0xad: {  	[dreg:$0x0] =	wrdreg $0x60  }
0xae: {  	[dreg:$0x2] =	wrdreg s24  }
0xaf: {  	[dreg:$0x3] =	wrdreg $0xB7800  }
0xb0: {  	[dreg:$0x4] =	wrdreg $0x9  }
0xb1: {  	_ =	task.clear_ibuf [dreg:s6], $0x5FFFF;
	_ =	strace $0x9000004C  }
0xb2: {  	s29 =	simm.s32 $0x9;
	_ =	strace $0x8000004E  }
0xb3: {  	_ =	swait.ge [sflag:s29], $0x1  }
0xb4: {  	[sflag:s29] =	ssyncadd.s32 $0xFFFFFFFF  }
0xb5: {  	_ =	strace $0x9000004E  }
0xb6: {  	_ =	sfence  }
0xb7: {  	s30 =	sld [smem:$0x0];
	_ =	sdelay $0x2  }
0xb8: {  	s31 =	sshll.u32 s1, $0xD;
	s1 =	sshrl.u32 s1, $0x2  }
0xb9: {  	s3 =	sand.u32 $0x4000, s31;
	s1 =	sadd.s32 s1, s30  }
0xba: {  	s0 =	sor.u32 s3, s0;
	s1 =	sshll.u32 s1, $0x11  }
0xbb: {  	s0 =	sor.u32 s1, s0  }
0xbc: {  	s0 =	sadd.s32 $0x8F2B, s0  }
0xbd: {  	[sflag:s0] =	ssyncadd.remote.s32 $0x1  }
0xbe: {  	_ =	sfence.sel $0xFFFF  }
0xbf: {  	[dreg:$0x0] =	wrdreg $0xFFFFFFFF;
	(pc) =	sbr.abs _section_cstart, $3  }
0xc0: {  	[dreg:$0x1] =	wrdreg $0xFFFFFFFF  }
0xc1: {  	_ =	task.clear_ibuf [dreg:s6], $0x2FFFF;
	_ =	strace $0x9FFFFFFF  }
0xc2: {  	(tm) =	ssettm $0x7FFFFFFF  }
0xc3: {  	_ =	shalt  }
tec
execute0_lowered:
.L_overlay_start_1:
0x0: {  	(tag) =	ssettag $0x1  }
0x1: {  	s1 =	srdreg.scid;
	s7 =	rddreg [dreg:$0x0]  }
0x2: {  	s0 =	stileid.u32;
	s2 =	rddreg [dreg:$0x1];
	s3 =	simm.s32 $0x0  }
0x3: {  	s18 =	simm.s32 $0x50;
	s19 =	simm.s32 $0x6780;
	s28 =	simm.s32 $0x0  }
0x4: {  	s6 =	sand.u32 $0x1, s1;
	s20 =	sshll.u32 s0, $0x1;
	s21 =	sshrl.u32 s0, $0x2  }
0x5: {  	[smem:$0x7FF] =	sst s3;
	s11 =	smul.u32 $0x4E000, s0;
	s12 =	sadd.s32 $0x6FC00, s7  }
0x6: {  	s25 =	sshll.u32 s0, $0x6;
	s14 =	smul.u32 $0x13800, s0;
	s17 =	sadd.s32 $0x138000, s2  }
0x7: {  	p0 =	sne.s32 s0, $0xF;
	s4 =	sor.u32 s6, s20;
	s5 =	smul.u32 $0x13C00, s21  }
0x8: {  	_ =	strace $0x8000004D;
	s10 =	ssub.s32 $0x2, s6;
	s13 =	smul.u32 $0x138800, s6  }
0x9: {  	s6 =	sor.u32 $0x1C03, s25;
	s20 =	simm.s32 $0x8F80;
	s21 =	simm.s32 $0x1  }
0xa: {  	s25 =	simm.s32 $0x6500;
	s8 =	sshll.u32 s4, $0x7;
	s22 =	sshll.u32 s4, $0xB  }
0xb: {  	s4 =	sadd.s32 $0x17C00, s7;
	s23 =	sshrl.u32 s10, $0x1;
	s24 =	sshrl.u32 s11, $0x2  }
0xc: {  	s8 =	sand.u32 $0x380, s8;
	s15 =	ssub.s32 s10, s23;
	s16 =	sadd.s32 s24, s2  }
0xd: {  	s26 =	sadd.s32 s14, s13;
	s29 =	sshrl.u32 s13, $0x3;
	s13 =	simm.s32 $0x3  }
0xe: {  	s14 =	sshrl.u32 @!p0 s17, $0x3;
	s17 =	simm.s32 $0x2780;
	s23 =	simm.s32 $0x6480  }
0xf: {  	s24 =	simm.s32 $0x26C0;
	s5 =	sor.u32 s5, s8;
	s8 =	sadd.s32 s22, s7  }
0x10: {  	s30 =	sshrl.u32 s26, $0x3;
	s31 =	sadd.s32 s12, s29;
	s11 =	smax.u32 s15, $0x1  }
0x11: {  	s15 =	simm.s32 $0x80;
	s22 =	simm.s32 $0x2;
	s5 =	sshrl.u32 s5, $0x3  }
0x12: {  	s26 =	simm.s32 $0x6580;
	s8 =	sadd.s32 $0x5400, s8;
	s9 =	sadd.s32 s5, s7  }
0x13: {  	s10 =	sadd.s32 $0x27000, s31;
	s5 =	sadd.s32 $0x15400, s7;
	s7 =	sadd.s32 $0x65E00, s9  }
0x14: {  	s9 =	sadd.s32 s12, s30;
	s12 =	sshrl.u32 s16, $0x3;
	s16 =	simm.s32 $0x400  }
.LBB2_1:
0x15: {  	[spmem:s12], [sflag:s6] =	dma.local [hbm:s5], $0x2700  }
0x16: {  	_ =	swait.ge [sflag:s13], $0x2700  }
0x17: {  	[sflag:s13] =	ssyncset.done $0x0  }
0x18: {  	s29 =	simm.s32 @!p0 $0x3;
	[sflag:s13] =	ssyncadd.s32 $0xFFFFD900  }
0x19: {  	[spmem:s14], [sflag:s6] =	dma.local @!p0 [hbm:s5], $0x100  }
0x1a: {  	_ =	swait.ge @!p0 [sflag:s29], $0x100  }
0x1b: {  	[sflag:s29] =	ssyncset.done @!p0 $0x0  }
0x1c: {  	[sflag:s29] =	ssyncadd.s32 @!p0 $0xFFFFFF00  }
0x1d: {  	[tilespmem:s3], [sflag:$0x3] =	stream.strided.gather [hbm4b:s7+s15], $0x2780, s16, s15, $0x38;
	[tilespmem:$0x1F000] =	vst v63  }
0x1e: {  	_ =	swait.ge [sflag:s13], $0x2780  }
0x1f: {  	[sflag:s13] =	ssyncset.done $0x0  }
0x20: {  	[sflag:s13] =	ssyncadd.s32 $0xFFFFD880  }
0x21: {  	[tilespmem:s17], [sflag:$0x3] =	stream.linear.gather [hbm4b:s8+s3], $0x3E80, $0x38;
	[tilespmem:$0x1F000] =	vst v63  }
0x22: {  	_ =	swait.ge [sflag:s13], $0x3E80  }
0x23: {  	[sflag:s13] =	ssyncset.done $0x0  }
0x24: {  	[sflag:s13] =	ssyncadd.s32 $0xFFFFC180  }
0x25: {  	[tilespmem:s19], [sflag:$0x1] =	stream.indirect.gather [hbm4b:s4+s18], $0x80, s3, s18, $0xb8;
	[tilespmem:$0x1F000] =	vst v63  }
0x26: {  	_ = 	snop  }
0x27: {  	[tilespmem:s20], [sflag:$0x2] =	stream.indirect.gather [hbm4b:s4+s18], $0x80, s18, s18, $0xb8;
	[tilespmem:$0x1F000] =	vst v63  }
0x28: {  	[bflag:$0x0] =	sbarrier.arrive $0xFFFF  }
0x29: {  	_ =	swait.ge [sflag:s21], $0x2800  }
0x2a: {  	[sflag:s21] =	ssyncset.done $0x0  }
0x2b: {  	s29 =	simm.s32 $0x2780;
	[sflag:s21] =	ssyncadd.s32 $0xFFFFD800  }
0x2c: {  	[spmem:s2] =	stream.indirect.scatter.add.f32 [tilespmem:s19], [sflag:$0x3], $0x80, s29, s18, $0xb8;
	[tilespmem:$0x1F000] =	vst v63  }
0x2d: {  	_ =	swait.ge [sflag:s13], $0x2800  }
0x2e: {  	[sflag:s13] =	ssyncset.done $0x0  }
0x2f: {  	s29 =	simm.s32 $0xA0;
	[sflag:s13] =	ssyncadd.s32 $0xFFFFD800  }
0x30: {  	[tilespmem:s19], [sflag:$0x1] =	stream.indirect.gather [hbm4b:s4+s18], $0x80, s29, s18, $0xb8;
	[tilespmem:$0x1F000] =	vst v63  }
0x31: {  	_ =	swait.ge [sflag:s22], $0x2800  }
0x32: {  	[sflag:s22] =	ssyncset.done $0x0  }
0x33: {  	s29 =	simm.s32 $0x2800;
	[sflag:s22] =	ssyncadd.s32 $0xFFFFD800  }
0x34: {  	[spmem:s2] =	stream.indirect.scatter.add.f32 [tilespmem:s20], [sflag:$0x3], $0x80, s29, s18, $0xb8;
	[tilespmem:$0x1F000] =	vst v63  }
0x35: {  	_ =	swait.ge [sflag:s13], $0x2800  }
0x36: {  	s30 =	simm.s32 $0x400;
	[sflag:s13] =	ssyncset.done $0x0  }
0x37: {  	s31 =	simm.s32 $0x190;
	s29 =	simm.s32 $0xF0;
	[sflag:s13] =	ssyncadd.s32 $0xFFFFD800  }
.LBB2_2:
0x38: {  	[tilespmem:s20], [sflag:$0x2] =	stream.indirect.gather [hbm4b:s4+s18], $0x80, s29, s18, $0xb8;
	[tilespmem:$0x1F000] =	vst v63  }
0x39: {  	s1 =	smov.u32 s30;
	s29 =	smov.u32 s31  }
0x3a: {  	p1 =	sne.s32 s30, $0xF000;
	s30 =	sadd.s32 $0x400, s30;
	_ =	swait.ge [sflag:s21], $0x2800  }
0x3b: {  	s1 =	sshra.s32 s1, $0x2;
	[sflag:s21] =	ssyncset.done $0x0  }
0x3c: {  	s0 =	sadd.s32 $0x2780, s1;
	[sflag:s21] =	ssyncadd.s32 $0xFFFFD800  }
0x3d: {  	[spmem:s2] =	stream.indirect.scatter.add.f32 [tilespmem:s19], [sflag:$0x3], $0x80, s0, s18, $0xb8;
	[tilespmem:$0x1F000] =	vst v63  }
0x3e: {  	_ =	swait.ge [sflag:s13], $0x2800  }
0x3f: {  	[sflag:s13] =	ssyncset.done $0x0  }
0x40: {  	s0 =	sadd.s32 $0xFFFFFFB0, s31;
	[sflag:s13] =	ssyncadd.s32 $0xFFFFD800  }
0x41: {  	[tilespmem:s19], [sflag:$0x1] =	stream.indirect.gather [hbm4b:s4+s18], $0x80, s0, s18, $0xb8;
	[tilespmem:$0x1F000] =	vst v63  }
0x42: {  	_ =	swait.ge [sflag:s22], $0x2800  }
0x43: {  	[sflag:s22] =	ssyncset.done $0x0  }
.Ltmp0:
0x44: {  	s0 =	sadd.s32 $0x2800, s1;
	[sflag:s22] =	ssyncadd.s32 $0xFFFFD800;
	(pc) =	sbr.rel @p1 .LBB2_2-.Ltmp0, $4  }
0x45: {  	[spmem:s2] =	stream.indirect.scatter.add.f32 [tilespmem:s20], [sflag:$0x3], $0x80, s0, s18, $0xb8;
	[tilespmem:$0x1F000] =	vst v63  }
0x46: {  	_ =	swait.ge [sflag:s13], $0x2800  }
0x47: {  	[sflag:s13] =	ssyncset.done $0x0  }
0x48: {  	s31 =	sadd.s32 $0xA0, s31;
	[sflag:s13] =	ssyncadd.s32 $0xFFFFD800  }
0x49: {  	[tilespmem:s20], [sflag:$0x2] =	stream.indirect.gather [hbm4b:s4+s18], $0x80, s29, s18, $0xb8;
	[tilespmem:$0x1F000] =	vst v63  }
0x4a: {  	_ =	swait.ge [sflag:s21], $0x2800  }
0x4b: {  	[sflag:s21] =	ssyncset.done $0x0  }
0x4c: {  	[sflag:s21] =	ssyncadd.s32 $0xFFFFD800  }
0x4d: {  	[spmem:s2] =	stream.indirect.scatter.add.f32 [tilespmem:s19], [sflag:$0x3], $0x80, s23, s18, $0xb8;
	[tilespmem:$0x1F000] =	vst v63  }
0x4e: {  	_ =	swait.ge [sflag:s13], $0x2800  }
0x4f: {  	[sflag:s13] =	ssyncset.done $0x0  }
0x50: {  	[sflag:s13] =	ssyncadd.s32 $0xFFFFD800  }
0x51: {  	[tilespmem:s19], [sflag:$0x1] =	stream.indirect.gather [hbm4b:s4+s18], $0x80, s24, s18, $0xb8;
	[tilespmem:$0x1F000] =	vst v63  }
0x52: {  	_ =	swait.ge [sflag:s22], $0x2800  }
0x53: {  	[sflag:s22] =	ssyncset.done $0x0  }
0x54: {  	[sflag:s22] =	ssyncadd.s32 $0xFFFFD800  }
0x55: {  	[spmem:s2] =	stream.indirect.scatter.add.f32 [tilespmem:s20], [sflag:$0x3], $0x80, s25, s18, $0xb8;
	[tilespmem:$0x1F000] =	vst v63  }
0x56: {  	_ =	swait.ge [sflag:s13], $0x2800  }
0x57: {  	[sflag:s13] =	ssyncset.done $0x0  }
0x58: {  	[sflag:s13] =	ssyncadd.s32 $0xFFFFD800  }
0x59: {  	_ =	swait.ge [sflag:s21], $0x2800  }
0x5a: {  	[sflag:s21] =	ssyncset.done $0x0  }
0x5b: {  	[sflag:s21] =	ssyncadd.s32 $0xFFFFD800  }
0x5c: {  	[spmem:s2] =	stream.indirect.scatter.add.f32 [tilespmem:s19], [sflag:$0x3], $0x80, s26, s18, $0xb8;
	[tilespmem:$0x1F000] =	vst v63  }
0x5d: {  	_ =	swait.ge [sflag:s13], $0x2800  }
0x5e: {  	[sflag:s13] =	ssyncset.done $0x0  }
0x5f: {  	[sflag:s13] =	ssyncadd.s32 $0xFFFFD800  }
0x60: {  	[bflag:$0x0] =	sbarrier.arrive $0xFFFF  }
0x61: {  	[hbm:s9], [sflag:s6] =	dma.local [spmem:s12], $0x2700  }
0x62: {  	s28 =	sadd.s32 $0x1, s28;
	_ =	swait.ge [sflag:s13], $0x2700  }
0x63: {  	p1 =	sne.s32 s28, s11;
	[sflag:s13] =	ssyncset.done $0x0  }
.Ltmp1:
0x64: {  	s0 =	simm.s32 @!p0 $0x3;
	[sflag:s13] =	ssyncadd.s32 $0xFFFFD900;
	(pc) =	sbr.rel @p1 .LBB2_1-.Ltmp1, $4  }
0x65: {  	[hbm:s10], [sflag:s6] =	dma.local @!p0 [spmem:s14], $0x100  }
0x66: {  	_ =	swait.ge @!p0 [sflag:s0], $0x100  }
0x67: {  	[sflag:s0] =	ssyncset.done @!p0 $0x0  }
0x68: {  	[sflag:s0] =	ssyncadd.s32 @!p0 $0xFFFFFF00  }
0x69: {  	_ =	sfence.sel $0x180000  }
0x6a: {  	[bflag:$0x0] =	sbarrier.arrive $0xFFFF  }
0x6b: {  	_ =	strace $0x9000004D  }
0x6c: {  	s0 =	stileid.u32;
	[bflag:$0x2] =	sbarrier.arrive $0xFFFF  }
0x6d: {  	p0 =	sne.s32 s0, $0x0;
	s0 =	rddreg [dreg:$0x2]  }
0x6e: {  	s0 =	sadd.s32 @!p0 $0x100000, s0  }
0x6f: {  	[sflag:s0] =	ssyncadd.tile.s32 @!p0 $0x1;
	_ =	shalt  }
.Lfunc_end2:
_tile_overlayer_lowered:
.L_overlay_start_2:
0x70: {  	(tag) =	ssettag $0x2  }
0x71: {  	s0 =	rddreg [dreg:$0x0];
	s2 =	stileid.u32  }
0x72: {  	s1 =	rddreg [dreg:$0x1];
	p0 =	sne.s32 s2, $0x0  }
0x73: {  	s3 =	rddreg [dreg:$0x2];
	[bflag:$0x3] =	sbarrier.arrive $0xFFFF;
	s2 =	simm.s32 @!p0 $0x1C03  }
0x74: {  	[timem:s3], [sflag:s2] =	dma.local @!p0 [hbm:s0], s1  }
0x75: {  	s0 =	simm.s32 @!p0 $0x3  }
0x76: {  	_ =	swait.ge @!p0 [sflag:s0], s1  }
0x77: {  	s1 =	ssub.s32 @!p0 $0x0, s1;
	[sflag:s0] =	ssyncset.done @!p0 $0x0  }
0x78: {  	[sflag:s0] =	ssyncadd.s32 @!p0 s1  }
0x79: {  	[bflag:$0x3] =	sbarrier.arrive $0xFFFF  }
0x7a: {  	_ =	shalt  }

// kernel: kernel.19.cloned.1.call-start
scs
__scs_entry_jumppad:
0x0: {  	(pc) =	sbr.rel $0x88, $3  }
0x1: {  	(tag) =	ssettag $0x0;
	lr =	simm.s32 $0x1  }
0x2: {  	[smem:$0x3F85] =	sst lr;
	_ =	strace $0xD0000000  }
0x3: {  	_ = 	snop  }
0x4: {  	_ = 	snop  }
0x5: {  	_ = 	snop  }
0x6: {  	_ = 	snop  }
0x7: {  	_ = 	snop  }
__scs_overlays_trampoline_lowered:
0x8: {  	[smem:$0x3F94] =	sst s0  }
0x9: {  	[smem:$0x3F95] =	sst s1  }
0xa: {  	[smem:$0x3F96] =	sst s2  }
0xb: {  	[smem:$0x3F97] =	sst s3  }
0xc: {  	[smem:$0x3F98] =	sst s4  }
0xd: {  	[smem:$0x3F99] =	sst s5  }
0xe: {  	[smem:$0x3F9A] =	sst s6  }
0xf: {  	[smem:$0x3F9B] =	sst s7  }
0x10: {  	[smem:$0x3F9C] =	sst s8  }
0x11: {  	[smem:$0x3F9D] =	sst s9;
	s0 =	simm.s32 @!p0 $0x0  }
0x12: {  	s1 =	sld [smem:$0x3F83];
	s0 =	simm.s32 @p0 $0x1  }
0x13: {  	[smem:$0x3F9E] =	sst s0;
	s0 =	simm.s32 @!p1 $0x0  }
0x14: {  	s2 =	sld [smem:$0x3F82];
	s0 =	simm.s32 @p1 $0x1  }
0x15: {  	[smem:$0x3F9F] =	sst s0;
	s0 =	simm.s32 @!p2 $0x0  }
0x16: {  	s3 =	sld [smem:$0x3FDB];
	s0 =	simm.s32 @p2 $0x1  }
0x17: {  	s4 =	simm.s32 $0x1BF5;
	[smem:$0x3FA1] =	sst s0  }
0x18: {  	s0 =	sld [smem:$0x3F84];
	_ =	swait.ge [sflag:s4], $0x0  }
0x19: {  	s7 =	sld [smem:$0x3F85]  }
0x1a: {  	s8 =	sadd.s32 $0xFFFFE003, lr  }
0x1b: {  	s9 =	sadd.s32 $0xFFFFFEF7, lr;
	s5 =	simm.s32 $0xFFFFFFFF;
	p2 =	slt.u32 s8, $0xFFFFF086  }
0x1c: {  	p1 =	slt.u32 s9, $0xF7A;
	s5 =	simm.s32 @!p2 $0x0  }
0x1d: {  	s5 =	simm.s32 @p1 $0x1;
	p0 =	seq.s32 s7, s2  }
0x1e: {  	s7 =	smul.u32 @!p0 $0xF7A, s2;
	p2 =	seq.s32 @!p0 s5, $0x0  }
0x1f: {  	s9 =	smul.u32 $0xF7A, s1;
	s8 =	simm.s32 @!p0 $0x1BF5;
	p2 =	por !p2, p0  }
0x20: {  	[sflag:s8] =	ssyncset.s32 @!p0 $0xFFFFF086;
	s6 =	sadd.s32 @!p0 s3, s7;
	s7 =	simm.s32 @!p0 $0x108  }
0x21: {  	s3 =	sadd.s32 s3, s9;
	s6 =	sadd.s32 @!p0 $0x88, s6;
	s7 =	simm.s32 @p2 $0x1082  }
0x22: {  	[simem:s7], [sflag:s8] =	dma.local @!p0 [hbm:s6], $0xF7A  }
0x23: {  	s9 =	sor.u32 $0xD0000000, s2;
	s6 =	simm.s32 $0x108;
	_ =	swait.ge @!p0 [sflag:s8], $0x0  }
0x24: {  	s3 =	sadd.s32 $0x88, s3;
	s6 =	simm.s32 @!p1 $0x1082;
	[sflag:s4] =	ssyncset.s32 $0xFFFFF086  }
0x25: {  	[simem:s6], [sflag:s4] =	dma.local [hbm:s3], $0xF7A  }
0x26: {  	[smem:$0x3F85] =	sst s1;
	(tag) =	ssettag s2;
	_ =	strace s9  }
0x27: {  	s1 =	sld [smem:$0x3F95]  }
0x28: {  	s2 =	sld [smem:$0x3F96]  }
0x29: {  	s4 =	sld [smem:$0x3F98]  }
0x2a: {  	p0 =	seq.s32 s5, $0x0;
	s5 =	sld [smem:$0x3F99]  }
0x2b: {  	s6 =	sld [smem:$0x3F9A]  }
0x2c: {  	s7 =	sld [smem:$0x3F9B]  }
0x2d: {  	s3 =	simm.s32 $0x108;
	s8 =	sld [smem:$0x3F9C]  }
0x2e: {  	s3 =	simm.s32 @!p0 $0x1082;
	s9 =	sld [smem:$0x3F9D]  }
0x2f: {  	lr =	sadd.s32 s0, s3;
	s0 =	sld [smem:$0x3F94]  }
0x30: {  	s3 =	sld [smem:$0x3F97]  }
0x31: {  	[smem:$0x3FA0] =	sst s10  }
0x32: {  	s10 =	sld [smem:$0x3F9E];
	_ =	sdelay $0x3  }
0x33: {  	p0 =	seq.s32 s10, $0x1;
	s10 =	sld [smem:$0x3FA0];
	_ =	sdelay $0x3  }
0x34: {  	[smem:$0x3FA0] =	sst s10  }
0x35: {  	s10 =	sld [smem:$0x3F9F];
	_ =	sdelay $0x3  }
0x36: {  	p1 =	seq.s32 s10, $0x1;
	s10 =	sld [smem:$0x3FA0];
	_ =	sdelay $0x3  }
0x37: {  	[smem:$0x3FA0] =	sst s10  }
0x38: {  	s10 =	sld [smem:$0x3FA1]  }
0x39: {  	_ = 	snop;
	(pc) =	sbr.ind lr, $3  }
0x3a: {  	_ = 	snop  }
0x3b: {  	_ = 	snop  }
0x3c: {  	p2 =	seq.s32 s10, $0x1;
	s10 =	sld [smem:$0x3FA0]  }
0x3d: {  	_ =	shalt  }
0x3e: {  	_ =	shalt  }
0x3f: {  	_ =	shalt  }
0x40: {  	_ =	shalt  }
0x41: {  	_ =	shalt  }
0x42: {  	_ =	shalt  }
0x43: {  	_ =	shalt  }
0x44: {  	_ =	shalt  }
0x45: {  	_ =	shalt  }
0x46: {  	_ =	shalt  }
0x47: {  	_ =	shalt  }
0x48: {  	_ =	shalt  }
0x49: {  	_ =	shalt  }
0x4a: {  	_ =	shalt  }
0x4b: {  	_ =	shalt  }
0x4c: {  	_ =	shalt  }
0x4d: {  	_ =	shalt  }
0x4e: {  	_ =	shalt  }
0x4f: {  	_ =	shalt  }
0x50: {  	_ =	shalt  }
0x51: {  	_ =	shalt  }
0x52: {  	_ =	shalt  }
0x53: {  	_ =	shalt  }
0x54: {  	_ =	shalt  }
0x55: {  	_ =	shalt  }
0x56: {  	_ =	shalt  }
0x57: {  	_ =	shalt  }
0x58: {  	_ =	shalt  }
0x59: {  	_ =	shalt  }
0x5a: {  	_ =	shalt  }
0x5b: {  	_ =	shalt  }
0x5c: {  	_ =	shalt  }
0x5d: {  	_ =	shalt  }
0x5e: {  	_ =	shalt  }
0x5f: {  	_ =	shalt  }
0x60: {  	_ =	shalt  }
0x61: {  	_ =	shalt  }
0x62: {  	_ =	shalt  }
0x63: {  	_ =	shalt  }
0x64: {  	_ =	shalt  }
0x65: {  	_ =	shalt  }
0x66: {  	_ =	shalt  }
0x67: {  	_ =	shalt  }
0x68: {  	_ =	shalt  }
0x69: {  	_ =	shalt  }
0x6a: {  	_ =	shalt  }
0x6b: {  	_ =	shalt  }
0x6c: {  	_ =	shalt  }
0x6d: {  	_ =	shalt  }
0x6e: {  	_ =	shalt  }
0x6f: {  	_ =	shalt  }
0x70: {  	_ =	shalt  }
0x71: {  	_ =	shalt  }
0x72: {  	_ =	shalt  }
0x73: {  	_ =	shalt  }
0x74: {  	_ =	shalt  }
0x75: {  	_ =	shalt  }
0x76: {  	_ =	shalt  }
0x77: {  	_ =	shalt  }
0x78: {  	_ =	shalt  }
0x79: {  	_ =	shalt  }
0x7a: {  	_ =	shalt  }
0x7b: {  	_ =	shalt  }
0x7c: {  	_ =	shalt  }
0x7d: {  	_ =	shalt  }
0x7e: {  	_ =	shalt  }
0x7f: {  	_ =	shalt  }
0x80: {  	_ =	shalt  }
0x81: {  	_ =	shalt  }
0x82: {  	_ =	shalt  }
0x83: {  	_ =	shalt  }
0x84: {  	_ =	shalt  }
0x85: {  	_ =	shalt  }
0x86: {  	_ =	shalt  }
0x87: {  	_ =	shalt  }
.Lfunc_end0:
.L_simem_size_0:
called_computation.3_lowered:
.L_overlay_start_0:
0x88: {  	s2 =	sld [smem:$0x3FD9]  }
0x89: {  	s3 =	sld [smem:$0x3FFE];
	_ =	sdelay $0x1  }
0x8a: {  	s1 =	srdreg.scid  }
0x8b: {  	s0 =	sand.u32 $0x1, s1  }
0x8c: {  	s16 =	sshll.u32 s0, $0xA;
	s2 =	sadd.s32 s3, s2  }
0x8d: {  	s2 =	sadd.s32 s2, s16  }
0x8e: {  	[smem:$0x3FAC] =	sst s2  }
0x8f: {  	_ = 	snop  }
0x90: {  	(tm) =	ssettm $0x1  }
0x91: {  	s17 =	sld [smem:$0x3FFB];
	_ =	sdelay $0x3  }
0x92: {  	_ =	strace s17  }
0x93: {  	s2 =	sld [smem:$0x3FFC];
	_ =	sdelay $0x3  }
0x94: {  	_ =	strace s2  }
0x95: {  	s2 =	sld [smem:$0x3FFD];
	_ =	sdelay $0x3  }
0x96: {  	_ =	strace s2  }
0x97: {  	_ =	strace $0x8FFFFFFF  }
0x98: {  	s18 =	sld [smem:$0x3FDB];
	_ =	sdelay $0x1  }
0x99: {  	s19 =	simm.s32 $_scs_section_size  }
0x9a: {  	s4 =	simm.s32 $_size__tile_overlayer_lowered;
	s5 =	simm.s32 $_tile_overlayer_lowered  }
0x9b: {  	s22 =	simm.s32 $0x1BFF;
	s21 =	sshll.u32 s5, $0x1;
	s2 =	sadd.s32 s19, s18  }
0x9c: {  	s6 =	simm.s32 $0x0;
	s20 =	sshll.u32 s4, $0x1;
	s4 =	sadd.s32 s21, s2  }
0x9d: {  	[timem:s6], [sflag:s22] =	dma.local [hbm:s4], s20  }
0x9e: {  	_ =	swait.ge [sflag:s22], s20  }
0x9f: {  	s3 =	ssub.s32 $0x0, s20;
	[sflag:s22] =	ssyncset.done $0x0  }
0xa0: {  	[sflag:s22] =	ssyncadd.s32 s3;
	_ =	sdelay $0x1  }
0xa1: {  	s23 =	simm.s32 $0x1B8B  }
0xa2: {  	_ =	swait.ge [sflag:s23], $0x1  }
0xa3: {  	[sflag:s23] =	ssyncset.done $0x0  }
0xa4: {  	s25 =	simm.s32 $0x1B8E;
	s24 =	sld [smem:$0x3FFE];
	[sflag:s23] =	ssyncadd.s32 $0xFFFFFFFF  }
0xa5: {  	s26 =	simm.s32 $execute0_lowered;
	[smem:$0x3FD2] =	sst s25  }
0xa6: {  	s4 =	sshll.u32 s26, $0x1;
	_ =	strace $0x8000004F;
	[dreg:$0x1] =	wrdreg $0xFFFFFFFF  }
0xa7: {  	s28 =	simm.s32 $_size_execute0_lowered;
	s2 =	sadd.s32 s2, s4;
	[dreg:$0x0] =	wrdreg $0x0  }
0xa8: {  	s4 =	sshll.u32 s28, $0x1;
	[dreg:$0x2] =	wrdreg s2  }
0xa9: {  	[dreg:$0x3] =	wrdreg s4  }
0xaa: {  	[dreg:$0x4] =	wrdreg $0xC0  }
0xab: {  	_ =	task [dreg:s6], $0x5FFFF  }
0xac: {  	[dreg:$0x1] =	wrdreg $0xFFFFFFFF  }
0xad: {  	[dreg:$0x0] =	wrdreg $0x60  }
0xae: {  	[dreg:$0x2] =	wrdreg s24  }
0xaf: {  	[dreg:$0x3] =	wrdreg $0xB7800  }
0xb0: {  	[dreg:$0x4] =	wrdreg $0x9  }
0xb1: {  	_ =	task.clear_ibuf [dreg:s6], $0x5FFFF;
	_ =	strace $0x9000004F  }
0xb2: {  	s29 =	simm.s32 $0x9;
	_ =	strace $0x80000051  }
0xb3: {  	_ =	swait.ge [sflag:s29], $0x1  }
0xb4: {  	[sflag:s29] =	ssyncadd.s32 $0xFFFFFFFF  }
0xb5: {  	_ =	strace $0x90000051  }
0xb6: {  	_ =	sfence  }
0xb7: {  	s30 =	sld [smem:$0x0];
	_ =	sdelay $0x2  }
0xb8: {  	s31 =	sshll.u32 s1, $0xD;
	s1 =	sshrl.u32 s1, $0x2  }
0xb9: {  	s3 =	sand.u32 $0x4000, s31;
	s1 =	sadd.s32 s1, s30  }
0xba: {  	s0 =	sor.u32 s3, s0;
	s1 =	sshll.u32 s1, $0x11  }
0xbb: {  	s0 =	sor.u32 s1, s0  }
0xbc: {  	s0 =	sadd.s32 $0x8F2B, s0  }
0xbd: {  	[sflag:s0] =	ssyncadd.remote.s32 $0x1  }
0xbe: {  	_ =	sfence.sel $0xFFFF  }
0xbf: {  	[dreg:$0x0] =	wrdreg $0xFFFFFFFF;
	(pc) =	sbr.abs _section_cstart, $3  }
0xc0: {  	[dreg:$0x1] =	wrdreg $0xFFFFFFFF  }
0xc1: {  	_ =	task.clear_ibuf [dreg:s6], $0x2FFFF;
	_ =	strace $0x9FFFFFFF  }
0xc2: {  	(tm) =	ssettm $0x7FFFFFFF  }
0xc3: {  	_ =	shalt  }
tec
execute0_lowered:
.L_overlay_start_1:
0x0: {  	(tag) =	ssettag $0x1  }
0x1: {  	s1 =	srdreg.scid;
	s7 =	rddreg [dreg:$0x0]  }
0x2: {  	s0 =	stileid.u32;
	s2 =	rddreg [dreg:$0x1];
	s3 =	simm.s32 $0x0  }
0x3: {  	s18 =	simm.s32 $0x50;
	s19 =	simm.s32 $0x6780;
	s28 =	simm.s32 $0x0  }
0x4: {  	s6 =	sand.u32 $0x1, s1;
	s20 =	sshll.u32 s0, $0x1;
	s21 =	sshrl.u32 s0, $0x2  }
0x5: {  	[smem:$0x7FF] =	sst s3;
	s11 =	smul.u32 $0x4E000, s0;
	s12 =	sadd.s32 $0x6FC00, s7  }
0x6: {  	s25 =	sshll.u32 s0, $0x6;
	s14 =	smul.u32 $0x13800, s0;
	s17 =	sadd.s32 $0x138000, s2  }
0x7: {  	p0 =	sne.s32 s0, $0xF;
	s4 =	sor.u32 s6, s20;
	s5 =	smul.u32 $0x13C00, s21  }
0x8: {  	_ =	strace $0x80000050;
	s10 =	ssub.s32 $0x2, s6;
	s13 =	smul.u32 $0x138800, s6  }
0x9: {  	s6 =	sor.u32 $0x1C03, s25;
	s20 =	simm.s32 $0x8F80;
	s21 =	simm.s32 $0x1  }
0xa: {  	s25 =	simm.s32 $0x6500;
	s8 =	sshll.u32 s4, $0x7;
	s22 =	sshll.u32 s4, $0xB  }
0xb: {  	s4 =	sadd.s32 $0x17C00, s7;
	s23 =	sshrl.u32 s10, $0x1;
	s24 =	sshrl.u32 s11, $0x2  }
0xc: {  	s8 =	sand.u32 $0x380, s8;
	s15 =	ssub.s32 s10, s23;
	s16 =	sadd.s32 s24, s2  }
0xd: {  	s26 =	sadd.s32 s14, s13;
	s29 =	sshrl.u32 s13, $0x3;
	s13 =	simm.s32 $0x3  }
0xe: {  	s14 =	sshrl.u32 @!p0 s17, $0x3;
	s17 =	simm.s32 $0x2780;
	s23 =	simm.s32 $0x6480  }
0xf: {  	s24 =	simm.s32 $0x26C0;
	s5 =	sor.u32 s5, s8;
	s8 =	sadd.s32 s22, s7  }
0x10: {  	s30 =	sshrl.u32 s26, $0x3;
	s31 =	sadd.s32 s12, s29;
	s11 =	smax.u32 s15, $0x1  }
0x11: {  	s15 =	simm.s32 $0x80;
	s22 =	simm.s32 $0x2;
	s5 =	sshrl.u32 s5, $0x3  }
0x12: {  	s26 =	simm.s32 $0x6580;
	s8 =	sadd.s32 $0x5400, s8;
	s9 =	sadd.s32 s5, s7  }
0x13: {  	s10 =	sadd.s32 $0x27000, s31;
	s5 =	sadd.s32 $0x15400, s7;
	s7 =	sadd.s32 $0x65E00, s9  }
0x14: {  	s9 =	sadd.s32 s12, s30;
	s12 =	sshrl.u32 s16, $0x3;
	s16 =	simm.s32 $0x400  }
.LBB2_1:
0x15: {  	[spmem:s12], [sflag:s6] =	dma.local [hbm:s5], $0x2700  }
0x16: {  	_ =	swait.ge [sflag:s13], $0x2700  }
0x17: {  	[sflag:s13] =	ssyncset.done $0x0  }
0x18: {  	s29 =	simm.s32 @!p0 $0x3;
	[sflag:s13] =	ssyncadd.s32 $0xFFFFD900  }
0x19: {  	[spmem:s14], [sflag:s6] =	dma.local @!p0 [hbm:s5], $0x100  }
0x1a: {  	_ =	swait.ge @!p0 [sflag:s29], $0x100  }
0x1b: {  	[sflag:s29] =	ssyncset.done @!p0 $0x0  }
0x1c: {  	[sflag:s29] =	ssyncadd.s32 @!p0 $0xFFFFFF00  }
0x1d: {  	[tilespmem:s3], [sflag:$0x3] =	stream.strided.gather [hbm4b:s7+s15], $0x2780, s16, s15, $0x38;
	[tilespmem:$0x1F000] =	vst v63  }
0x1e: {  	_ =	swait.ge [sflag:s13], $0x2780  }
0x1f: {  	[sflag:s13] =	ssyncset.done $0x0  }
0x20: {  	[sflag:s13] =	ssyncadd.s32 $0xFFFFD880  }
0x21: {  	[tilespmem:s17], [sflag:$0x3] =	stream.linear.gather [hbm4b:s8+s3], $0x3E80, $0x38;
	[tilespmem:$0x1F000] =	vst v63  }
0x22: {  	_ =	swait.ge [sflag:s13], $0x3E80  }
0x23: {  	[sflag:s13] =	ssyncset.done $0x0  }
0x24: {  	[sflag:s13] =	ssyncadd.s32 $0xFFFFC180  }
0x25: {  	[tilespmem:s19], [sflag:$0x1] =	stream.indirect.gather [hbm4b:s4+s18], $0x80, s3, s18, $0xb8;
	[tilespmem:$0x1F000] =	vst v63  }
0x26: {  	_ = 	snop  }
0x27: {  	[tilespmem:s20], [sflag:$0x2] =	stream.indirect.gather [hbm4b:s4+s18], $0x80, s18, s18, $0xb8;
	[tilespmem:$0x1F000] =	vst v63  }
0x28: {  	[bflag:$0x0] =	sbarrier.arrive $0xFFFF  }
0x29: {  	_ =	swait.ge [sflag:s21], $0x2800  }
0x2a: {  	[sflag:s21] =	ssyncset.done $0x0  }
0x2b: {  	s29 =	simm.s32 $0x2780;
	[sflag:s21] =	ssyncadd.s32 $0xFFFFD800  }
0x2c: {  	[spmem:s2] =	stream.indirect.scatter.add.f32 [tilespmem:s19], [sflag:$0x3], $0x80, s29, s18, $0xb8;
	[tilespmem:$0x1F000] =	vst v63  }
0x2d: {  	_ =	swait.ge [sflag:s13], $0x2800  }
0x2e: {  	[sflag:s13] =	ssyncset.done $0x0  }
0x2f: {  	s29 =	simm.s32 $0xA0;
	[sflag:s13] =	ssyncadd.s32 $0xFFFFD800  }
0x30: {  	[tilespmem:s19], [sflag:$0x1] =	stream.indirect.gather [hbm4b:s4+s18], $0x80, s29, s18, $0xb8;
	[tilespmem:$0x1F000] =	vst v63  }
0x31: {  	_ =	swait.ge [sflag:s22], $0x2800  }
0x32: {  	[sflag:s22] =	ssyncset.done $0x0  }
0x33: {  	s29 =	simm.s32 $0x2800;
	[sflag:s22] =	ssyncadd.s32 $0xFFFFD800  }
0x34: {  	[spmem:s2] =	stream.indirect.scatter.add.f32 [tilespmem:s20], [sflag:$0x3], $0x80, s29, s18, $0xb8;
	[tilespmem:$0x1F000] =	vst v63  }
0x35: {  	_ =	swait.ge [sflag:s13], $0x2800  }
0x36: {  	s30 =	simm.s32 $0x400;
	[sflag:s13] =	ssyncset.done $0x0  }
0x37: {  	s31 =	simm.s32 $0x190;
	s29 =	simm.s32 $0xF0;
	[sflag:s13] =	ssyncadd.s32 $0xFFFFD800  }
.LBB2_2:
0x38: {  	[tilespmem:s20], [sflag:$0x2] =	stream.indirect.gather [hbm4b:s4+s18], $0x80, s29, s18, $0xb8;
	[tilespmem:$0x1F000] =	vst v63  }
0x39: {  	s1 =	smov.u32 s30;
	s29 =	smov.u32 s31  }
0x3a: {  	p1 =	sne.s32 s30, $0xF000;
	s30 =	sadd.s32 $0x400, s30;
	_ =	swait.ge [sflag:s21], $0x2800  }
0x3b: {  	s1 =	sshra.s32 s1, $0x2;
	[sflag:s21] =	ssyncset.done $0x0  }
0x3c: {  	s0 =	sadd.s32 $0x2780, s1;
	[sflag:s21] =	ssyncadd.s32 $0xFFFFD800  }
0x3d: {  	[spmem:s2] =	stream.indirect.scatter.add.f32 [tilespmem:s19], [sflag:$0x3], $0x80, s0, s18, $0xb8;
	[tilespmem:$0x1F000] =	vst v63  }
0x3e: {  	_ =	swait.ge [sflag:s13], $0x2800  }
0x3f: {  	[sflag:s13] =	ssyncset.done $0x0  }
0x40: {  	s0 =	sadd.s32 $0xFFFFFFB0, s31;
	[sflag:s13] =	ssyncadd.s32 $0xFFFFD800  }
0x41: {  	[tilespmem:s19], [sflag:$0x1] =	stream.indirect.gather [hbm4b:s4+s18], $0x80, s0, s18, $0xb8;
	[tilespmem:$0x1F000] =	vst v63  }
0x42: {  	_ =	swait.ge [sflag:s22], $0x2800  }
0x43: {  	[sflag:s22] =	ssyncset.done $0x0  }
.Ltmp0:
0x44: {  	s0 =	sadd.s32 $0x2800, s1;
	[sflag:s22] =	ssyncadd.s32 $0xFFFFD800;
	(pc) =	sbr.rel @p1 .LBB2_2-.Ltmp0, $4  }
0x45: {  	[spmem:s2] =	stream.indirect.scatter.add.f32 [tilespmem:s20], [sflag:$0x3], $0x80, s0, s18, $0xb8;
	[tilespmem:$0x1F000] =	vst v63  }
0x46: {  	_ =	swait.ge [sflag:s13], $0x2800  }
0x47: {  	[sflag:s13] =	ssyncset.done $0x0  }
0x48: {  	s31 =	sadd.s32 $0xA0, s31;
	[sflag:s13] =	ssyncadd.s32 $0xFFFFD800  }
0x49: {  	[tilespmem:s20], [sflag:$0x2] =	stream.indirect.gather [hbm4b:s4+s18], $0x80, s29, s18, $0xb8;
	[tilespmem:$0x1F000] =	vst v63  }
0x4a: {  	_ =	swait.ge [sflag:s21], $0x2800  }
0x4b: {  	[sflag:s21] =	ssyncset.done $0x0  }
0x4c: {  	[sflag:s21] =	ssyncadd.s32 $0xFFFFD800  }
0x4d: {  	[spmem:s2] =	stream.indirect.scatter.add.f32 [tilespmem:s19], [sflag:$0x3], $0x80, s23, s18, $0xb8;
	[tilespmem:$0x1F000] =	vst v63  }
0x4e: {  	_ =	swait.ge [sflag:s13], $0x2800  }
0x4f: {  	[sflag:s13] =	ssyncset.done $0x0  }
0x50: {  	[sflag:s13] =	ssyncadd.s32 $0xFFFFD800  }
0x51: {  	[tilespmem:s19], [sflag:$0x1] =	stream.indirect.gather [hbm4b:s4+s18], $0x80, s24, s18, $0xb8;
	[tilespmem:$0x1F000] =	vst v63  }
0x52: {  	_ =	swait.ge [sflag:s22], $0x2800  }
0x53: {  	[sflag:s22] =	ssyncset.done $0x0  }
0x54: {  	[sflag:s22] =	ssyncadd.s32 $0xFFFFD800  }
0x55: {  	[spmem:s2] =	stream.indirect.scatter.add.f32 [tilespmem:s20], [sflag:$0x3], $0x80, s25, s18, $0xb8;
	[tilespmem:$0x1F000] =	vst v63  }
0x56: {  	_ =	swait.ge [sflag:s13], $0x2800  }
0x57: {  	[sflag:s13] =	ssyncset.done $0x0  }
0x58: {  	[sflag:s13] =	ssyncadd.s32 $0xFFFFD800  }
0x59: {  	_ =	swait.ge [sflag:s21], $0x2800  }
0x5a: {  	[sflag:s21] =	ssyncset.done $0x0  }
0x5b: {  	[sflag:s21] =	ssyncadd.s32 $0xFFFFD800  }
0x5c: {  	[spmem:s2] =	stream.indirect.scatter.add.f32 [tilespmem:s19], [sflag:$0x3], $0x80, s26, s18, $0xb8;
	[tilespmem:$0x1F000] =	vst v63  }
0x5d: {  	_ =	swait.ge [sflag:s13], $0x2800  }
0x5e: {  	[sflag:s13] =	ssyncset.done $0x0  }
0x5f: {  	[sflag:s13] =	ssyncadd.s32 $0xFFFFD800  }
0x60: {  	[bflag:$0x0] =	sbarrier.arrive $0xFFFF  }
0x61: {  	[hbm:s9], [sflag:s6] =	dma.local [spmem:s12], $0x2700  }
0x62: {  	s28 =	sadd.s32 $0x1, s28;
	_ =	swait.ge [sflag:s13], $0x2700  }
0x63: {  	p1 =	sne.s32 s28, s11;
	[sflag:s13] =	ssyncset.done $0x0  }
.Ltmp1:
0x64: {  	s0 =	simm.s32 @!p0 $0x3;
	[sflag:s13] =	ssyncadd.s32 $0xFFFFD900;
	(pc) =	sbr.rel @p1 .LBB2_1-.Ltmp1, $4  }
0x65: {  	[hbm:s10], [sflag:s6] =	dma.local @!p0 [spmem:s14], $0x100  }
0x66: {  	_ =	swait.ge @!p0 [sflag:s0], $0x100  }
0x67: {  	[sflag:s0] =	ssyncset.done @!p0 $0x0  }
0x68: {  	[sflag:s0] =	ssyncadd.s32 @!p0 $0xFFFFFF00  }
0x69: {  	_ =	sfence.sel $0x180000  }
0x6a: {  	[bflag:$0x0] =	sbarrier.arrive $0xFFFF  }
0x6b: {  	_ =	strace $0x90000050  }
0x6c: {  	s0 =	stileid.u32;
	[bflag:$0x2] =	sbarrier.arrive $0xFFFF  }
0x6d: {  	p0 =	sne.s32 s0, $0x0;
	s0 =	rddreg [dreg:$0x2]  }
0x6e: {  	s0 =	sadd.s32 @!p0 $0x100000, s0  }
0x6f: {  	[sflag:s0] =	ssyncadd.tile.s32 @!p0 $0x1;
	_ =	shalt  }
.Lfunc_end2:
_tile_overlayer_lowered:
.L_overlay_start_2:
0x70: {  	(tag) =	ssettag $0x2  }
0x71: {  	s0 =	rddreg [dreg:$0x0];
	s2 =	stileid.u32  }
0x72: {  	s1 =	rddreg [dreg:$0x1];
	p0 =	sne.s32 s2, $0x0  }
0x73: {  	s3 =	rddreg [dreg:$0x2];
	[bflag:$0x3] =	sbarrier.arrive $0xFFFF;
	s2 =	simm.s32 @!p0 $0x1C03  }
0x74: {  	[timem:s3], [sflag:s2] =	dma.local @!p0 [hbm:s0], s1  }
0x75: {  	s0 =	simm.s32 @!p0 $0x3  }
0x76: {  	_ =	swait.ge @!p0 [sflag:s0], s1  }
0x77: {  	s1 =	ssub.s32 @!p0 $0x0, s1;
	[sflag:s0] =	ssyncset.done @!p0 $0x0  }
0x78: {  	[sflag:s0] =	ssyncadd.s32 @!p0 s1  }
0x79: {  	[bflag:$0x3] =	sbarrier.arrive $0xFFFF  }
0x7a: {  	_ =	shalt  }

</sc_bundles>
